<compile_context>
chip_gen: v7x
topology: tpu7x:2x2x1
jax: 0.10.2.dev20260603
libtpu: 0.0.44.dev20260713+nightly
codegen_flags: <defaults>
</compile_context>

<pallas_src>
import jax
import jax.numpy as jnp
from jax import lax
from jax.experimental import pallas as pl
from jax.experimental.pallas import tpu as pltpu
from jax.experimental.pallas import tpu_sc as plsc

B, T, D = 4, 2048, 1024
NC, NS, L = 2, 16, 16
NW = NC * NS
TPW = T // NW
CT = 16
NCH = TPW // CT
NK = NCH * B
NSLOT = 5
AHEAD = 3


def _sc_body(x_hbm, pos_hbm, out_hbm, xbuf, pos_buf, sin, sin2, sout, sout2,
             spos):
    wid = lax.axis_index("s") * NC + lax.axis_index("c")
    t_base = wid * TPW

    def fire_pos(c, slot):
        pltpu.async_copy(
            pos_hbm.at[pl.ds(t_base + c * CT, CT)], pos_buf.at[slot],
            spos.at[slot])

    H = CT // 2

    def fire_in(k, slot):
        c, b = k // B, k % B
        t0 = t_base + c * CT
        pltpu.async_copy(
            x_hbm.at[b, pl.ds(t0, H)], xbuf.at[slot, pl.ds(0, H)],
            sin.at[slot])
        pltpu.async_copy(
            x_hbm.at[b, pl.ds(t0 + H, H)], xbuf.at[slot, pl.ds(H, H)],
            sin2.at[slot])

    def wait_in(slot):
        pltpu.make_async_copy(
            x_hbm.at[0, pl.ds(0, H)], xbuf.at[slot, pl.ds(0, H)],
            sin.at[slot]).wait()
        pltpu.make_async_copy(
            x_hbm.at[0, pl.ds(0, H)], xbuf.at[slot, pl.ds(H, H)],
            sin2.at[slot]).wait()

    def fire_out(k, slot):
        c, b = k // B, k % B
        t0 = t_base + c * CT
        pltpu.async_copy(
            xbuf.at[slot, pl.ds(0, H)], out_hbm.at[b, pl.ds(t0, H)],
            sout.at[slot])
        pltpu.async_copy(
            xbuf.at[slot, pl.ds(H, H)], out_hbm.at[b, pl.ds(t0 + H, H)],
            sout2.at[slot])

    def wait_out(slot):
        pltpu.make_async_copy(
            xbuf.at[slot, pl.ds(0, H)], out_hbm.at[0, pl.ds(0, H)],
            sout.at[slot]).wait()
        pltpu.make_async_copy(
            xbuf.at[slot, pl.ds(H, H)], out_hbm.at[0, pl.ds(0, H)],
            sout2.at[slot]).wait()

    def wait_pos(slot):
        pltpu.make_async_copy(
            pos_hbm.at[pl.ds(0, CT)], pos_buf.at[slot], spos.at[slot]).wait()

    fire_pos(0, 0)
    for k in range(AHEAD):
        fire_in(k, k % NSLOT)

    def body(k, _):
        c, b = k // B, k % B
        s = k % NSLOT
        pc = c % 2

        @pl.when(b == 0)
        def _():
            wait_pos(pc)

            @pl.when(c + 1 < NCH)
            def _():
                fire_pos(c + 1, (c + 1) % 2)

        wait_in(s)

        k2 = k + AHEAD

        @pl.when(k2 < NK)
        def _():
            s2 = k2 % NSLOT

            @pl.when(k2 >= NSLOT)
            def _():
                wait_out(s2)

            fire_in(k2, s2)

        @plsc.parallel_loop(0, CT, 1, unroll=2)
        def _rows(i):
            for j in range(D // L):
                v = pos_buf[pc, i, pl.ds(j * L, L)]
                plsc.addupdate(xbuf.at[s, i, pl.ds(j * L, L)], v)

        fire_out(k, s)

        return 0

    lax.fori_loop(0, NK, body, 0)
    for s in range(NSLOT):
        wait_out(s)


def _sc_kernel(x, pos_table):
    mesh = plsc.VectorSubcoreMesh(core_axis_name="c", subcore_axis_name="s")
    f = pl.kernel(
        _sc_body,
        out_type=jax.ShapeDtypeStruct((B, T, D), jnp.float32),
        mesh=mesh,
        scratch_types=[
            pltpu.VMEM((NSLOT, CT, D), jnp.float32),
            pltpu.VMEM((2, CT, D), jnp.float32),
            pltpu.SemaphoreType.DMA((NSLOT,)),
            pltpu.SemaphoreType.DMA((NSLOT,)),
            pltpu.SemaphoreType.DMA((NSLOT,)),
            pltpu.SemaphoreType.DMA((NSLOT,)),
            pltpu.SemaphoreType.DMA((2,)),
        ],
    )
    return f(x, pos_table)


def kernel(x, pos_table):
    return _sc_kernel(x, pos_table)

# --- scband reference (transcript-rebuilt; emitter-appended) ---
"""Pipeline reference for scband-token-and-position-embedding-68719477154 (READ-ONLY COPY).

The authoritative reference and input builder live on the scoring server;
editing this copy changes nothing except your own understanding.
"""

import jax, jax.numpy as jnp
import numpy as np

MAXLEN = 2048
D_MODEL = 1024

def setup_inputs(seed: int = 0) -> dict:
    key = jax.random.key(seed)
    k1, k2 = jax.random.split(key)
    x = jax.random.normal(k1, (4, MAXLEN, D_MODEL), dtype=jnp.float32)
    pos_table = jax.random.normal(k2, (MAXLEN, D_MODEL), dtype=jnp.float32) * 0.02
    return {"x": x, "pos_table": pos_table}

def reference(x, pos_table):
    positions = jnp.arange(0, MAXLEN, 1)
    pos = jnp.take(pos_table, positions, axis=0)
    x = jnp.reshape(x, (-1, MAXLEN, D_MODEL))
    out = x + pos
    return out

if __name__ == "__main__":
    import jax
    _d = setup_inputs()
    print(jax.jit(kernel)(*tuple(_d.values())))

</pallas_src>

<mosaic_0001>
#map = affine_map<(d0, d1) -> (0, 0, 0)>
#map1 = affine_map<(d0, d1) -> (0, 0)>
module attributes {stable_mosaic.version = 14 : i64} {
  func.func @_sc_body(%arg0: i32, %arg1: i32, %arg2: memref<4x2048x1024xf32, #tpu.memory_space<hbm>>, %arg3: memref<2048x1024xf32, #tpu.memory_space<hbm>>, %arg4: memref<4x2048x1024xf32, #tpu.memory_space<hbm>>, %arg5: memref<5x16x1024xf32, #tpu.memory_space<vmem>>, %arg6: memref<2x16x1024xf32, #tpu.memory_space<vmem>>, %arg7: memref<5x!tpu.dma_semaphore, #tpu.memory_space<semaphore_mem>>, %arg8: memref<5x!tpu.dma_semaphore, #tpu.memory_space<semaphore_mem>>, %arg9: memref<5x!tpu.dma_semaphore, #tpu.memory_space<semaphore_mem>>, %arg10: memref<5x!tpu.dma_semaphore, #tpu.memory_space<semaphore_mem>>, %arg11: memref<2x!tpu.dma_semaphore, #tpu.memory_space<semaphore_mem>>) attributes {dimension_semantics = [#tpu.dimension_semantics<core_parallel>, #tpu.dimension_semantics<subcore_parallel>], iteration_bounds = array<i64: 2, 16>, scalar_prefetch = 0 : i64, scratch_operands = 7 : i64, tpu.core_type = #tpu.core_type<sc_vector_subcore>, window_params = [{transform_indices = #map}, {transform_indices = #map1}, {transform_indices = #map}]} {
    %mul3A = arith.constant 2 : i32
    %mul3A_0 = arith.muli %arg1, %mul3A : i32
    %add3A = arith.addi %mul3A_0, %arg0 : i32
    %mul3A_1 = arith.constant 64 : i32
    %mul3A_2 = arith.muli %add3A, %mul3A_1 : i32
    %add3A_3 = arith.constant 0 : i32
    %add3A_4 = arith.addi %mul3A_2, %add3A_3 : i32
    %dma_start3A = arith.constant 0 : i32
    %dma_start3A_5 = arith.constant 0 : i32
    %dma_start3A_6 = arith.constant 0 : i32
    %dma_start3A_7 = arith.constant 0 : i32
    %dma_start3A_8 = tpu.memref_slice %arg6[%dma_start3A, %dma_start3A_6, %dma_start3A_7] : memref<2x16x1024xf32, #tpu.memory_space<vmem>> -> memref<1x16x1024xf32, #tpu.memory_space<vmem>>
    %dma_start3A_9 = tpu.memref_squeeze %dma_start3A_8 : memref<1x16x1024xf32, #tpu.memory_space<vmem>> -> memref<16x1024xf32, #tpu.memory_space<vmem>>
    %dma_start3A_10 = arith.constant 0 : i32
    %dma_start3A_11 = tpu.memref_slice %arg3[%add3A_4, %dma_start3A_10] : memref<2048x1024xf32, #tpu.memory_space<hbm>> -> memref<16x1024xf32, #tpu.memory_space<hbm>>
    %dma_start3A_12 = tpu.memref_slice %arg11[%dma_start3A_5] : memref<2x!tpu.dma_semaphore, #tpu.memory_space<semaphore_mem>> -> memref<1x!tpu.dma_semaphore, #tpu.memory_space<semaphore_mem>>
    %dma_start3A_13 = tpu.memref_squeeze %dma_start3A_12 : memref<1x!tpu.dma_semaphore, #tpu.memory_space<semaphore_mem>> -> memref<!tpu.dma_semaphore, #tpu.memory_space<semaphore_mem>>
    %dma_start3A_14 = arith.constant 0 : i32
    %dma_start3A_15 = arith.constant 0 : i32
    %dma_start3A_16 = tpu.memref_slice %arg6[%dma_start3A, %dma_start3A_14, %dma_start3A_15] : memref<2x16x1024xf32, #tpu.memory_space<vmem>> -> memref<1x16x1024xf32, #tpu.memory_space<vmem>>
    %dma_start3A_17 = tpu.memref_squeeze %dma_start3A_16 : memref<1x16x1024xf32, #tpu.memory_space<vmem>> -> memref<16x1024xf32, #tpu.memory_space<vmem>>
    %dma_start3A_18 = arith.constant 0 : i32
    %dma_start3A_19 = tpu.memref_slice %arg3[%add3A_4, %dma_start3A_18] : memref<2048x1024xf32, #tpu.memory_space<hbm>> -> memref<16x1024xf32, #tpu.memory_space<hbm>>
    tpu.enqueue_dma source(%dma_start3A_19 : memref<16x1024xf32, #tpu.memory_space<hbm>>) target(%dma_start3A_17 : memref<16x1024xf32, #tpu.memory_space<vmem>>) target_semaphore(%dma_start3A_13 : memref<!tpu.dma_semaphore, #tpu.memory_space<semaphore_mem>>)
    %add3A_20 = arith.constant 0 : i32
    %add3A_21 = arith.addi %mul3A_2, %add3A_20 : i32
    %dma_start3A_22 = arith.constant 0 : i32
    %dma_start3A_23 = arith.constant 0 : i32
    %dma_start3A_24 = arith.constant 0 : i32
    %dma_start3A_25 = arith.constant 0 : i32
    %dma_start3A_26 = arith.constant 0 : i32
    %dma_start3A_27 = tpu.memref_slice %arg5[%dma_start3A_23, %dma_start3A_25, %dma_start3A_26] : memref<5x16x1024xf32, #tpu.memory_space<vmem>> -> memref<1x8x1024xf32, #tpu.memory_space<vmem>>
    %dma_start3A_28 = tpu.memref_squeeze %dma_start3A_27 : memref<1x8x1024xf32, #tpu.memory_space<vmem>> -> memref<8x1024xf32, #tpu.memory_space<vmem>>
    %dma_start3A_29 = arith.constant 0 : i32
    %dma_start3A_30 = tpu.memref_slice %arg2[%dma_start3A_22, %add3A_21, %dma_start3A_29] : memref<4x2048x1024xf32, #tpu.memory_space<hbm>> -> memref<1x8x1024xf32, #tpu.memory_space<hbm>>
    %dma_start3A_31 = tpu.memref_squeeze %dma_start3A_30 : memref<1x8x1024xf32, #tpu.memory_space<hbm>> -> memref<8x1024xf32, #tpu.memory_space<hbm>>
    %dma_start3A_32 = tpu.memref_slice %arg7[%dma_start3A_24] : memref<5x!tpu.dma_semaphore, #tpu.memory_space<semaphore_mem>> -> memref<1x!tpu.dma_semaphore, #tpu.memory_space<semaphore_mem>>
    %dma_start3A_33 = tpu.memref_squeeze %dma_start3A_32 : memref<1x!tpu.dma_semaphore, #tpu.memory_space<semaphore_mem>> -> memref<!tpu.dma_semaphore, #tpu.memory_space<semaphore_mem>>
    %dma_start3A_34 = arith.constant 0 : i32
    %dma_start3A_35 = arith.constant 0 : i32
    %dma_start3A_36 = tpu.memref_slice %arg5[%dma_start3A_23, %dma_start3A_34, %dma_start3A_35] : memref<5x16x1024xf32, #tpu.memory_space<vmem>> -> memref<1x8x1024xf32, #tpu.memory_space<vmem>>
    %dma_start3A_37 = tpu.memref_squeeze %dma_start3A_36 : memref<1x8x1024xf32, #tpu.memory_space<vmem>> -> memref<8x1024xf32, #tpu.memory_space<vmem>>
    %dma_start3A_38 = arith.constant 0 : i32
    %dma_start3A_39 = tpu.memref_slice %arg2[%dma_start3A_22, %add3A_21, %dma_start3A_38] : memref<4x2048x1024xf32, #tpu.memory_space<hbm>> -> memref<1x8x1024xf32, #tpu.memory_space<hbm>>
    %dma_start3A_40 = tpu.memref_squeeze %dma_start3A_39 : memref<1x8x1024xf32, #tpu.memory_space<hbm>> -> memref<8x1024xf32, #tpu.memory_space<hbm>>
    tpu.enqueue_dma source(%dma_start3A_40 : memref<8x1024xf32, #tpu.memory_space<hbm>>) target(%dma_start3A_37 : memref<8x1024xf32, #tpu.memory_space<vmem>>) target_semaphore(%dma_start3A_33 : memref<!tpu.dma_semaphore, #tpu.memory_space<semaphore_mem>>)
    %add3A_41 = arith.constant 8 : i32
    %add3A_42 = arith.addi %add3A_21, %add3A_41 : i32
    %dma_start3A_43 = arith.constant 0 : i32
    %dma_start3A_44 = arith.constant 0 : i32
    %dma_start3A_45 = arith.constant 0 : i32
    %dma_start3A_46 = arith.constant 8 : i32
    %dma_start3A_47 = arith.constant 0 : i32
    %dma_start3A_48 = tpu.memref_slice %arg5[%dma_start3A_44, %dma_start3A_46, %dma_start3A_47] : memref<5x16x1024xf32, #tpu.memory_space<vmem>> -> memref<1x8x1024xf32, #tpu.memory_space<vmem>>
    %dma_start3A_49 = tpu.memref_squeeze %dma_start3A_48 : memref<1x8x1024xf32, #tpu.memory_space<vmem>> -> memref<8x1024xf32, #tpu.memory_space<vmem>>
    %dma_start3A_50 = arith.constant 0 : i32
    %dma_start3A_51 = tpu.memref_slice %arg2[%dma_start3A_43, %add3A_42, %dma_start3A_50] : memref<4x2048x1024xf32, #tpu.memory_space<hbm>> -> memref<1x8x1024xf32, #tpu.memory_space<hbm>>
    %dma_start3A_52 = tpu.memref_squeeze %dma_start3A_51 : memref<1x8x1024xf32, #tpu.memory_space<hbm>> -> memref<8x1024xf32, #tpu.memory_space<hbm>>
    %dma_start3A_53 = tpu.memref_slice %arg8[%dma_start3A_45] : memref<5x!tpu.dma_semaphore, #tpu.memory_space<semaphore_mem>> -> memref<1x!tpu.dma_semaphore, #tpu.memory_space<semaphore_mem>>
    %dma_start3A_54 = tpu.memref_squeeze %dma_start3A_53 : memref<1x!tpu.dma_semaphore, #tpu.memory_space<semaphore_mem>> -> memref<!tpu.dma_semaphore, #tpu.memory_space<semaphore_mem>>
    %dma_start3A_55 = arith.constant 8 : i32
    %dma_start3A_56 = arith.constant 0 : i32
    %dma_start3A_57 = tpu.memref_slice %arg5[%dma_start3A_44, %dma_start3A_55, %dma_start3A_56] : memref<5x16x1024xf32, #tpu.memory_space<vmem>> -> memref<1x8x1024xf32, #tpu.memory_space<vmem>>
    %dma_start3A_58 = tpu.memref_squeeze %dma_start3A_57 : memref<1x8x1024xf32, #tpu.memory_space<vmem>> -> memref<8x1024xf32, #tpu.memory_space<vmem>>
    %dma_start3A_59 = arith.constant 0 : i32
    %dma_start3A_60 = tpu.memref_slice %arg2[%dma_start3A_43, %add3A_42, %dma_start3A_59] : memref<4x2048x1024xf32, #tpu.memory_space<hbm>> -> memref<1x8x1024xf32, #tpu.memory_space<hbm>>
    %dma_start3A_61 = tpu.memref_squeeze %dma_start3A_60 : memref<1x8x1024xf32, #tpu.memory_space<hbm>> -> memref<8x1024xf32, #tpu.memory_space<hbm>>
    tpu.enqueue_dma source(%dma_start3A_61 : memref<8x1024xf32, #tpu.memory_space<hbm>>) target(%dma_start3A_58 : memref<8x1024xf32, #tpu.memory_space<vmem>>) target_semaphore(%dma_start3A_54 : memref<!tpu.dma_semaphore, #tpu.memory_space<semaphore_mem>>)
    %add3A_62 = arith.constant 0 : i32
    %add3A_63 = arith.addi %mul3A_2, %add3A_62 : i32
    %dma_start3A_64 = arith.constant 1 : i32
    %dma_start3A_65 = arith.constant 1 : i32
    %dma_start3A_66 = arith.constant 1 : i32
    %dma_start3A_67 = arith.constant 0 : i32
    %dma_start3A_68 = arith.constant 0 : i32
    %dma_start3A_69 = tpu.memref_slice %arg5[%dma_start3A_65, %dma_start3A_67, %dma_start3A_68] : memref<5x16x1024xf32, #tpu.memory_space<vmem>> -> memref<1x8x1024xf32, #tpu.memory_space<vmem>>
    %dma_start3A_70 = tpu.memref_squeeze %dma_start3A_69 : memref<1x8x1024xf32, #tpu.memory_space<vmem>> -> memref<8x1024xf32, #tpu.memory_space<vmem>>
    %dma_start3A_71 = arith.constant 0 : i32
    %dma_start3A_72 = tpu.memref_slice %arg2[%dma_start3A_64, %add3A_63, %dma_start3A_71] : memref<4x2048x1024xf32, #tpu.memory_space<hbm>> -> memref<1x8x1024xf32, #tpu.memory_space<hbm>>
    %dma_start3A_73 = tpu.memref_squeeze %dma_start3A_72 : memref<1x8x1024xf32, #tpu.memory_space<hbm>> -> memref<8x1024xf32, #tpu.memory_space<hbm>>
    %dma_start3A_74 = tpu.memref_slice %arg7[%dma_start3A_66] : memref<5x!tpu.dma_semaphore, #tpu.memory_space<semaphore_mem>> -> memref<1x!tpu.dma_semaphore, #tpu.memory_space<semaphore_mem>>
    %dma_start3A_75 = tpu.memref_squeeze %dma_start3A_74 : memref<1x!tpu.dma_semaphore, #tpu.memory_space<semaphore_mem>> -> memref<!tpu.dma_semaphore, #tpu.memory_space<semaphore_mem>>
    %dma_start3A_76 = arith.constant 0 : i32
    %dma_start3A_77 = arith.constant 0 : i32
    %dma_start3A_78 = tpu.memref_slice %arg5[%dma_start3A_65, %dma_start3A_76, %dma_start3A_77] : memref<5x16x1024xf32, #tpu.memory_space<vmem>> -> memref<1x8x1024xf32, #tpu.memory_space<vmem>>
    %dma_start3A_79 = tpu.memref_squeeze %dma_start3A_78 : memref<1x8x1024xf32, #tpu.memory_space<vmem>> -> memref<8x1024xf32, #tpu.memory_space<vmem>>
    %dma_start3A_80 = arith.constant 0 : i32
    %dma_start3A_81 = tpu.memref_slice %arg2[%dma_start3A_64, %add3A_63, %dma_start3A_80] : memref<4x2048x1024xf32, #tpu.memory_space<hbm>> -> memref<1x8x1024xf32, #tpu.memory_space<hbm>>
    %dma_start3A_82 = tpu.memref_squeeze %dma_start3A_81 : memref<1x8x1024xf32, #tpu.memory_space<hbm>> -> memref<8x1024xf32, #tpu.memory_space<hbm>>
    tpu.enqueue_dma source(%dma_start3A_82 : memref<8x1024xf32, #tpu.memory_space<hbm>>) target(%dma_start3A_79 : memref<8x1024xf32, #tpu.memory_space<vmem>>) target_semaphore(%dma_start3A_75 : memref<!tpu.dma_semaphore, #tpu.memory_space<semaphore_mem>>)
    %add3A_83 = arith.constant 8 : i32
    %add3A_84 = arith.addi %add3A_63, %add3A_83 : i32
    %dma_start3A_85 = arith.constant 1 : i32
    %dma_start3A_86 = arith.constant 1 : i32
    %dma_start3A_87 = arith.constant 1 : i32
    %dma_start3A_88 = arith.constant 8 : i32
    %dma_start3A_89 = arith.constant 0 : i32
    %dma_start3A_90 = tpu.memref_slice %arg5[%dma_start3A_86, %dma_start3A_88, %dma_start3A_89] : memref<5x16x1024xf32, #tpu.memory_space<vmem>> -> memref<1x8x1024xf32, #tpu.memory_space<vmem>>
    %dma_start3A_91 = tpu.memref_squeeze %dma_start3A_90 : memref<1x8x1024xf32, #tpu.memory_space<vmem>> -> memref<8x1024xf32, #tpu.memory_space<vmem>>
    %dma_start3A_92 = arith.constant 0 : i32
    %dma_start3A_93 = tpu.memref_slice %arg2[%dma_start3A_85, %add3A_84, %dma_start3A_92] : memref<4x2048x1024xf32, #tpu.memory_space<hbm>> -> memref<1x8x1024xf32, #tpu.memory_space<hbm>>
    %dma_start3A_94 = tpu.memref_squeeze %dma_start3A_93 : memref<1x8x1024xf32, #tpu.memory_space<hbm>> -> memref<8x1024xf32, #tpu.memory_space<hbm>>
    %dma_start3A_95 = tpu.memref_slice %arg8[%dma_start3A_87] : memref<5x!tpu.dma_semaphore, #tpu.memory_space<semaphore_mem>> -> memref<1x!tpu.dma_semaphore, #tpu.memory_space<semaphore_mem>>
    %dma_start3A_96 = tpu.memref_squeeze %dma_start3A_95 : memref<1x!tpu.dma_semaphore, #tpu.memory_space<semaphore_mem>> -> memref<!tpu.dma_semaphore, #tpu.memory_space<semaphore_mem>>
    %dma_start3A_97 = arith.constant 8 : i32
    %dma_start3A_98 = arith.constant 0 : i32
    %dma_start3A_99 = tpu.memref_slice %arg5[%dma_start3A_86, %dma_start3A_97, %dma_start3A_98] : memref<5x16x1024xf32, #tpu.memory_space<vmem>> -> memref<1x8x1024xf32, #tpu.memory_space<vmem>>
    %dma_start3A_100 = tpu.memref_squeeze %dma_start3A_99 : memref<1x8x1024xf32, #tpu.memory_space<vmem>> -> memref<8x1024xf32, #tpu.memory_space<vmem>>
    %dma_start3A_101 = arith.constant 0 : i32
    %dma_start3A_102 = tpu.memref_slice %arg2[%dma_start3A_85, %add3A_84, %dma_start3A_101] : memref<4x2048x1024xf32, #tpu.memory_space<hbm>> -> memref<1x8x1024xf32, #tpu.memory_space<hbm>>
    %dma_start3A_103 = tpu.memref_squeeze %dma_start3A_102 : memref<1x8x1024xf32, #tpu.memory_space<hbm>> -> memref<8x1024xf32, #tpu.memory_space<hbm>>
    tpu.enqueue_dma source(%dma_start3A_103 : memref<8x1024xf32, #tpu.memory_space<hbm>>) target(%dma_start3A_100 : memref<8x1024xf32, #tpu.memory_space<vmem>>) target_semaphore(%dma_start3A_96 : memref<!tpu.dma_semaphore, #tpu.memory_space<semaphore_mem>>)
    %add3A_104 = arith.constant 0 : i32
    %add3A_105 = arith.addi %mul3A_2, %add3A_104 : i32
    %dma_start3A_106 = arith.constant 2 : i32
    %dma_start3A_107 = arith.constant 2 : i32
    %dma_start3A_108 = arith.constant 2 : i32
    %dma_start3A_109 = arith.constant 0 : i32
    %dma_start3A_110 = arith.constant 0 : i32
    %dma_start3A_111 = tpu.memref_slice %arg5[%dma_start3A_107, %dma_start3A_109, %dma_start3A_110] : memref<5x16x1024xf32, #tpu.memory_space<vmem>> -> memref<1x8x1024xf32, #tpu.memory_space<vmem>>
    %dma_start3A_112 = tpu.memref_squeeze %dma_start3A_111 : memref<1x8x1024xf32, #tpu.memory_space<vmem>> -> memref<8x1024xf32, #tpu.memory_space<vmem>>
    %dma_start3A_113 = arith.constant 0 : i32
    %dma_start3A_114 = tpu.memref_slice %arg2[%dma_start3A_106, %add3A_105, %dma_start3A_113] : memref<4x2048x1024xf32, #tpu.memory_space<hbm>> -> memref<1x8x1024xf32, #tpu.memory_space<hbm>>
    %dma_start3A_115 = tpu.memref_squeeze %dma_start3A_114 : memref<1x8x1024xf32, #tpu.memory_space<hbm>> -> memref<8x1024xf32, #tpu.memory_space<hbm>>
    %dma_start3A_116 = tpu.memref_slice %arg7[%dma_start3A_108] : memref<5x!tpu.dma_semaphore, #tpu.memory_space<semaphore_mem>> -> memref<1x!tpu.dma_semaphore, #tpu.memory_space<semaphore_mem>>
    %dma_start3A_117 = tpu.memref_squeeze %dma_start3A_116 : memref<1x!tpu.dma_semaphore, #tpu.memory_space<semaphore_mem>> -> memref<!tpu.dma_semaphore, #tpu.memory_space<semaphore_mem>>
    %dma_start3A_118 = arith.constant 0 : i32
    %dma_start3A_119 = arith.constant 0 : i32
    %dma_start3A_120 = tpu.memref_slice %arg5[%dma_start3A_107, %dma_start3A_118, %dma_start3A_119] : memref<5x16x1024xf32, #tpu.memory_space<vmem>> -> memref<1x8x1024xf32, #tpu.memory_space<vmem>>
    %dma_start3A_121 = tpu.memref_squeeze %dma_start3A_120 : memref<1x8x1024xf32, #tpu.memory_space<vmem>> -> memref<8x1024xf32, #tpu.memory_space<vmem>>
    %dma_start3A_122 = arith.constant 0 : i32
    %dma_start3A_123 = tpu.memref_slice %arg2[%dma_start3A_106, %add3A_105, %dma_start3A_122] : memref<4x2048x1024xf32, #tpu.memory_space<hbm>> -> memref<1x8x1024xf32, #tpu.memory_space<hbm>>
    %dma_start3A_124 = tpu.memref_squeeze %dma_start3A_123 : memref<1x8x1024xf32, #tpu.memory_space<hbm>> -> memref<8x1024xf32, #tpu.memory_space<hbm>>
    tpu.enqueue_dma source(%dma_start3A_124 : memref<8x1024xf32, #tpu.memory_space<hbm>>) target(%dma_start3A_121 : memref<8x1024xf32, #tpu.memory_space<vmem>>) target_semaphore(%dma_start3A_117 : memref<!tpu.dma_semaphore, #tpu.memory_space<semaphore_mem>>)
    %add3A_125 = arith.constant 8 : i32
    %add3A_126 = arith.addi %add3A_105, %add3A_125 : i32
    %dma_start3A_127 = arith.constant 2 : i32
    %dma_start3A_128 = arith.constant 2 : i32
    %dma_start3A_129 = arith.constant 2 : i32
    %dma_start3A_130 = arith.constant 8 : i32
    %dma_start3A_131 = arith.constant 0 : i32
    %dma_start3A_132 = tpu.memref_slice %arg5[%dma_start3A_128, %dma_start3A_130, %dma_start3A_131] : memref<5x16x1024xf32, #tpu.memory_space<vmem>> -> memref<1x8x1024xf32, #tpu.memory_space<vmem>>
    %dma_start3A_133 = tpu.memref_squeeze %dma_start3A_132 : memref<1x8x1024xf32, #tpu.memory_space<vmem>> -> memref<8x1024xf32, #tpu.memory_space<vmem>>
    %dma_start3A_134 = arith.constant 0 : i32
    %dma_start3A_135 = tpu.memref_slice %arg2[%dma_start3A_127, %add3A_126, %dma_start3A_134] : memref<4x2048x1024xf32, #tpu.memory_space<hbm>> -> memref<1x8x1024xf32, #tpu.memory_space<hbm>>
    %dma_start3A_136 = tpu.memref_squeeze %dma_start3A_135 : memref<1x8x1024xf32, #tpu.memory_space<hbm>> -> memref<8x1024xf32, #tpu.memory_space<hbm>>
    %dma_start3A_137 = tpu.memref_slice %arg8[%dma_start3A_129] : memref<5x!tpu.dma_semaphore, #tpu.memory_space<semaphore_mem>> -> memref<1x!tpu.dma_semaphore, #tpu.memory_space<semaphore_mem>>
    %dma_start3A_138 = tpu.memref_squeeze %dma_start3A_137 : memref<1x!tpu.dma_semaphore, #tpu.memory_space<semaphore_mem>> -> memref<!tpu.dma_semaphore, #tpu.memory_space<semaphore_mem>>
    %dma_start3A_139 = arith.constant 8 : i32
    %dma_start3A_140 = arith.constant 0 : i32
    %dma_start3A_141 = tpu.memref_slice %arg5[%dma_start3A_128, %dma_start3A_139, %dma_start3A_140] : memref<5x16x1024xf32, #tpu.memory_space<vmem>> -> memref<1x8x1024xf32, #tpu.memory_space<vmem>>
    %dma_start3A_142 = tpu.memref_squeeze %dma_start3A_141 : memref<1x8x1024xf32, #tpu.memory_space<vmem>> -> memref<8x1024xf32, #tpu.memory_space<vmem>>
    %dma_start3A_143 = arith.constant 0 : i32
    %dma_start3A_144 = tpu.memref_slice %arg2[%dma_start3A_127, %add3A_126, %dma_start3A_143] : memref<4x2048x1024xf32, #tpu.memory_space<hbm>> -> memref<1x8x1024xf32, #tpu.memory_space<hbm>>
    %dma_start3A_145 = tpu.memref_squeeze %dma_start3A_144 : memref<1x8x1024xf32, #tpu.memory_space<hbm>> -> memref<8x1024xf32, #tpu.memory_space<hbm>>
    tpu.enqueue_dma source(%dma_start3A_145 : memref<8x1024xf32, #tpu.memory_space<hbm>>) target(%dma_start3A_142 : memref<8x1024xf32, #tpu.memory_space<vmem>>) target_semaphore(%dma_start3A_138 : memref<!tpu.dma_semaphore, #tpu.memory_space<semaphore_mem>>)
    %scan3A = arith.constant 0 : i32
    %scan3A_146 = arith.constant 0 : i32
    %scan3A_147 = arith.constant 16 : i32
    %scan3A_148 = arith.addi %scan3A_146, %scan3A_147 : i32
    %scan3A_149 = arith.constant 1 : i32
    %scan3A_150 = scf.for %scan3A_361 = %scan3A_146 to %scan3A_148 step %scan3A_149 iter_args(%scan3A_362 = %scan3A) -> (i32)  : i32 {
      %jit3A = arith.constant 4 : i32
      %div3A = arith.divsi %scan3A_361, %jit3A : i32
      %sign3A = arith.constant 0 : i32
      %sign3A_363 = arith.cmpi sgt, %scan3A_361, %sign3A : i32
      %sign3A_364 = arith.extui %sign3A_363 : i1 to i32
      %sign3A_365 = arith.constant 0 : i32
      %sign3A_366 = arith.cmpi slt, %scan3A_361, %sign3A_365 : i32
      %sign3A_367 = arith.extui %sign3A_366 : i1 to i32
      %sign3A_368 = arith.subi %sign3A_364, %sign3A_367 : i32
      %sign3A_369 = arith.constant 0 : i32
      %sign3A_370 = arith.cmpi sgt, %jit3A, %sign3A_369 : i32
      %sign3A_371 = arith.extui %sign3A_370 : i1 to i32
      %sign3A_372 = arith.constant 0 : i32
      %sign3A_373 = arith.cmpi slt, %jit3A, %sign3A_372 : i32
      %sign3A_374 = arith.extui %sign3A_373 : i1 to i32
      %sign3A_375 = arith.subi %sign3A_371, %sign3A_374 : i32
      %ne3A = arith.cmpi ne, %sign3A_368, %sign3A_375 : i32
      %rem3A = arith.remsi %scan3A_361, %jit3A : i32
      %ne3A_376 = arith.constant 0 : i32
      %ne3A_377 = arith.cmpi ne, %rem3A, %ne3A_376 : i32
      %and3A = arith.andi %ne3A, %ne3A_377 : i1
      %sub3A = arith.constant 1 : i32
      %sub3A_378 = arith.subi %div3A, %sub3A : i32
      %select_n3A = arith.select %and3A, %sub3A_378, %div3A : i32
      %jit3A_379 = arith.constant 4 : i32
      %eq3A = arith.constant 0 : i32
      %eq3A_380 = arith.cmpi eq, %jit3A_379, %eq3A : i32
      %jit3A_381 = arith.constant 1 : i32
      %select_n3A_382 = arith.select %eq3A_380, %jit3A_381, %jit3A_379 : i32
      %rem3A_383 = arith.remsi %scan3A_361, %select_n3A_382 : i32
      %ne3A_384 = arith.constant 0 : i32
      %ne3A_385 = arith.cmpi ne, %rem3A_383, %ne3A_384 : i32
      %lt3A = arith.constant 0 : i32
      %lt3A_386 = arith.cmpi slt, %rem3A_383, %lt3A : i32
      %lt3A_387 = arith.constant 0 : i32
      %lt3A_388 = arith.cmpi slt, %select_n3A_382, %lt3A_387 : i32
      %ne3A_389 = arith.xori %lt3A_386, %lt3A_388 : i1
      %and3A_390 = arith.andi %ne3A_389, %ne3A_385 : i1
      %add3A_391 = arith.addi %rem3A_383, %select_n3A_382 : i32
      %select_n3A_392 = arith.select %and3A_390, %add3A_391, %rem3A_383 : i32
      %jit3A_393 = arith.constant 5 : i32
      %eq3A_394 = arith.constant 0 : i32
      %eq3A_395 = arith.cmpi eq, %jit3A_393, %eq3A_394 : i32
      %jit3A_396 = arith.constant 1 : i32
      %select_n3A_397 = arith.select %eq3A_395, %jit3A_396, %jit3A_393 : i32
      %rem3A_398 = arith.remsi %scan3A_361, %select_n3A_397 : i32
      %ne3A_399 = arith.constant 0 : i32
      %ne3A_400 = arith.cmpi ne, %rem3A_398, %ne3A_399 : i32
      %lt3A_401 = arith.constant 0 : i32
      %lt3A_402 = arith.cmpi slt, %rem3A_398, %lt3A_401 : i32
      %lt3A_403 = arith.constant 0 : i32
      %lt3A_404 = arith.cmpi slt, %select_n3A_397, %lt3A_403 : i32
      %ne3A_405 = arith.xori %lt3A_402, %lt3A_404 : i1
      %and3A_406 = arith.andi %ne3A_405, %ne3A_400 : i1
      %add3A_407 = arith.addi %rem3A_398, %select_n3A_397 : i32
      %select_n3A_408 = arith.select %and3A_406, %add3A_407, %rem3A_398 : i32
      %jit3A_409 = arith.constant 2 : i32
      %eq3A_410 = arith.constant 0 : i32
      %eq3A_411 = arith.cmpi eq, %jit3A_409, %eq3A_410 : i32
      %jit3A_412 = arith.constant 1 : i32
      %select_n3A_413 = arith.select %eq3A_411, %jit3A_412, %jit3A_409 : i32
      %rem3A_414 = arith.remsi %select_n3A, %select_n3A_413 : i32
      %ne3A_415 = arith.constant 0 : i32
      %ne3A_416 = arith.cmpi ne, %rem3A_414, %ne3A_415 : i32
      %lt3A_417 = arith.constant 0 : i32
      %lt3A_418 = arith.cmpi slt, %rem3A_414, %lt3A_417 : i32
      %lt3A_419 = arith.constant 0 : i32
      %lt3A_420 = arith.cmpi slt, %select_n3A_413, %lt3A_419 : i32
      %ne3A_421 = arith.xori %lt3A_418, %lt3A_420 : i1
      %and3A_422 = arith.andi %ne3A_421, %ne3A_416 : i1
      %add3A_423 = arith.addi %rem3A_414, %select_n3A_413 : i32
      %select_n3A_424 = arith.select %and3A_422, %add3A_423, %rem3A_414 : i32
      %eq3A_425 = arith.constant 0 : i32
      %eq3A_426 = arith.cmpi eq, %select_n3A_392, %eq3A_425 : i32
      %convert_element_type3A = arith.extui %eq3A_426 : i1 to i32
      %cond3A = arith.constant 0 : i32
      %cond3A_427 = arith.cmpi ne, %convert_element_type3A, %cond3A : i32
      scf.if %cond3A_427 {
        %dma_wait3A_553 = arith.constant 0 : i32
        %dma_wait3A_554 = arith.constant 0 : i32
        %dma_wait3A_555 = tpu.memref_slice %arg6[%select_n3A_424, %dma_wait3A_553, %dma_wait3A_554] : memref<2x16x1024xf32, #tpu.memory_space<vmem>> -> memref<1x16x1024xf32, #tpu.memory_space<vmem>>
        %dma_wait3A_556 = tpu.memref_squeeze %dma_wait3A_555 : memref<1x16x1024xf32, #tpu.memory_space<vmem>> -> memref<16x1024xf32, #tpu.memory_space<vmem>>
        %dma_wait3A_557 = arith.constant 0 : i32
        %dma_wait3A_558 = arith.constant 0 : i32
        %dma_wait3A_559 = tpu.memref_slice %arg3[%dma_wait3A_557, %dma_wait3A_558] : memref<2048x1024xf32, #tpu.memory_space<hbm>> -> memref<16x1024xf32, #tpu.memory_space<hbm>>
        %dma_wait3A_560 = tpu.memref_slice %arg11[%select_n3A_424] : memref<2x!tpu.dma_semaphore, #tpu.memory_space<semaphore_mem>> -> memref<1x!tpu.dma_semaphore, #tpu.memory_space<semaphore_mem>>
        %dma_wait3A_561 = tpu.memref_squeeze %dma_wait3A_560 : memref<1x!tpu.dma_semaphore, #tpu.memory_space<semaphore_mem>> -> memref<!tpu.dma_semaphore, #tpu.memory_space<semaphore_mem>>
        %dma_wait3A_562 = arith.constant 0 : i32
        %dma_wait3A_563 = arith.constant 0 : i32
        %dma_wait3A_564 = tpu.memref_slice %arg6[%select_n3A_424, %dma_wait3A_562, %dma_wait3A_563] : memref<2x16x1024xf32, #tpu.memory_space<vmem>> -> memref<1x16x1024xf32, #tpu.memory_space<vmem>>
        %dma_wait3A_565 = tpu.memref_squeeze %dma_wait3A_564 : memref<1x16x1024xf32, #tpu.memory_space<vmem>> -> memref<16x1024xf32, #tpu.memory_space<vmem>>
        %dma_wait3A_566 = arith.constant 0 : i32
        %dma_wait3A_567 = arith.constant 0 : i32
        %dma_wait3A_568 = tpu.memref_slice %arg3[%dma_wait3A_566, %dma_wait3A_567] : memref<2048x1024xf32, #tpu.memory_space<hbm>> -> memref<16x1024xf32, #tpu.memory_space<hbm>>
        tpu.wait_dma2 semaphore(%dma_wait3A_561 : memref<!tpu.dma_semaphore, #tpu.memory_space<semaphore_mem>>) src(%dma_wait3A_568 : memref<16x1024xf32, #tpu.memory_space<hbm>>) dst(%dma_wait3A_565 : memref<16x1024xf32, #tpu.memory_space<vmem>>)
        %add3A_569 = arith.constant 1 : i32
        %add3A_570 = arith.addi %select_n3A, %add3A_569 : i32
        %lt3A_571 = arith.constant 4 : i32
        %lt3A_572 = arith.cmpi slt, %add3A_570, %lt3A_571 : i32
        %convert_element_type3A_573 = arith.extui %lt3A_572 : i1 to i32
        %cond3A_574 = arith.constant 0 : i32
        %cond3A_575 = arith.cmpi ne, %convert_element_type3A_573, %cond3A_574 : i32
        scf.if %cond3A_575 {
          %add3A_576 = arith.constant 1 : i32
          %add3A_577 = arith.addi %select_n3A, %add3A_576 : i32
          %add3A_578 = arith.constant 1 : i32
          %add3A_579 = arith.addi %select_n3A, %add3A_578 : i32
          %jit3A_580 = arith.constant 2 : i32
          %eq3A_581 = arith.constant 0 : i32
          %eq3A_582 = arith.cmpi eq, %jit3A_580, %eq3A_581 : i32
          %jit3A_583 = arith.constant 1 : i32
          %select_n3A_584 = arith.select %eq3A_582, %jit3A_583, %jit3A_580 : i32
          %rem3A_585 = arith.remsi %add3A_579, %select_n3A_584 : i32
          %ne3A_586 = arith.constant 0 : i32
          %ne3A_587 = arith.cmpi ne, %rem3A_585, %ne3A_586 : i32
          %lt3A_588 = arith.constant 0 : i32
          %lt3A_589 = arith.cmpi slt, %rem3A_585, %lt3A_588 : i32
          %lt3A_590 = arith.constant 0 : i32
          %lt3A_591 = arith.cmpi slt, %select_n3A_584, %lt3A_590 : i32
          %ne3A_592 = arith.xori %lt3A_589, %lt3A_591 : i1
          %and3A_593 = arith.andi %ne3A_592, %ne3A_587 : i1
          %add3A_594 = arith.addi %rem3A_585, %select_n3A_584 : i32
          %select_n3A_595 = arith.select %and3A_593, %add3A_594, %rem3A_585 : i32
          %mul3A_596 = arith.constant 16 : i32
          %mul3A_597 = arith.muli %add3A_577, %mul3A_596 : i32
          %add3A_598 = arith.addi %mul3A_2, %mul3A_597 : i32
          %dma_start3A_599 = arith.constant 0 : i32
          %dma_start3A_600 = arith.constant 0 : i32
          %dma_start3A_601 = tpu.memref_slice %arg6[%select_n3A_595, %dma_start3A_599, %dma_start3A_600] : memref<2x16x1024xf32, #tpu.memory_space<vmem>> -> memref<1x16x1024xf32, #tpu.memory_space<vmem>>
          %dma_start3A_602 = tpu.memref_squeeze %dma_start3A_601 : memref<1x16x1024xf32, #tpu.memory_space<vmem>> -> memref<16x1024xf32, #tpu.memory_space<vmem>>
          %dma_start3A_603 = arith.constant 0 : i32
          %dma_start3A_604 = tpu.memref_slice %arg3[%add3A_598, %dma_start3A_603] : memref<2048x1024xf32, #tpu.memory_space<hbm>> -> memref<16x1024xf32, #tpu.memory_space<hbm>>
          %dma_start3A_605 = tpu.memref_slice %arg11[%select_n3A_595] : memref<2x!tpu.dma_semaphore, #tpu.memory_space<semaphore_mem>> -> memref<1x!tpu.dma_semaphore, #tpu.memory_space<semaphore_mem>>
          %dma_start3A_606 = tpu.memref_squeeze %dma_start3A_605 : memref<1x!tpu.dma_semaphore, #tpu.memory_space<semaphore_mem>> -> memref<!tpu.dma_semaphore, #tpu.memory_space<semaphore_mem>>
          %dma_start3A_607 = arith.constant 0 : i32
          %dma_start3A_608 = arith.constant 0 : i32
          %dma_start3A_609 = tpu.memref_slice %arg6[%select_n3A_595, %dma_start3A_607, %dma_start3A_608] : memref<2x16x1024xf32, #tpu.memory_space<vmem>> -> memref<1x16x1024xf32, #tpu.memory_space<vmem>>
          %dma_start3A_610 = tpu.memref_squeeze %dma_start3A_609 : memref<1x16x1024xf32, #tpu.memory_space<vmem>> -> memref<16x1024xf32, #tpu.memory_space<vmem>>
          %dma_start3A_611 = arith.constant 0 : i32
          %dma_start3A_612 = tpu.memref_slice %arg3[%add3A_598, %dma_start3A_611] : memref<2048x1024xf32, #tpu.memory_space<hbm>> -> memref<16x1024xf32, #tpu.memory_space<hbm>>
          tpu.enqueue_dma source(%dma_start3A_612 : memref<16x1024xf32, #tpu.memory_space<hbm>>) target(%dma_start3A_610 : memref<16x1024xf32, #tpu.memory_space<vmem>>) target_semaphore(%dma_start3A_606 : memref<!tpu.dma_semaphore, #tpu.memory_space<semaphore_mem>>)
        } else {
        }
      } else {
      }
      %dma_wait3A_428 = arith.constant 0 : i32
      %dma_wait3A_429 = arith.constant 0 : i32
      %dma_wait3A_430 = arith.constant 0 : i32
      %dma_wait3A_431 = tpu.memref_slice %arg5[%select_n3A_408, %dma_wait3A_429, %dma_wait3A_430] : memref<5x16x1024xf32, #tpu.memory_space<vmem>> -> memref<1x8x1024xf32, #tpu.memory_space<vmem>>
      %dma_wait3A_432 = tpu.memref_squeeze %dma_wait3A_431 : memref<1x8x1024xf32, #tpu.memory_space<vmem>> -> memref<8x1024xf32, #tpu.memory_space<vmem>>
      %dma_wait3A_433 = arith.constant 0 : i32
      %dma_wait3A_434 = arith.constant 0 : i32
      %dma_wait3A_435 = tpu.memref_slice %arg2[%dma_wait3A_428, %dma_wait3A_433, %dma_wait3A_434] : memref<4x2048x1024xf32, #tpu.memory_space<hbm>> -> memref<1x8x1024xf32, #tpu.memory_space<hbm>>
      %dma_wait3A_436 = tpu.memref_squeeze %dma_wait3A_435 : memref<1x8x1024xf32, #tpu.memory_space<hbm>> -> memref<8x1024xf32, #tpu.memory_space<hbm>>
      %dma_wait3A_437 = tpu.memref_slice %arg7[%select_n3A_408] : memref<5x!tpu.dma_semaphore, #tpu.memory_space<semaphore_mem>> -> memref<1x!tpu.dma_semaphore, #tpu.memory_space<semaphore_mem>>
      %dma_wait3A_438 = tpu.memref_squeeze %dma_wait3A_437 : memref<1x!tpu.dma_semaphore, #tpu.memory_space<semaphore_mem>> -> memref<!tpu.dma_semaphore, #tpu.memory_space<semaphore_mem>>
      %dma_wait3A_439 = arith.constant 0 : i32
      %dma_wait3A_440 = arith.constant 0 : i32
      %dma_wait3A_441 = tpu.memref_slice %arg5[%select_n3A_408, %dma_wait3A_439, %dma_wait3A_440] : memref<5x16x1024xf32, #tpu.memory_space<vmem>> -> memref<1x8x1024xf32, #tpu.memory_space<vmem>>
      %dma_wait3A_442 = tpu.memref_squeeze %dma_wait3A_441 : memref<1x8x1024xf32, #tpu.memory_space<vmem>> -> memref<8x1024xf32, #tpu.memory_space<vmem>>
      %dma_wait3A_443 = arith.constant 0 : i32
      %dma_wait3A_444 = arith.constant 0 : i32
      %dma_wait3A_445 = tpu.memref_slice %arg2[%dma_wait3A_428, %dma_wait3A_443, %dma_wait3A_444] : memref<4x2048x1024xf32, #tpu.memory_space<hbm>> -> memref<1x8x1024xf32, #tpu.memory_space<hbm>>
      %dma_wait3A_446 = tpu.memref_squeeze %dma_wait3A_445 : memref<1x8x1024xf32, #tpu.memory_space<hbm>> -> memref<8x1024xf32, #tpu.memory_space<hbm>>
      tpu.wait_dma2 semaphore(%dma_wait3A_438 : memref<!tpu.dma_semaphore, #tpu.memory_space<semaphore_mem>>) src(%dma_wait3A_446 : memref<8x1024xf32, #tpu.memory_space<hbm>>) dst(%dma_wait3A_442 : memref<8x1024xf32, #tpu.memory_space<vmem>>)
      %dma_wait3A_447 = arith.constant 0 : i32
      %dma_wait3A_448 = arith.constant 8 : i32
      %dma_wait3A_449 = arith.constant 0 : i32
      %dma_wait3A_450 = tpu.memref_slice %arg5[%select_n3A_408, %dma_wait3A_448, %dma_wait3A_449] : memref<5x16x1024xf32, #tpu.memory_space<vmem>> -> memref<1x8x1024xf32, #tpu.memory_space<vmem>>
      %dma_wait3A_451 = tpu.memref_squeeze %dma_wait3A_450 : memref<1x8x1024xf32, #tpu.memory_space<vmem>> -> memref<8x1024xf32, #tpu.memory_space<vmem>>
      %dma_wait3A_452 = arith.constant 0 : i32
      %dma_wait3A_453 = arith.constant 0 : i32
      %dma_wait3A_454 = tpu.memref_slice %arg2[%dma_wait3A_447, %dma_wait3A_452, %dma_wait3A_453] : memref<4x2048x1024xf32, #tpu.memory_space<hbm>> -> memref<1x8x1024xf32, #tpu.memory_space<hbm>>
      %dma_wait3A_455 = tpu.memref_squeeze %dma_wait3A_454 : memref<1x8x1024xf32, #tpu.memory_space<hbm>> -> memref<8x1024xf32, #tpu.memory_space<hbm>>
      %dma_wait3A_456 = tpu.memref_slice %arg8[%select_n3A_408] : memref<5x!tpu.dma_semaphore, #tpu.memory_space<semaphore_mem>> -> memref<1x!tpu.dma_semaphore, #tpu.memory_space<semaphore_mem>>
      %dma_wait3A_457 = tpu.memref_squeeze %dma_wait3A_456 : memref<1x!tpu.dma_semaphore, #tpu.memory_space<semaphore_mem>> -> memref<!tpu.dma_semaphore, #tpu.memory_space<semaphore_mem>>
      %dma_wait3A_458 = arith.constant 8 : i32
      %dma_wait3A_459 = arith.constant 0 : i32
      %dma_wait3A_460 = tpu.memref_slice %arg5[%select_n3A_408, %dma_wait3A_458, %dma_wait3A_459] : memref<5x16x1024xf32, #tpu.memory_space<vmem>> -> memref<1x8x1024xf32, #tpu.memory_space<vmem>>
      %dma_wait3A_461 = tpu.memref_squeeze %dma_wait3A_460 : memref<1x8x1024xf32, #tpu.memory_space<vmem>> -> memref<8x1024xf32, #tpu.memory_space<vmem>>
      %dma_wait3A_462 = arith.constant 0 : i32
      %dma_wait3A_463 = arith.constant 0 : i32
      %dma_wait3A_464 = tpu.memref_slice %arg2[%dma_wait3A_447, %dma_wait3A_462, %dma_wait3A_463] : memref<4x2048x1024xf32, #tpu.memory_space<hbm>> -> memref<1x8x1024xf32, #tpu.memory_space<hbm>>
      %dma_wait3A_465 = tpu.memref_squeeze %dma_wait3A_464 : memref<1x8x1024xf32, #tpu.memory_space<hbm>> -> memref<8x1024xf32, #tpu.memory_space<hbm>>
      tpu.wait_dma2 semaphore(%dma_wait3A_457 : memref<!tpu.dma_semaphore, #tpu.memory_space<semaphore_mem>>) src(%dma_wait3A_465 : memref<8x1024xf32, #tpu.memory_space<hbm>>) dst(%dma_wait3A_461 : memref<8x1024xf32, #tpu.memory_space<vmem>>)
      %add3A_466 = arith.constant 3 : i32
      %add3A_467 = arith.addi %scan3A_361, %add3A_466 : i32
      %lt3A_468 = arith.constant 16 : i32
      %lt3A_469 = arith.cmpi slt, %add3A_467, %lt3A_468 : i32
      %convert_element_type3A_470 = arith.extui %lt3A_469 : i1 to i32
      %cond3A_471 = arith.constant 0 : i32
      %cond3A_472 = arith.cmpi ne, %convert_element_type3A_470, %cond3A_471 : i32
      scf.if %cond3A_472 {
        %jit3A_553 = arith.constant 5 : i32
        %eq3A_554 = arith.constant 0 : i32
        %eq3A_555 = arith.cmpi eq, %jit3A_553, %eq3A_554 : i32
        %jit3A_556 = arith.constant 1 : i32
        %select_n3A_557 = arith.select %eq3A_555, %jit3A_556, %jit3A_553 : i32
        %rem3A_558 = arith.remsi %add3A_467, %select_n3A_557 : i32
        %ne3A_559 = arith.constant 0 : i32
        %ne3A_560 = arith.cmpi ne, %rem3A_558, %ne3A_559 : i32
        %lt3A_561 = arith.constant 0 : i32
        %lt3A_562 = arith.cmpi slt, %rem3A_558, %lt3A_561 : i32
        %lt3A_563 = arith.constant 0 : i32
        %lt3A_564 = arith.cmpi slt, %select_n3A_557, %lt3A_563 : i32
        %ne3A_565 = arith.xori %lt3A_562, %lt3A_564 : i1
        %and3A_566 = arith.andi %ne3A_565, %ne3A_560 : i1
        %add3A_567 = arith.addi %rem3A_558, %select_n3A_557 : i32
        %select_n3A_568 = arith.select %and3A_566, %add3A_567, %rem3A_558 : i32
        %ge3A = arith.constant 5 : i32
        %ge3A_569 = arith.cmpi sge, %add3A_467, %ge3A : i32
        %convert_element_type3A_570 = arith.extui %ge3A_569 : i1 to i32
        %cond3A_571 = arith.constant 0 : i32
        %cond3A_572 = arith.cmpi ne, %convert_element_type3A_570, %cond3A_571 : i32
        scf.if %cond3A_572 {
          %dma_wait3A_650 = arith.constant 0 : i32
          %dma_wait3A_651 = arith.constant 0 : i32
          %dma_wait3A_652 = arith.constant 0 : i32
          %dma_wait3A_653 = tpu.memref_slice %arg5[%select_n3A_568, %dma_wait3A_651, %dma_wait3A_652] : memref<5x16x1024xf32, #tpu.memory_space<vmem>> -> memref<1x8x1024xf32, #tpu.memory_space<vmem>>
          %dma_wait3A_654 = tpu.memref_squeeze %dma_wait3A_653 : memref<1x8x1024xf32, #tpu.memory_space<vmem>> -> memref<8x1024xf32, #tpu.memory_space<vmem>>
          %dma_wait3A_655 = arith.constant 0 : i32
          %dma_wait3A_656 = arith.constant 0 : i32
          %dma_wait3A_657 = tpu.memref_slice %arg4[%dma_wait3A_650, %dma_wait3A_655, %dma_wait3A_656] : memref<4x2048x1024xf32, #tpu.memory_space<hbm>> -> memref<1x8x1024xf32, #tpu.memory_space<hbm>>
          %dma_wait3A_658 = tpu.memref_squeeze %dma_wait3A_657 : memref<1x8x1024xf32, #tpu.memory_space<hbm>> -> memref<8x1024xf32, #tpu.memory_space<hbm>>
          %dma_wait3A_659 = tpu.memref_slice %arg9[%select_n3A_568] : memref<5x!tpu.dma_semaphore, #tpu.memory_space<semaphore_mem>> -> memref<1x!tpu.dma_semaphore, #tpu.memory_space<semaphore_mem>>
          %dma_wait3A_660 = tpu.memref_squeeze %dma_wait3A_659 : memref<1x!tpu.dma_semaphore, #tpu.memory_space<semaphore_mem>> -> memref<!tpu.dma_semaphore, #tpu.memory_space<semaphore_mem>>
          %dma_wait3A_661 = arith.constant 0 : i32
          %dma_wait3A_662 = arith.constant 0 : i32
          %dma_wait3A_663 = tpu.memref_slice %arg4[%dma_wait3A_650, %dma_wait3A_661, %dma_wait3A_662] : memref<4x2048x1024xf32, #tpu.memory_space<hbm>> -> memref<1x8x1024xf32, #tpu.memory_space<hbm>>
          %dma_wait3A_664 = tpu.memref_squeeze %dma_wait3A_663 : memref<1x8x1024xf32, #tpu.memory_space<hbm>> -> memref<8x1024xf32, #tpu.memory_space<hbm>>
          %dma_wait3A_665 = arith.constant 0 : i32
          %dma_wait3A_666 = arith.constant 0 : i32
          %dma_wait3A_667 = tpu.memref_slice %arg5[%select_n3A_568, %dma_wait3A_665, %dma_wait3A_666] : memref<5x16x1024xf32, #tpu.memory_space<vmem>> -> memref<1x8x1024xf32, #tpu.memory_space<vmem>>
          %dma_wait3A_668 = tpu.memref_squeeze %dma_wait3A_667 : memref<1x8x1024xf32, #tpu.memory_space<vmem>> -> memref<8x1024xf32, #tpu.memory_space<vmem>>
          tpu.wait_dma2 semaphore(%dma_wait3A_660 : memref<!tpu.dma_semaphore, #tpu.memory_space<semaphore_mem>>) src(%dma_wait3A_668 : memref<8x1024xf32, #tpu.memory_space<vmem>>) dst(%dma_wait3A_664 : memref<8x1024xf32, #tpu.memory_space<hbm>>)
          %dma_wait3A_669 = arith.constant 0 : i32
          %dma_wait3A_670 = arith.constant 8 : i32
          %dma_wait3A_671 = arith.constant 0 : i32
          %dma_wait3A_672 = tpu.memref_slice %arg5[%select_n3A_568, %dma_wait3A_670, %dma_wait3A_671] : memref<5x16x1024xf32, #tpu.memory_space<vmem>> -> memref<1x8x1024xf32, #tpu.memory_space<vmem>>
          %dma_wait3A_673 = tpu.memref_squeeze %dma_wait3A_672 : memref<1x8x1024xf32, #tpu.memory_space<vmem>> -> memref<8x1024xf32, #tpu.memory_space<vmem>>
          %dma_wait3A_674 = arith.constant 0 : i32
          %dma_wait3A_675 = arith.constant 0 : i32
          %dma_wait3A_676 = tpu.memref_slice %arg4[%dma_wait3A_669, %dma_wait3A_674, %dma_wait3A_675] : memref<4x2048x1024xf32, #tpu.memory_space<hbm>> -> memref<1x8x1024xf32, #tpu.memory_space<hbm>>
          %dma_wait3A_677 = tpu.memref_squeeze %dma_wait3A_676 : memref<1x8x1024xf32, #tpu.memory_space<hbm>> -> memref<8x1024xf32, #tpu.memory_space<hbm>>
          %dma_wait3A_678 = tpu.memref_slice %arg10[%select_n3A_568] : memref<5x!tpu.dma_semaphore, #tpu.memory_space<semaphore_mem>> -> memref<1x!tpu.dma_semaphore, #tpu.memory_space<semaphore_mem>>
          %dma_wait3A_679 = tpu.memref_squeeze %dma_wait3A_678 : memref<1x!tpu.dma_semaphore, #tpu.memory_space<semaphore_mem>> -> memref<!tpu.dma_semaphore, #tpu.memory_space<semaphore_mem>>
          %dma_wait3A_680 = arith.constant 0 : i32
          %dma_wait3A_681 = arith.constant 0 : i32
          %dma_wait3A_682 = tpu.memref_slice %arg4[%dma_wait3A_669, %dma_wait3A_680, %dma_wait3A_681] : memref<4x2048x1024xf32, #tpu.memory_space<hbm>> -> memref<1x8x1024xf32, #tpu.memory_space<hbm>>
          %dma_wait3A_683 = tpu.memref_squeeze %dma_wait3A_682 : memref<1x8x1024xf32, #tpu.memory_space<hbm>> -> memref<8x1024xf32, #tpu.memory_space<hbm>>
          %dma_wait3A_684 = arith.constant 8 : i32
          %dma_wait3A_685 = arith.constant 0 : i32
          %dma_wait3A_686 = tpu.memref_slice %arg5[%select_n3A_568, %dma_wait3A_684, %dma_wait3A_685] : memref<5x16x1024xf32, #tpu.memory_space<vmem>> -> memref<1x8x1024xf32, #tpu.memory_space<vmem>>
          %dma_wait3A_687 = tpu.memref_squeeze %dma_wait3A_686 : memref<1x8x1024xf32, #tpu.memory_space<vmem>> -> memref<8x1024xf32, #tpu.memory_space<vmem>>
          tpu.wait_dma2 semaphore(%dma_wait3A_679 : memref<!tpu.dma_semaphore, #tpu.memory_space<semaphore_mem>>) src(%dma_wait3A_687 : memref<8x1024xf32, #tpu.memory_space<vmem>>) dst(%dma_wait3A_683 : memref<8x1024xf32, #tpu.memory_space<hbm>>)
        } else {
        }
        %jit3A_573 = arith.constant 4 : i32
        %div3A_574 = arith.divsi %add3A_467, %jit3A_573 : i32
        %sign3A_575 = arith.constant 0 : i32
        %sign3A_576 = arith.cmpi sgt, %add3A_467, %sign3A_575 : i32
        %sign3A_577 = arith.extui %sign3A_576 : i1 to i32
        %sign3A_578 = arith.constant 0 : i32
        %sign3A_579 = arith.cmpi slt, %add3A_467, %sign3A_578 : i32
        %sign3A_580 = arith.extui %sign3A_579 : i1 to i32
        %sign3A_581 = arith.subi %sign3A_577, %sign3A_580 : i32
        %sign3A_582 = arith.constant 0 : i32
        %sign3A_583 = arith.cmpi sgt, %jit3A_573, %sign3A_582 : i32
        %sign3A_584 = arith.extui %sign3A_583 : i1 to i32
        %sign3A_585 = arith.constant 0 : i32
        %sign3A_586 = arith.cmpi slt, %jit3A_573, %sign3A_585 : i32
        %sign3A_587 = arith.extui %sign3A_586 : i1 to i32
        %sign3A_588 = arith.subi %sign3A_584, %sign3A_587 : i32
        %ne3A_589 = arith.cmpi ne, %sign3A_581, %sign3A_588 : i32
        %rem3A_590 = arith.remsi %add3A_467, %jit3A_573 : i32
        %ne3A_591 = arith.constant 0 : i32
        %ne3A_592 = arith.cmpi ne, %rem3A_590, %ne3A_591 : i32
        %and3A_593 = arith.andi %ne3A_589, %ne3A_592 : i1
        %sub3A_594 = arith.constant 1 : i32
        %sub3A_595 = arith.subi %div3A_574, %sub3A_594 : i32
        %select_n3A_596 = arith.select %and3A_593, %sub3A_595, %div3A_574 : i32
        %jit3A_597 = arith.constant 4 : i32
        %eq3A_598 = arith.constant 0 : i32
        %eq3A_599 = arith.cmpi eq, %jit3A_597, %eq3A_598 : i32
        %jit3A_600 = arith.constant 1 : i32
        %select_n3A_601 = arith.select %eq3A_599, %jit3A_600, %jit3A_597 : i32
        %rem3A_602 = arith.remsi %add3A_467, %select_n3A_601 : i32
        %ne3A_603 = arith.constant 0 : i32
        %ne3A_604 = arith.cmpi ne, %rem3A_602, %ne3A_603 : i32
        %lt3A_605 = arith.constant 0 : i32
        %lt3A_606 = arith.cmpi slt, %rem3A_602, %lt3A_605 : i32
        %lt3A_607 = arith.constant 0 : i32
        %lt3A_608 = arith.cmpi slt, %select_n3A_601, %lt3A_607 : i32
        %ne3A_609 = arith.xori %lt3A_606, %lt3A_608 : i1
        %and3A_610 = arith.andi %ne3A_609, %ne3A_604 : i1
        %add3A_611 = arith.addi %rem3A_602, %select_n3A_601 : i32
        %select_n3A_612 = arith.select %and3A_610, %add3A_611, %rem3A_602 : i32
        %mul3A_613 = arith.constant 16 : i32
        %mul3A_614 = arith.muli %select_n3A_596, %mul3A_613 : i32
        %add3A_615 = arith.addi %mul3A_2, %mul3A_614 : i32
        %dma_start3A_616 = arith.constant 0 : i32
        %dma_start3A_617 = arith.constant 0 : i32
        %dma_start3A_618 = tpu.memref_slice %arg5[%select_n3A_568, %dma_start3A_616, %dma_start3A_617] : memref<5x16x1024xf32, #tpu.memory_space<vmem>> -> memref<1x8x1024xf32, #tpu.memory_space<vmem>>
        %dma_start3A_619 = tpu.memref_squeeze %dma_start3A_618 : memref<1x8x1024xf32, #tpu.memory_space<vmem>> -> memref<8x1024xf32, #tpu.memory_space<vmem>>
        %dma_start3A_620 = arith.constant 0 : i32
        %dma_start3A_621 = tpu.memref_slice %arg2[%select_n3A_612, %add3A_615, %dma_start3A_620] : memref<4x2048x1024xf32, #tpu.memory_space<hbm>> -> memref<1x8x1024xf32, #tpu.memory_space<hbm>>
        %dma_start3A_622 = tpu.memref_squeeze %dma_start3A_621 : memref<1x8x1024xf32, #tpu.memory_space<hbm>> -> memref<8x1024xf32, #tpu.memory_space<hbm>>
        %dma_start3A_623 = tpu.memref_slice %arg7[%select_n3A_568] : memref<5x!tpu.dma_semaphore, #tpu.memory_space<semaphore_mem>> -> memref<1x!tpu.dma_semaphore, #tpu.memory_space<semaphore_mem>>
        %dma_start3A_624 = tpu.memref_squeeze %dma_start3A_623 : memref<1x!tpu.dma_semaphore, #tpu.memory_space<semaphore_mem>> -> memref<!tpu.dma_semaphore, #tpu.memory_space<semaphore_mem>>
        %dma_start3A_625 = arith.constant 0 : i32
        %dma_start3A_626 = arith.constant 0 : i32
        %dma_start3A_627 = tpu.memref_slice %arg5[%select_n3A_568, %dma_start3A_625, %dma_start3A_626] : memref<5x16x1024xf32, #tpu.memory_space<vmem>> -> memref<1x8x1024xf32, #tpu.memory_space<vmem>>
        %dma_start3A_628 = tpu.memref_squeeze %dma_start3A_627 : memref<1x8x1024xf32, #tpu.memory_space<vmem>> -> memref<8x1024xf32, #tpu.memory_space<vmem>>
        %dma_start3A_629 = arith.constant 0 : i32
        %dma_start3A_630 = tpu.memref_slice %arg2[%select_n3A_612, %add3A_615, %dma_start3A_629] : memref<4x2048x1024xf32, #tpu.memory_space<hbm>> -> memref<1x8x1024xf32, #tpu.memory_space<hbm>>
        %dma_start3A_631 = tpu.memref_squeeze %dma_start3A_630 : memref<1x8x1024xf32, #tpu.memory_space<hbm>> -> memref<8x1024xf32, #tpu.memory_space<hbm>>
        tpu.enqueue_dma source(%dma_start3A_631 : memref<8x1024xf32, #tpu.memory_space<hbm>>) target(%dma_start3A_628 : memref<8x1024xf32, #tpu.memory_space<vmem>>) target_semaphore(%dma_start3A_624 : memref<!tpu.dma_semaphore, #tpu.memory_space<semaphore_mem>>)
        %add3A_632 = arith.constant 8 : i32
        %add3A_633 = arith.addi %add3A_615, %add3A_632 : i32
        %dma_start3A_634 = arith.constant 8 : i32
        %dma_start3A_635 = arith.constant 0 : i32
        %dma_start3A_636 = tpu.memref_slice %arg5[%select_n3A_568, %dma_start3A_634, %dma_start3A_635] : memref<5x16x1024xf32, #tpu.memory_space<vmem>> -> memref<1x8x1024xf32, #tpu.memory_space<vmem>>
        %dma_start3A_637 = tpu.memref_squeeze %dma_start3A_636 : memref<1x8x1024xf32, #tpu.memory_space<vmem>> -> memref<8x1024xf32, #tpu.memory_space<vmem>>
        %dma_start3A_638 = arith.constant 0 : i32
        %dma_start3A_639 = tpu.memref_slice %arg2[%select_n3A_612, %add3A_633, %dma_start3A_638] : memref<4x2048x1024xf32, #tpu.memory_space<hbm>> -> memref<1x8x1024xf32, #tpu.memory_space<hbm>>
        %dma_start3A_640 = tpu.memref_squeeze %dma_start3A_639 : memref<1x8x1024xf32, #tpu.memory_space<hbm>> -> memref<8x1024xf32, #tpu.memory_space<hbm>>
        %dma_start3A_641 = tpu.memref_slice %arg8[%select_n3A_568] : memref<5x!tpu.dma_semaphore, #tpu.memory_space<semaphore_mem>> -> memref<1x!tpu.dma_semaphore, #tpu.memory_space<semaphore_mem>>
        %dma_start3A_642 = tpu.memref_squeeze %dma_start3A_641 : memref<1x!tpu.dma_semaphore, #tpu.memory_space<semaphore_mem>> -> memref<!tpu.dma_semaphore, #tpu.memory_space<semaphore_mem>>
        %dma_start3A_643 = arith.constant 8 : i32
        %dma_start3A_644 = arith.constant 0 : i32
        %dma_start3A_645 = tpu.memref_slice %arg5[%select_n3A_568, %dma_start3A_643, %dma_start3A_644] : memref<5x16x1024xf32, #tpu.memory_space<vmem>> -> memref<1x8x1024xf32, #tpu.memory_space<vmem>>
        %dma_start3A_646 = tpu.memref_squeeze %dma_start3A_645 : memref<1x8x1024xf32, #tpu.memory_space<vmem>> -> memref<8x1024xf32, #tpu.memory_space<vmem>>
        %dma_start3A_647 = arith.constant 0 : i32
        %dma_start3A_648 = tpu.memref_slice %arg2[%select_n3A_612, %add3A_633, %dma_start3A_647] : memref<4x2048x1024xf32, #tpu.memory_space<hbm>> -> memref<1x8x1024xf32, #tpu.memory_space<hbm>>
        %dma_start3A_649 = tpu.memref_squeeze %dma_start3A_648 : memref<1x8x1024xf32, #tpu.memory_space<hbm>> -> memref<8x1024xf32, #tpu.memory_space<hbm>>
        tpu.enqueue_dma source(%dma_start3A_649 : memref<8x1024xf32, #tpu.memory_space<hbm>>) target(%dma_start3A_646 : memref<8x1024xf32, #tpu.memory_space<vmem>>) target_semaphore(%dma_start3A_642 : memref<!tpu.dma_semaphore, #tpu.memory_space<semaphore_mem>>)
      } else {
      }
      %parallel_loop3A = arith.constant 0 : i32
      %parallel_loop3A_473 = arith.constant 16 : i32
      %parallel_loop3A_474 = arith.constant 1 : i32
      scf.for %parallel_loop3A_553 = %parallel_loop3A to %parallel_loop3A_473 step %parallel_loop3A_474  : i32 {
        %parallel_loop3A_554 = arith.index_cast %select_n3A_424 : i32 to index
        %parallel_loop3A_555 = arith.index_cast %parallel_loop3A_553 : i32 to index
        %parallel_loop3A_556 = arith.constant 0 : index
        %parallel_loop3A_557 = tpu.vector_load %arg6[%parallel_loop3A_554, %parallel_loop3A_555, %parallel_loop3A_556] {strides = array<i32>} : memref<2x16x1024xf32, #tpu.memory_space<vmem>>, vector<1x1x16xf32>,
        %parallel_loop3A_558 = vector.shape_cast %parallel_loop3A_557 : vector<1x1x16xf32> to vector<16xf32>
        %parallel_loop3A_559 = arith.index_cast %select_n3A_408 : i32 to index
        %parallel_loop3A_560 = arith.index_cast %parallel_loop3A_553 : i32 to index
        %parallel_loop3A_561 = arith.constant 0 : index
        %parallel_loop3A_562 = tpu.vector_load %arg5[%parallel_loop3A_559, %parallel_loop3A_560, %parallel_loop3A_561] {strides = array<i32>} : memref<5x16x1024xf32, #tpu.memory_space<vmem>>, vector<1x1x16xf32>,
        %parallel_loop3A_563 = vector.shape_cast %parallel_loop3A_562 : vector<1x1x16xf32> to vector<16xf32>
        %parallel_loop3A_564 = vector.shape_cast %parallel_loop3A_558 : vector<16xf32> to vector<1x1x16xf32>
        tpu.vector_store %arg5[%parallel_loop3A_559, %parallel_loop3A_560, %parallel_loop3A_561], %parallel_loop3A_564 {add = true, strides = array<i32>} : memref<5x16x1024xf32, #tpu.memory_space<vmem>>, vector<1x1x16xf32>,
        %parallel_loop3A_565 = arith.index_cast %select_n3A_424 : i32 to index
        %parallel_loop3A_566 = arith.index_cast %parallel_loop3A_553 : i32 to index
        %parallel_loop3A_567 = arith.constant 16 : index
        %parallel_loop3A_568 = tpu.vector_load %arg6[%parallel_loop3A_565, %parallel_loop3A_566, %parallel_loop3A_567] {strides = array<i32>} : memref<2x16x1024xf32, #tpu.memory_space<vmem>>, vector<1x1x16xf32>,
        %parallel_loop3A_569 = vector.shape_cast %parallel_loop3A_568 : vector<1x1x16xf32> to vector<16xf32>
        %parallel_loop3A_570 = arith.index_cast %select_n3A_408 : i32 to index
        %parallel_loop3A_571 = arith.index_cast %parallel_loop3A_553 : i32 to index
        %parallel_loop3A_572 = arith.constant 16 : index
        %parallel_loop3A_573 = tpu.vector_load %arg5[%parallel_loop3A_570, %parallel_loop3A_571, %parallel_loop3A_572] {strides = array<i32>} : memref<5x16x1024xf32, #tpu.memory_space<vmem>>, vector<1x1x16xf32>,
        %parallel_loop3A_574 = vector.shape_cast %parallel_loop3A_573 : vector<1x1x16xf32> to vector<16xf32>
        %parallel_loop3A_575 = vector.shape_cast %parallel_loop3A_569 : vector<16xf32> to vector<1x1x16xf32>
        tpu.vector_store %arg5[%parallel_loop3A_570, %parallel_loop3A_571, %parallel_loop3A_572], %parallel_loop3A_575 {add = true, strides = array<i32>} : memref<5x16x1024xf32, #tpu.memory_space<vmem>>, vector<1x1x16xf32>,
        %parallel_loop3A_576 = arith.index_cast %select_n3A_424 : i32 to index
        %parallel_loop3A_577 = arith.index_cast %parallel_loop3A_553 : i32 to index
        %parallel_loop3A_578 = arith.constant 32 : index
        %parallel_loop3A_579 = tpu.vector_load %arg6[%parallel_loop3A_576, %parallel_loop3A_577, %parallel_loop3A_578] {strides = array<i32>} : memref<2x16x1024xf32, #tpu.memory_space<vmem>>, vector<1x1x16xf32>,
        %parallel_loop3A_580 = vector.shape_cast %parallel_loop3A_579 : vector<1x1x16xf32> to vector<16xf32>
        %parallel_loop3A_581 = arith.index_cast %select_n3A_408 : i32 to index
        %parallel_loop3A_582 = arith.index_cast %parallel_loop3A_553 : i32 to index
        %parallel_loop3A_583 = arith.constant 32 : index
        %parallel_loop3A_584 = tpu.vector_load %arg5[%parallel_loop3A_581, %parallel_loop3A_582, %parallel_loop3A_583] {strides = array<i32>} : memref<5x16x1024xf32, #tpu.memory_space<vmem>>, vector<1x1x16xf32>,
        %parallel_loop3A_585 = vector.shape_cast %parallel_loop3A_584 : vector<1x1x16xf32> to vector<16xf32>
        %parallel_loop3A_586 = vector.shape_cast %parallel_loop3A_580 : vector<16xf32> to vector<1x1x16xf32>
        tpu.vector_store %arg5[%parallel_loop3A_581, %parallel_loop3A_582, %parallel_loop3A_583], %parallel_loop3A_586 {add = true, strides = array<i32>} : memref<5x16x1024xf32, #tpu.memory_space<vmem>>, vector<1x1x16xf32>,
        %parallel_loop3A_587 = arith.index_cast %select_n3A_424 : i32 to index
        %parallel_loop3A_588 = arith.index_cast %parallel_loop3A_553 : i32 to index
        %parallel_loop3A_589 = arith.constant 48 : index
        %parallel_loop3A_590 = tpu.vector_load %arg6[%parallel_loop3A_587, %parallel_loop3A_588, %parallel_loop3A_589] {strides = array<i32>} : memref<2x16x1024xf32, #tpu.memory_space<vmem>>, vector<1x1x16xf32>,
        %parallel_loop3A_591 = vector.shape_cast %parallel_loop3A_590 : vector<1x1x16xf32> to vector<16xf32>
        %parallel_loop3A_592 = arith.index_cast %select_n3A_408 : i32 to index
        %parallel_loop3A_593 = arith.index_cast %parallel_loop3A_553 : i32 to index
        %parallel_loop3A_594 = arith.constant 48 : index
        %parallel_loop3A_595 = tpu.vector_load %arg5[%parallel_loop3A_592, %parallel_loop3A_593, %parallel_loop3A_594] {strides = array<i32>} : memref<5x16x1024xf32, #tpu.memory_space<vmem>>, vector<1x1x16xf32>,
        %parallel_loop3A_596 = vector.shape_cast %parallel_loop3A_595 : vector<1x1x16xf32> to vector<16xf32>
        %parallel_loop3A_597 = vector.shape_cast %parallel_loop3A_591 : vector<16xf32> to vector<1x1x16xf32>
        tpu.vector_store %arg5[%parallel_loop3A_592, %parallel_loop3A_593, %parallel_loop3A_594], %parallel_loop3A_597 {add = true, strides = array<i32>} : memref<5x16x1024xf32, #tpu.memory_space<vmem>>, vector<1x1x16xf32>,
        %parallel_loop3A_598 = arith.index_cast %select_n3A_424 : i32 to index
        %parallel_loop3A_599 = arith.index_cast %parallel_loop3A_553 : i32 to index
        %parallel_loop3A_600 = arith.constant 64 : index
        %parallel_loop3A_601 = tpu.vector_load %arg6[%parallel_loop3A_598, %parallel_loop3A_599, %parallel_loop3A_600] {strides = array<i32>} : memref<2x16x1024xf32, #tpu.memory_space<vmem>>, vector<1x1x16xf32>,
        %parallel_loop3A_602 = vector.shape_cast %parallel_loop3A_601 : vector<1x1x16xf32> to vector<16xf32>
        %parallel_loop3A_603 = arith.index_cast %select_n3A_408 : i32 to index
        %parallel_loop3A_604 = arith.index_cast %parallel_loop3A_553 : i32 to index
        %parallel_loop3A_605 = arith.constant 64 : index
        %parallel_loop3A_606 = tpu.vector_load %arg5[%parallel_loop3A_603, %parallel_loop3A_604, %parallel_loop3A_605] {strides = array<i32>} : memref<5x16x1024xf32, #tpu.memory_space<vmem>>, vector<1x1x16xf32>,
        %parallel_loop3A_607 = vector.shape_cast %parallel_loop3A_606 : vector<1x1x16xf32> to vector<16xf32>
        %parallel_loop3A_608 = vector.shape_cast %parallel_loop3A_602 : vector<16xf32> to vector<1x1x16xf32>
        tpu.vector_store %arg5[%parallel_loop3A_603, %parallel_loop3A_604, %parallel_loop3A_605], %parallel_loop3A_608 {add = true, strides = array<i32>} : memref<5x16x1024xf32, #tpu.memory_space<vmem>>, vector<1x1x16xf32>,
        %parallel_loop3A_609 = arith.index_cast %select_n3A_424 : i32 to index
        %parallel_loop3A_610 = arith.index_cast %parallel_loop3A_553 : i32 to index
        %parallel_loop3A_611 = arith.constant 80 : index
        %parallel_loop3A_612 = tpu.vector_load %arg6[%parallel_loop3A_609, %parallel_loop3A_610, %parallel_loop3A_611] {strides = array<i32>} : memref<2x16x1024xf32, #tpu.memory_space<vmem>>, vector<1x1x16xf32>,
        %parallel_loop3A_613 = vector.shape_cast %parallel_loop3A_612 : vector<1x1x16xf32> to vector<16xf32>
        %parallel_loop3A_614 = arith.index_cast %select_n3A_408 : i32 to index
        %parallel_loop3A_615 = arith.index_cast %parallel_loop3A_553 : i32 to index
        %parallel_loop3A_616 = arith.constant 80 : index
        %parallel_loop3A_617 = tpu.vector_load %arg5[%parallel_loop3A_614, %parallel_loop3A_615, %parallel_loop3A_616] {strides = array<i32>} : memref<5x16x1024xf32, #tpu.memory_space<vmem>>, vector<1x1x16xf32>,
        %parallel_loop3A_618 = vector.shape_cast %parallel_loop3A_617 : vector<1x1x16xf32> to vector<16xf32>
        %parallel_loop3A_619 = vector.shape_cast %parallel_loop3A_613 : vector<16xf32> to vector<1x1x16xf32>
        tpu.vector_store %arg5[%parallel_loop3A_614, %parallel_loop3A_615, %parallel_loop3A_616], %parallel_loop3A_619 {add = true, strides = array<i32>} : memref<5x16x1024xf32, #tpu.memory_space<vmem>>, vector<1x1x16xf32>,
        %parallel_loop3A_620 = arith.index_cast %select_n3A_424 : i32 to index
        %parallel_loop3A_621 = arith.index_cast %parallel_loop3A_553 : i32 to index
        %parallel_loop3A_622 = arith.constant 96 : index
        %parallel_loop3A_623 = tpu.vector_load %arg6[%parallel_loop3A_620, %parallel_loop3A_621, %parallel_loop3A_622] {strides = array<i32>} : memref<2x16x1024xf32, #tpu.memory_space<vmem>>, vector<1x1x16xf32>,
        %parallel_loop3A_624 = vector.shape_cast %parallel_loop3A_623 : vector<1x1x16xf32> to vector<16xf32>
        %parallel_loop3A_625 = arith.index_cast %select_n3A_408 : i32 to index
        %parallel_loop3A_626 = arith.index_cast %parallel_loop3A_553 : i32 to index
        %parallel_loop3A_627 = arith.constant 96 : index
        %parallel_loop3A_628 = tpu.vector_load %arg5[%parallel_loop3A_625, %parallel_loop3A_626, %parallel_loop3A_627] {strides = array<i32>} : memref<5x16x1024xf32, #tpu.memory_space<vmem>>, vector<1x1x16xf32>,
        %parallel_loop3A_629 = vector.shape_cast %parallel_loop3A_628 : vector<1x1x16xf32> to vector<16xf32>
        %parallel_loop3A_630 = vector.shape_cast %parallel_loop3A_624 : vector<16xf32> to vector<1x1x16xf32>
        tpu.vector_store %arg5[%parallel_loop3A_625, %parallel_loop3A_626, %parallel_loop3A_627], %parallel_loop3A_630 {add = true, strides = array<i32>} : memref<5x16x1024xf32, #tpu.memory_space<vmem>>, vector<1x1x16xf32>,
        %parallel_loop3A_631 = arith.index_cast %select_n3A_424 : i32 to index
        %parallel_loop3A_632 = arith.index_cast %parallel_loop3A_553 : i32 to index
        %parallel_loop3A_633 = arith.constant 112 : index
        %parallel_loop3A_634 = tpu.vector_load %arg6[%parallel_loop3A_631, %parallel_loop3A_632, %parallel_loop3A_633] {strides = array<i32>} : memref<2x16x1024xf32, #tpu.memory_space<vmem>>, vector<1x1x16xf32>,
        %parallel_loop3A_635 = vector.shape_cast %parallel_loop3A_634 : vector<1x1x16xf32> to vector<16xf32>
        %parallel_loop3A_636 = arith.index_cast %select_n3A_408 : i32 to index
        %parallel_loop3A_637 = arith.index_cast %parallel_loop3A_553 : i32 to index
        %parallel_loop3A_638 = arith.constant 112 : index
        %parallel_loop3A_639 = tpu.vector_load %arg5[%parallel_loop3A_636, %parallel_loop3A_637, %parallel_loop3A_638] {strides = array<i32>} : memref<5x16x1024xf32, #tpu.memory_space<vmem>>, vector<1x1x16xf32>,
        %parallel_loop3A_640 = vector.shape_cast %parallel_loop3A_639 : vector<1x1x16xf32> to vector<16xf32>
        %parallel_loop3A_641 = vector.shape_cast %parallel_loop3A_635 : vector<16xf32> to vector<1x1x16xf32>
        tpu.vector_store %arg5[%parallel_loop3A_636, %parallel_loop3A_637, %parallel_loop3A_638], %parallel_loop3A_641 {add = true, strides = array<i32>} : memref<5x16x1024xf32, #tpu.memory_space<vmem>>, vector<1x1x16xf32>,
        %parallel_loop3A_642 = arith.index_cast %select_n3A_424 : i32 to index
        %parallel_loop3A_643 = arith.index_cast %parallel_loop3A_553 : i32 to index
        %parallel_loop3A_644 = arith.constant 128 : index
        %parallel_loop3A_645 = tpu.vector_load %arg6[%parallel_loop3A_642, %parallel_loop3A_643, %parallel_loop3A_644] {strides = array<i32>} : memref<2x16x1024xf32, #tpu.memory_space<vmem>>, vector<1x1x16xf32>,
        %parallel_loop3A_646 = vector.shape_cast %parallel_loop3A_645 : vector<1x1x16xf32> to vector<16xf32>
        %parallel_loop3A_647 = arith.index_cast %select_n3A_408 : i32 to index
        %parallel_loop3A_648 = arith.index_cast %parallel_loop3A_553 : i32 to index
        %parallel_loop3A_649 = arith.constant 128 : index
        %parallel_loop3A_650 = tpu.vector_load %arg5[%parallel_loop3A_647, %parallel_loop3A_648, %parallel_loop3A_649] {strides = array<i32>} : memref<5x16x1024xf32, #tpu.memory_space<vmem>>, vector<1x1x16xf32>,
        %parallel_loop3A_651 = vector.shape_cast %parallel_loop3A_650 : vector<1x1x16xf32> to vector<16xf32>
        %parallel_loop3A_652 = vector.shape_cast %parallel_loop3A_646 : vector<16xf32> to vector<1x1x16xf32>
        tpu.vector_store %arg5[%parallel_loop3A_647, %parallel_loop3A_648, %parallel_loop3A_649], %parallel_loop3A_652 {add = true, strides = array<i32>} : memref<5x16x1024xf32, #tpu.memory_space<vmem>>, vector<1x1x16xf32>,
        %parallel_loop3A_653 = arith.index_cast %select_n3A_424 : i32 to index
        %parallel_loop3A_654 = arith.index_cast %parallel_loop3A_553 : i32 to index
        %parallel_loop3A_655 = arith.constant 144 : index
        %parallel_loop3A_656 = tpu.vector_load %arg6[%parallel_loop3A_653, %parallel_loop3A_654, %parallel_loop3A_655] {strides = array<i32>} : memref<2x16x1024xf32, #tpu.memory_space<vmem>>, vector<1x1x16xf32>,
        %parallel_loop3A_657 = vector.shape_cast %parallel_loop3A_656 : vector<1x1x16xf32> to vector<16xf32>
        %parallel_loop3A_658 = arith.index_cast %select_n3A_408 : i32 to index
        %parallel_loop3A_659 = arith.index_cast %parallel_loop3A_553 : i32 to index
        %parallel_loop3A_660 = arith.constant 144 : index
        %parallel_loop3A_661 = tpu.vector_load %arg5[%parallel_loop3A_658, %parallel_loop3A_659, %parallel_loop3A_660] {strides = array<i32>} : memref<5x16x1024xf32, #tpu.memory_space<vmem>>, vector<1x1x16xf32>,
        %parallel_loop3A_662 = vector.shape_cast %parallel_loop3A_661 : vector<1x1x16xf32> to vector<16xf32>
        %parallel_loop3A_663 = vector.shape_cast %parallel_loop3A_657 : vector<16xf32> to vector<1x1x16xf32>
        tpu.vector_store %arg5[%parallel_loop3A_658, %parallel_loop3A_659, %parallel_loop3A_660], %parallel_loop3A_663 {add = true, strides = array<i32>} : memref<5x16x1024xf32, #tpu.memory_space<vmem>>, vector<1x1x16xf32>,
        %parallel_loop3A_664 = arith.index_cast %select_n3A_424 : i32 to index
        %parallel_loop3A_665 = arith.index_cast %parallel_loop3A_553 : i32 to index
        %parallel_loop3A_666 = arith.constant 160 : index
        %parallel_loop3A_667 = tpu.vector_load %arg6[%parallel_loop3A_664, %parallel_loop3A_665, %parallel_loop3A_666] {strides = array<i32>} : memref<2x16x1024xf32, #tpu.memory_space<vmem>>, vector<1x1x16xf32>,
        %parallel_loop3A_668 = vector.shape_cast %parallel_loop3A_667 : vector<1x1x16xf32> to vector<16xf32>
        %parallel_loop3A_669 = arith.index_cast %select_n3A_408 : i32 to index
        %parallel_loop3A_670 = arith.index_cast %parallel_loop3A_553 : i32 to index
        %parallel_loop3A_671 = arith.constant 160 : index
        %parallel_loop3A_672 = tpu.vector_load %arg5[%parallel_loop3A_669, %parallel_loop3A_670, %parallel_loop3A_671] {strides = array<i32>} : memref<5x16x1024xf32, #tpu.memory_space<vmem>>, vector<1x1x16xf32>,
        %parallel_loop3A_673 = vector.shape_cast %parallel_loop3A_672 : vector<1x1x16xf32> to vector<16xf32>
        %parallel_loop3A_674 = vector.shape_cast %parallel_loop3A_668 : vector<16xf32> to vector<1x1x16xf32>
        tpu.vector_store %arg5[%parallel_loop3A_669, %parallel_loop3A_670, %parallel_loop3A_671], %parallel_loop3A_674 {add = true, strides = array<i32>} : memref<5x16x1024xf32, #tpu.memory_space<vmem>>, vector<1x1x16xf32>,
        %parallel_loop3A_675 = arith.index_cast %select_n3A_424 : i32 to index
        %parallel_loop3A_676 = arith.index_cast %parallel_loop3A_553 : i32 to index
        %parallel_loop3A_677 = arith.constant 176 : index
        %parallel_loop3A_678 = tpu.vector_load %arg6[%parallel_loop3A_675, %parallel_loop3A_676, %parallel_loop3A_677] {strides = array<i32>} : memref<2x16x1024xf32, #tpu.memory_space<vmem>>, vector<1x1x16xf32>,
        %parallel_loop3A_679 = vector.shape_cast %parallel_loop3A_678 : vector<1x1x16xf32> to vector<16xf32>
        %parallel_loop3A_680 = arith.index_cast %select_n3A_408 : i32 to index
        %parallel_loop3A_681 = arith.index_cast %parallel_loop3A_553 : i32 to index
        %parallel_loop3A_682 = arith.constant 176 : index
        %parallel_loop3A_683 = tpu.vector_load %arg5[%parallel_loop3A_680, %parallel_loop3A_681, %parallel_loop3A_682] {strides = array<i32>} : memref<5x16x1024xf32, #tpu.memory_space<vmem>>, vector<1x1x16xf32>,
        %parallel_loop3A_684 = vector.shape_cast %parallel_loop3A_683 : vector<1x1x16xf32> to vector<16xf32>
        %parallel_loop3A_685 = vector.shape_cast %parallel_loop3A_679 : vector<16xf32> to vector<1x1x16xf32>
        tpu.vector_store %arg5[%parallel_loop3A_680, %parallel_loop3A_681, %parallel_loop3A_682], %parallel_loop3A_685 {add = true, strides = array<i32>} : memref<5x16x1024xf32, #tpu.memory_space<vmem>>, vector<1x1x16xf32>,
        %parallel_loop3A_686 = arith.index_cast %select_n3A_424 : i32 to index
        %parallel_loop3A_687 = arith.index_cast %parallel_loop3A_553 : i32 to index
        %parallel_loop3A_688 = arith.constant 192 : index
        %parallel_loop3A_689 = tpu.vector_load %arg6[%parallel_loop3A_686, %parallel_loop3A_687, %parallel_loop3A_688] {strides = array<i32>} : memref<2x16x1024xf32, #tpu.memory_space<vmem>>, vector<1x1x16xf32>,
        %parallel_loop3A_690 = vector.shape_cast %parallel_loop3A_689 : vector<1x1x16xf32> to vector<16xf32>
        %parallel_loop3A_691 = arith.index_cast %select_n3A_408 : i32 to index
        %parallel_loop3A_692 = arith.index_cast %parallel_loop3A_553 : i32 to index
        %parallel_loop3A_693 = arith.constant 192 : index
        %parallel_loop3A_694 = tpu.vector_load %arg5[%parallel_loop3A_691, %parallel_loop3A_692, %parallel_loop3A_693] {strides = array<i32>} : memref<5x16x1024xf32, #tpu.memory_space<vmem>>, vector<1x1x16xf32>,
        %parallel_loop3A_695 = vector.shape_cast %parallel_loop3A_694 : vector<1x1x16xf32> to vector<16xf32>
        %parallel_loop3A_696 = vector.shape_cast %parallel_loop3A_690 : vector<16xf32> to vector<1x1x16xf32>
        tpu.vector_store %arg5[%parallel_loop3A_691, %parallel_loop3A_692, %parallel_loop3A_693], %parallel_loop3A_696 {add = true, strides = array<i32>} : memref<5x16x1024xf32, #tpu.memory_space<vmem>>, vector<1x1x16xf32>,
        %parallel_loop3A_697 = arith.index_cast %select_n3A_424 : i32 to index
        %parallel_loop3A_698 = arith.index_cast %parallel_loop3A_553 : i32 to index
        %parallel_loop3A_699 = arith.constant 208 : index
        %parallel_loop3A_700 = tpu.vector_load %arg6[%parallel_loop3A_697, %parallel_loop3A_698, %parallel_loop3A_699] {strides = array<i32>} : memref<2x16x1024xf32, #tpu.memory_space<vmem>>, vector<1x1x16xf32>,
        %parallel_loop3A_701 = vector.shape_cast %parallel_loop3A_700 : vector<1x1x16xf32> to vector<16xf32>
        %parallel_loop3A_702 = arith.index_cast %select_n3A_408 : i32 to index
        %parallel_loop3A_703 = arith.index_cast %parallel_loop3A_553 : i32 to index
        %parallel_loop3A_704 = arith.constant 208 : index
        %parallel_loop3A_705 = tpu.vector_load %arg5[%parallel_loop3A_702, %parallel_loop3A_703, %parallel_loop3A_704] {strides = array<i32>} : memref<5x16x1024xf32, #tpu.memory_space<vmem>>, vector<1x1x16xf32>,
        %parallel_loop3A_706 = vector.shape_cast %parallel_loop3A_705 : vector<1x1x16xf32> to vector<16xf32>
        %parallel_loop3A_707 = vector.shape_cast %parallel_loop3A_701 : vector<16xf32> to vector<1x1x16xf32>
        tpu.vector_store %arg5[%parallel_loop3A_702, %parallel_loop3A_703, %parallel_loop3A_704], %parallel_loop3A_707 {add = true, strides = array<i32>} : memref<5x16x1024xf32, #tpu.memory_space<vmem>>, vector<1x1x16xf32>,
        %parallel_loop3A_708 = arith.index_cast %select_n3A_424 : i32 to index
        %parallel_loop3A_709 = arith.index_cast %parallel_loop3A_553 : i32 to index
        %parallel_loop3A_710 = arith.constant 224 : index
        %parallel_loop3A_711 = tpu.vector_load %arg6[%parallel_loop3A_708, %parallel_loop3A_709, %parallel_loop3A_710] {strides = array<i32>} : memref<2x16x1024xf32, #tpu.memory_space<vmem>>, vector<1x1x16xf32>,
        %parallel_loop3A_712 = vector.shape_cast %parallel_loop3A_711 : vector<1x1x16xf32> to vector<16xf32>
        %parallel_loop3A_713 = arith.index_cast %select_n3A_408 : i32 to index
        %parallel_loop3A_714 = arith.index_cast %parallel_loop3A_553 : i32 to index
        %parallel_loop3A_715 = arith.constant 224 : index
        %parallel_loop3A_716 = tpu.vector_load %arg5[%parallel_loop3A_713, %parallel_loop3A_714, %parallel_loop3A_715] {strides = array<i32>} : memref<5x16x1024xf32, #tpu.memory_space<vmem>>, vector<1x1x16xf32>,
        %parallel_loop3A_717 = vector.shape_cast %parallel_loop3A_716 : vector<1x1x16xf32> to vector<16xf32>
        %parallel_loop3A_718 = vector.shape_cast %parallel_loop3A_712 : vector<16xf32> to vector<1x1x16xf32>
        tpu.vector_store %arg5[%parallel_loop3A_713, %parallel_loop3A_714, %parallel_loop3A_715], %parallel_loop3A_718 {add = true, strides = array<i32>} : memref<5x16x1024xf32, #tpu.memory_space<vmem>>, vector<1x1x16xf32>,
        %parallel_loop3A_719 = arith.index_cast %select_n3A_424 : i32 to index
        %parallel_loop3A_720 = arith.index_cast %parallel_loop3A_553 : i32 to index
        %parallel_loop3A_721 = arith.constant 240 : index
        %parallel_loop3A_722 = tpu.vector_load %arg6[%parallel_loop3A_719, %parallel_loop3A_720, %parallel_loop3A_721] {strides = array<i32>} : memref<2x16x1024xf32, #tpu.memory_space<vmem>>, vector<1x1x16xf32>,
        %parallel_loop3A_723 = vector.shape_cast %parallel_loop3A_722 : vector<1x1x16xf32> to vector<16xf32>
        %parallel_loop3A_724 = arith.index_cast %select_n3A_408 : i32 to index
        %parallel_loop3A_725 = arith.index_cast %parallel_loop3A_553 : i32 to index
        %parallel_loop3A_726 = arith.constant 240 : index
        %parallel_loop3A_727 = tpu.vector_load %arg5[%parallel_loop3A_724, %parallel_loop3A_725, %parallel_loop3A_726] {strides = array<i32>} : memref<5x16x1024xf32, #tpu.memory_space<vmem>>, vector<1x1x16xf32>,
        %parallel_loop3A_728 = vector.shape_cast %parallel_loop3A_727 : vector<1x1x16xf32> to vector<16xf32>
        %parallel_loop3A_729 = vector.shape_cast %parallel_loop3A_723 : vector<16xf32> to vector<1x1x16xf32>
        tpu.vector_store %arg5[%parallel_loop3A_724, %parallel_loop3A_725, %parallel_loop3A_726], %parallel_loop3A_729 {add = true, strides = array<i32>} : memref<5x16x1024xf32, #tpu.memory_space<vmem>>, vector<1x1x16xf32>,
        %parallel_loop3A_730 = arith.index_cast %select_n3A_424 : i32 to index
        %parallel_loop3A_731 = arith.index_cast %parallel_loop3A_553 : i32 to index
        %parallel_loop3A_732 = arith.constant 256 : index
        %parallel_loop3A_733 = tpu.vector_load %arg6[%parallel_loop3A_730, %parallel_loop3A_731, %parallel_loop3A_732] {strides = array<i32>} : memref<2x16x1024xf32, #tpu.memory_space<vmem>>, vector<1x1x16xf32>,
        %parallel_loop3A_734 = vector.shape_cast %parallel_loop3A_733 : vector<1x1x16xf32> to vector<16xf32>
        %parallel_loop3A_735 = arith.index_cast %select_n3A_408 : i32 to index
        %parallel_loop3A_736 = arith.index_cast %parallel_loop3A_553 : i32 to index
        %parallel_loop3A_737 = arith.constant 256 : index
        %parallel_loop3A_738 = tpu.vector_load %arg5[%parallel_loop3A_735, %parallel_loop3A_736, %parallel_loop3A_737] {strides = array<i32>} : memref<5x16x1024xf32, #tpu.memory_space<vmem>>, vector<1x1x16xf32>,
        %parallel_loop3A_739 = vector.shape_cast %parallel_loop3A_738 : vector<1x1x16xf32> to vector<16xf32>
        %parallel_loop3A_740 = vector.shape_cast %parallel_loop3A_734 : vector<16xf32> to vector<1x1x16xf32>
        tpu.vector_store %arg5[%parallel_loop3A_735, %parallel_loop3A_736, %parallel_loop3A_737], %parallel_loop3A_740 {add = true, strides = array<i32>} : memref<5x16x1024xf32, #tpu.memory_space<vmem>>, vector<1x1x16xf32>,
        %parallel_loop3A_741 = arith.index_cast %select_n3A_424 : i32 to index
        %parallel_loop3A_742 = arith.index_cast %parallel_loop3A_553 : i32 to index
        %parallel_loop3A_743 = arith.constant 272 : index
        %parallel_loop3A_744 = tpu.vector_load %arg6[%parallel_loop3A_741, %parallel_loop3A_742, %parallel_loop3A_743] {strides = array<i32>} : memref<2x16x1024xf32, #tpu.memory_space<vmem>>, vector<1x1x16xf32>,
        %parallel_loop3A_745 = vector.shape_cast %parallel_loop3A_744 : vector<1x1x16xf32> to vector<16xf32>
        %parallel_loop3A_746 = arith.index_cast %select_n3A_408 : i32 to index
        %parallel_loop3A_747 = arith.index_cast %parallel_loop3A_553 : i32 to index
        %parallel_loop3A_748 = arith.constant 272 : index
        %parallel_loop3A_749 = tpu.vector_load %arg5[%parallel_loop3A_746, %parallel_loop3A_747, %parallel_loop3A_748] {strides = array<i32>} : memref<5x16x1024xf32, #tpu.memory_space<vmem>>, vector<1x1x16xf32>,
        %parallel_loop3A_750 = vector.shape_cast %parallel_loop3A_749 : vector<1x1x16xf32> to vector<16xf32>
        %parallel_loop3A_751 = vector.shape_cast %parallel_loop3A_745 : vector<16xf32> to vector<1x1x16xf32>
        tpu.vector_store %arg5[%parallel_loop3A_746, %parallel_loop3A_747, %parallel_loop3A_748], %parallel_loop3A_751 {add = true, strides = array<i32>} : memref<5x16x1024xf32, #tpu.memory_space<vmem>>, vector<1x1x16xf32>,
        %parallel_loop3A_752 = arith.index_cast %select_n3A_424 : i32 to index
        %parallel_loop3A_753 = arith.index_cast %parallel_loop3A_553 : i32 to index
        %parallel_loop3A_754 = arith.constant 288 : index
        %parallel_loop3A_755 = tpu.vector_load %arg6[%parallel_loop3A_752, %parallel_loop3A_753, %parallel_loop3A_754] {strides = array<i32>} : memref<2x16x1024xf32, #tpu.memory_space<vmem>>, vector<1x1x16xf32>,
        %parallel_loop3A_756 = vector.shape_cast %parallel_loop3A_755 : vector<1x1x16xf32> to vector<16xf32>
        %parallel_loop3A_757 = arith.index_cast %select_n3A_408 : i32 to index
        %parallel_loop3A_758 = arith.index_cast %parallel_loop3A_553 : i32 to index
        %parallel_loop3A_759 = arith.constant 288 : index
        %parallel_loop3A_760 = tpu.vector_load %arg5[%parallel_loop3A_757, %parallel_loop3A_758, %parallel_loop3A_759] {strides = array<i32>} : memref<5x16x1024xf32, #tpu.memory_space<vmem>>, vector<1x1x16xf32>,
        %parallel_loop3A_761 = vector.shape_cast %parallel_loop3A_760 : vector<1x1x16xf32> to vector<16xf32>
        %parallel_loop3A_762 = vector.shape_cast %parallel_loop3A_756 : vector<16xf32> to vector<1x1x16xf32>
        tpu.vector_store %arg5[%parallel_loop3A_757, %parallel_loop3A_758, %parallel_loop3A_759], %parallel_loop3A_762 {add = true, strides = array<i32>} : memref<5x16x1024xf32, #tpu.memory_space<vmem>>, vector<1x1x16xf32>,
        %parallel_loop3A_763 = arith.index_cast %select_n3A_424 : i32 to index
        %parallel_loop3A_764 = arith.index_cast %parallel_loop3A_553 : i32 to index
        %parallel_loop3A_765 = arith.constant 304 : index
        %parallel_loop3A_766 = tpu.vector_load %arg6[%parallel_loop3A_763, %parallel_loop3A_764, %parallel_loop3A_765] {strides = array<i32>} : memref<2x16x1024xf32, #tpu.memory_space<vmem>>, vector<1x1x16xf32>,
        %parallel_loop3A_767 = vector.shape_cast %parallel_loop3A_766 : vector<1x1x16xf32> to vector<16xf32>
        %parallel_loop3A_768 = arith.index_cast %select_n3A_408 : i32 to index
        %parallel_loop3A_769 = arith.index_cast %parallel_loop3A_553 : i32 to index
        %parallel_loop3A_770 = arith.constant 304 : index
        %parallel_loop3A_771 = tpu.vector_load %arg5[%parallel_loop3A_768, %parallel_loop3A_769, %parallel_loop3A_770] {strides = array<i32>} : memref<5x16x1024xf32, #tpu.memory_space<vmem>>, vector<1x1x16xf32>,
        %parallel_loop3A_772 = vector.shape_cast %parallel_loop3A_771 : vector<1x1x16xf32> to vector<16xf32>
        %parallel_loop3A_773 = vector.shape_cast %parallel_loop3A_767 : vector<16xf32> to vector<1x1x16xf32>
        tpu.vector_store %arg5[%parallel_loop3A_768, %parallel_loop3A_769, %parallel_loop3A_770], %parallel_loop3A_773 {add = true, strides = array<i32>} : memref<5x16x1024xf32, #tpu.memory_space<vmem>>, vector<1x1x16xf32>,
        %parallel_loop3A_774 = arith.index_cast %select_n3A_424 : i32 to index
        %parallel_loop3A_775 = arith.index_cast %parallel_loop3A_553 : i32 to index
        %parallel_loop3A_776 = arith.constant 320 : index
        %parallel_loop3A_777 = tpu.vector_load %arg6[%parallel_loop3A_774, %parallel_loop3A_775, %parallel_loop3A_776] {strides = array<i32>} : memref<2x16x1024xf32, #tpu.memory_space<vmem>>, vector<1x1x16xf32>,
        %parallel_loop3A_778 = vector.shape_cast %parallel_loop3A_777 : vector<1x1x16xf32> to vector<16xf32>
        %parallel_loop3A_779 = arith.index_cast %select_n3A_408 : i32 to index
        %parallel_loop3A_780 = arith.index_cast %parallel_loop3A_553 : i32 to index
        %parallel_loop3A_781 = arith.constant 320 : index
        %parallel_loop3A_782 = tpu.vector_load %arg5[%parallel_loop3A_779, %parallel_loop3A_780, %parallel_loop3A_781] {strides = array<i32>} : memref<5x16x1024xf32, #tpu.memory_space<vmem>>, vector<1x1x16xf32>,
        %parallel_loop3A_783 = vector.shape_cast %parallel_loop3A_782 : vector<1x1x16xf32> to vector<16xf32>
        %parallel_loop3A_784 = vector.shape_cast %parallel_loop3A_778 : vector<16xf32> to vector<1x1x16xf32>
        tpu.vector_store %arg5[%parallel_loop3A_779, %parallel_loop3A_780, %parallel_loop3A_781], %parallel_loop3A_784 {add = true, strides = array<i32>} : memref<5x16x1024xf32, #tpu.memory_space<vmem>>, vector<1x1x16xf32>,
        %parallel_loop3A_785 = arith.index_cast %select_n3A_424 : i32 to index
        %parallel_loop3A_786 = arith.index_cast %parallel_loop3A_553 : i32 to index
        %parallel_loop3A_787 = arith.constant 336 : index
        %parallel_loop3A_788 = tpu.vector_load %arg6[%parallel_loop3A_785, %parallel_loop3A_786, %parallel_loop3A_787] {strides = array<i32>} : memref<2x16x1024xf32, #tpu.memory_space<vmem>>, vector<1x1x16xf32>,
        %parallel_loop3A_789 = vector.shape_cast %parallel_loop3A_788 : vector<1x1x16xf32> to vector<16xf32>
        %parallel_loop3A_790 = arith.index_cast %select_n3A_408 : i32 to index
        %parallel_loop3A_791 = arith.index_cast %parallel_loop3A_553 : i32 to index
        %parallel_loop3A_792 = arith.constant 336 : index
        %parallel_loop3A_793 = tpu.vector_load %arg5[%parallel_loop3A_790, %parallel_loop3A_791, %parallel_loop3A_792] {strides = array<i32>} : memref<5x16x1024xf32, #tpu.memory_space<vmem>>, vector<1x1x16xf32>,
        %parallel_loop3A_794 = vector.shape_cast %parallel_loop3A_793 : vector<1x1x16xf32> to vector<16xf32>
        %parallel_loop3A_795 = vector.shape_cast %parallel_loop3A_789 : vector<16xf32> to vector<1x1x16xf32>
        tpu.vector_store %arg5[%parallel_loop3A_790, %parallel_loop3A_791, %parallel_loop3A_792], %parallel_loop3A_795 {add = true, strides = array<i32>} : memref<5x16x1024xf32, #tpu.memory_space<vmem>>, vector<1x1x16xf32>,
        %parallel_loop3A_796 = arith.index_cast %select_n3A_424 : i32 to index
        %parallel_loop3A_797 = arith.index_cast %parallel_loop3A_553 : i32 to index
        %parallel_loop3A_798 = arith.constant 352 : index
        %parallel_loop3A_799 = tpu.vector_load %arg6[%parallel_loop3A_796, %parallel_loop3A_797, %parallel_loop3A_798] {strides = array<i32>} : memref<2x16x1024xf32, #tpu.memory_space<vmem>>, vector<1x1x16xf32>,
        %parallel_loop3A_800 = vector.shape_cast %parallel_loop3A_799 : vector<1x1x16xf32> to vector<16xf32>
        %parallel_loop3A_801 = arith.index_cast %select_n3A_408 : i32 to index
        %parallel_loop3A_802 = arith.index_cast %parallel_loop3A_553 : i32 to index
        %parallel_loop3A_803 = arith.constant 352 : index
        %parallel_loop3A_804 = tpu.vector_load %arg5[%parallel_loop3A_801, %parallel_loop3A_802, %parallel_loop3A_803] {strides = array<i32>} : memref<5x16x1024xf32, #tpu.memory_space<vmem>>, vector<1x1x16xf32>,
        %parallel_loop3A_805 = vector.shape_cast %parallel_loop3A_804 : vector<1x1x16xf32> to vector<16xf32>
        %parallel_loop3A_806 = vector.shape_cast %parallel_loop3A_800 : vector<16xf32> to vector<1x1x16xf32>
        tpu.vector_store %arg5[%parallel_loop3A_801, %parallel_loop3A_802, %parallel_loop3A_803], %parallel_loop3A_806 {add = true, strides = array<i32>} : memref<5x16x1024xf32, #tpu.memory_space<vmem>>, vector<1x1x16xf32>,
        %parallel_loop3A_807 = arith.index_cast %select_n3A_424 : i32 to index
        %parallel_loop3A_808 = arith.index_cast %parallel_loop3A_553 : i32 to index
        %parallel_loop3A_809 = arith.constant 368 : index
        %parallel_loop3A_810 = tpu.vector_load %arg6[%parallel_loop3A_807, %parallel_loop3A_808, %parallel_loop3A_809] {strides = array<i32>} : memref<2x16x1024xf32, #tpu.memory_space<vmem>>, vector<1x1x16xf32>,
        %parallel_loop3A_811 = vector.shape_cast %parallel_loop3A_810 : vector<1x1x16xf32> to vector<16xf32>
        %parallel_loop3A_812 = arith.index_cast %select_n3A_408 : i32 to index
        %parallel_loop3A_813 = arith.index_cast %parallel_loop3A_553 : i32 to index
        %parallel_loop3A_814 = arith.constant 368 : index
        %parallel_loop3A_815 = tpu.vector_load %arg5[%parallel_loop3A_812, %parallel_loop3A_813, %parallel_loop3A_814] {strides = array<i32>} : memref<5x16x1024xf32, #tpu.memory_space<vmem>>, vector<1x1x16xf32>,
        %parallel_loop3A_816 = vector.shape_cast %parallel_loop3A_815 : vector<1x1x16xf32> to vector<16xf32>
        %parallel_loop3A_817 = vector.shape_cast %parallel_loop3A_811 : vector<16xf32> to vector<1x1x16xf32>
        tpu.vector_store %arg5[%parallel_loop3A_812, %parallel_loop3A_813, %parallel_loop3A_814], %parallel_loop3A_817 {add = true, strides = array<i32>} : memref<5x16x1024xf32, #tpu.memory_space<vmem>>, vector<1x1x16xf32>,
        %parallel_loop3A_818 = arith.index_cast %select_n3A_424 : i32 to index
        %parallel_loop3A_819 = arith.index_cast %parallel_loop3A_553 : i32 to index
        %parallel_loop3A_820 = arith.constant 384 : index
        %parallel_loop3A_821 = tpu.vector_load %arg6[%parallel_loop3A_818, %parallel_loop3A_819, %parallel_loop3A_820] {strides = array<i32>} : memref<2x16x1024xf32, #tpu.memory_space<vmem>>, vector<1x1x16xf32>,
        %parallel_loop3A_822 = vector.shape_cast %parallel_loop3A_821 : vector<1x1x16xf32> to vector<16xf32>
        %parallel_loop3A_823 = arith.index_cast %select_n3A_408 : i32 to index
        %parallel_loop3A_824 = arith.index_cast %parallel_loop3A_553 : i32 to index
        %parallel_loop3A_825 = arith.constant 384 : index
        %parallel_loop3A_826 = tpu.vector_load %arg5[%parallel_loop3A_823, %parallel_loop3A_824, %parallel_loop3A_825] {strides = array<i32>} : memref<5x16x1024xf32, #tpu.memory_space<vmem>>, vector<1x1x16xf32>,
        %parallel_loop3A_827 = vector.shape_cast %parallel_loop3A_826 : vector<1x1x16xf32> to vector<16xf32>
        %parallel_loop3A_828 = vector.shape_cast %parallel_loop3A_822 : vector<16xf32> to vector<1x1x16xf32>
        tpu.vector_store %arg5[%parallel_loop3A_823, %parallel_loop3A_824, %parallel_loop3A_825], %parallel_loop3A_828 {add = true, strides = array<i32>} : memref<5x16x1024xf32, #tpu.memory_space<vmem>>, vector<1x1x16xf32>,
        %parallel_loop3A_829 = arith.index_cast %select_n3A_424 : i32 to index
        %parallel_loop3A_830 = arith.index_cast %parallel_loop3A_553 : i32 to index
        %parallel_loop3A_831 = arith.constant 400 : index
        %parallel_loop3A_832 = tpu.vector_load %arg6[%parallel_loop3A_829, %parallel_loop3A_830, %parallel_loop3A_831] {strides = array<i32>} : memref<2x16x1024xf32, #tpu.memory_space<vmem>>, vector<1x1x16xf32>,
        %parallel_loop3A_833 = vector.shape_cast %parallel_loop3A_832 : vector<1x1x16xf32> to vector<16xf32>
        %parallel_loop3A_834 = arith.index_cast %select_n3A_408 : i32 to index
        %parallel_loop3A_835 = arith.index_cast %parallel_loop3A_553 : i32 to index
        %parallel_loop3A_836 = arith.constant 400 : index
        %parallel_loop3A_837 = tpu.vector_load %arg5[%parallel_loop3A_834, %parallel_loop3A_835, %parallel_loop3A_836] {strides = array<i32>} : memref<5x16x1024xf32, #tpu.memory_space<vmem>>, vector<1x1x16xf32>,
        %parallel_loop3A_838 = vector.shape_cast %parallel_loop3A_837 : vector<1x1x16xf32> to vector<16xf32>
        %parallel_loop3A_839 = vector.shape_cast %parallel_loop3A_833 : vector<16xf32> to vector<1x1x16xf32>
        tpu.vector_store %arg5[%parallel_loop3A_834, %parallel_loop3A_835, %parallel_loop3A_836], %parallel_loop3A_839 {add = true, strides = array<i32>} : memref<5x16x1024xf32, #tpu.memory_space<vmem>>, vector<1x1x16xf32>,
        %parallel_loop3A_840 = arith.index_cast %select_n3A_424 : i32 to index
        %parallel_loop3A_841 = arith.index_cast %parallel_loop3A_553 : i32 to index
        %parallel_loop3A_842 = arith.constant 416 : index
        %parallel_loop3A_843 = tpu.vector_load %arg6[%parallel_loop3A_840, %parallel_loop3A_841, %parallel_loop3A_842] {strides = array<i32>} : memref<2x16x1024xf32, #tpu.memory_space<vmem>>, vector<1x1x16xf32>,
        %parallel_loop3A_844 = vector.shape_cast %parallel_loop3A_843 : vector<1x1x16xf32> to vector<16xf32>
        %parallel_loop3A_845 = arith.index_cast %select_n3A_408 : i32 to index
        %parallel_loop3A_846 = arith.index_cast %parallel_loop3A_553 : i32 to index
        %parallel_loop3A_847 = arith.constant 416 : index
        %parallel_loop3A_848 = tpu.vector_load %arg5[%parallel_loop3A_845, %parallel_loop3A_846, %parallel_loop3A_847] {strides = array<i32>} : memref<5x16x1024xf32, #tpu.memory_space<vmem>>, vector<1x1x16xf32>,
        %parallel_loop3A_849 = vector.shape_cast %parallel_loop3A_848 : vector<1x1x16xf32> to vector<16xf32>
        %parallel_loop3A_850 = vector.shape_cast %parallel_loop3A_844 : vector<16xf32> to vector<1x1x16xf32>
        tpu.vector_store %arg5[%parallel_loop3A_845, %parallel_loop3A_846, %parallel_loop3A_847], %parallel_loop3A_850 {add = true, strides = array<i32>} : memref<5x16x1024xf32, #tpu.memory_space<vmem>>, vector<1x1x16xf32>,
        %parallel_loop3A_851 = arith.index_cast %select_n3A_424 : i32 to index
        %parallel_loop3A_852 = arith.index_cast %parallel_loop3A_553 : i32 to index
        %parallel_loop3A_853 = arith.constant 432 : index
        %parallel_loop3A_854 = tpu.vector_load %arg6[%parallel_loop3A_851, %parallel_loop3A_852, %parallel_loop3A_853] {strides = array<i32>} : memref<2x16x1024xf32, #tpu.memory_space<vmem>>, vector<1x1x16xf32>,
        %parallel_loop3A_855 = vector.shape_cast %parallel_loop3A_854 : vector<1x1x16xf32> to vector<16xf32>
        %parallel_loop3A_856 = arith.index_cast %select_n3A_408 : i32 to index
        %parallel_loop3A_857 = arith.index_cast %parallel_loop3A_553 : i32 to index
        %parallel_loop3A_858 = arith.constant 432 : index
        %parallel_loop3A_859 = tpu.vector_load %arg5[%parallel_loop3A_856, %parallel_loop3A_857, %parallel_loop3A_858] {strides = array<i32>} : memref<5x16x1024xf32, #tpu.memory_space<vmem>>, vector<1x1x16xf32>,
        %parallel_loop3A_860 = vector.shape_cast %parallel_loop3A_859 : vector<1x1x16xf32> to vector<16xf32>
        %parallel_loop3A_861 = vector.shape_cast %parallel_loop3A_855 : vector<16xf32> to vector<1x1x16xf32>
        tpu.vector_store %arg5[%parallel_loop3A_856, %parallel_loop3A_857, %parallel_loop3A_858], %parallel_loop3A_861 {add = true, strides = array<i32>} : memref<5x16x1024xf32, #tpu.memory_space<vmem>>, vector<1x1x16xf32>,
        %parallel_loop3A_862 = arith.index_cast %select_n3A_424 : i32 to index
        %parallel_loop3A_863 = arith.index_cast %parallel_loop3A_553 : i32 to index
        %parallel_loop3A_864 = arith.constant 448 : index
        %parallel_loop3A_865 = tpu.vector_load %arg6[%parallel_loop3A_862, %parallel_loop3A_863, %parallel_loop3A_864] {strides = array<i32>} : memref<2x16x1024xf32, #tpu.memory_space<vmem>>, vector<1x1x16xf32>,
        %parallel_loop3A_866 = vector.shape_cast %parallel_loop3A_865 : vector<1x1x16xf32> to vector<16xf32>
        %parallel_loop3A_867 = arith.index_cast %select_n3A_408 : i32 to index
        %parallel_loop3A_868 = arith.index_cast %parallel_loop3A_553 : i32 to index
        %parallel_loop3A_869 = arith.constant 448 : index
        %parallel_loop3A_870 = tpu.vector_load %arg5[%parallel_loop3A_867, %parallel_loop3A_868, %parallel_loop3A_869] {strides = array<i32>} : memref<5x16x1024xf32, #tpu.memory_space<vmem>>, vector<1x1x16xf32>,
        %parallel_loop3A_871 = vector.shape_cast %parallel_loop3A_870 : vector<1x1x16xf32> to vector<16xf32>
        %parallel_loop3A_872 = vector.shape_cast %parallel_loop3A_866 : vector<16xf32> to vector<1x1x16xf32>
        tpu.vector_store %arg5[%parallel_loop3A_867, %parallel_loop3A_868, %parallel_loop3A_869], %parallel_loop3A_872 {add = true, strides = array<i32>} : memref<5x16x1024xf32, #tpu.memory_space<vmem>>, vector<1x1x16xf32>,
        %parallel_loop3A_873 = arith.index_cast %select_n3A_424 : i32 to index
        %parallel_loop3A_874 = arith.index_cast %parallel_loop3A_553 : i32 to index
        %parallel_loop3A_875 = arith.constant 464 : index
        %parallel_loop3A_876 = tpu.vector_load %arg6[%parallel_loop3A_873, %parallel_loop3A_874, %parallel_loop3A_875] {strides = array<i32>} : memref<2x16x1024xf32, #tpu.memory_space<vmem>>, vector<1x1x16xf32>,
        %parallel_loop3A_877 = vector.shape_cast %parallel_loop3A_876 : vector<1x1x16xf32> to vector<16xf32>
        %parallel_loop3A_878 = arith.index_cast %select_n3A_408 : i32 to index
        %parallel_loop3A_879 = arith.index_cast %parallel_loop3A_553 : i32 to index
        %parallel_loop3A_880 = arith.constant 464 : index
        %parallel_loop3A_881 = tpu.vector_load %arg5[%parallel_loop3A_878, %parallel_loop3A_879, %parallel_loop3A_880] {strides = array<i32>} : memref<5x16x1024xf32, #tpu.memory_space<vmem>>, vector<1x1x16xf32>,
        %parallel_loop3A_882 = vector.shape_cast %parallel_loop3A_881 : vector<1x1x16xf32> to vector<16xf32>
        %parallel_loop3A_883 = vector.shape_cast %parallel_loop3A_877 : vector<16xf32> to vector<1x1x16xf32>
        tpu.vector_store %arg5[%parallel_loop3A_878, %parallel_loop3A_879, %parallel_loop3A_880], %parallel_loop3A_883 {add = true, strides = array<i32>} : memref<5x16x1024xf32, #tpu.memory_space<vmem>>, vector<1x1x16xf32>,
        %parallel_loop3A_884 = arith.index_cast %select_n3A_424 : i32 to index
        %parallel_loop3A_885 = arith.index_cast %parallel_loop3A_553 : i32 to index
        %parallel_loop3A_886 = arith.constant 480 : index
        %parallel_loop3A_887 = tpu.vector_load %arg6[%parallel_loop3A_884, %parallel_loop3A_885, %parallel_loop3A_886] {strides = array<i32>} : memref<2x16x1024xf32, #tpu.memory_space<vmem>>, vector<1x1x16xf32>,
        %parallel_loop3A_888 = vector.shape_cast %parallel_loop3A_887 : vector<1x1x16xf32> to vector<16xf32>
        %parallel_loop3A_889 = arith.index_cast %select_n3A_408 : i32 to index
        %parallel_loop3A_890 = arith.index_cast %parallel_loop3A_553 : i32 to index
        %parallel_loop3A_891 = arith.constant 480 : index
        %parallel_loop3A_892 = tpu.vector_load %arg5[%parallel_loop3A_889, %parallel_loop3A_890, %parallel_loop3A_891] {strides = array<i32>} : memref<5x16x1024xf32, #tpu.memory_space<vmem>>, vector<1x1x16xf32>,
        %parallel_loop3A_893 = vector.shape_cast %parallel_loop3A_892 : vector<1x1x16xf32> to vector<16xf32>
        %parallel_loop3A_894 = vector.shape_cast %parallel_loop3A_888 : vector<16xf32> to vector<1x1x16xf32>
        tpu.vector_store %arg5[%parallel_loop3A_889, %parallel_loop3A_890, %parallel_loop3A_891], %parallel_loop3A_894 {add = true, strides = array<i32>} : memref<5x16x1024xf32, #tpu.memory_space<vmem>>, vector<1x1x16xf32>,
        %parallel_loop3A_895 = arith.index_cast %select_n3A_424 : i32 to index
        %parallel_loop3A_896 = arith.index_cast %parallel_loop3A_553 : i32 to index
        %parallel_loop3A_897 = arith.constant 496 : index
        %parallel_loop3A_898 = tpu.vector_load %arg6[%parallel_loop3A_895, %parallel_loop3A_896, %parallel_loop3A_897] {strides = array<i32>} : memref<2x16x1024xf32, #tpu.memory_space<vmem>>, vector<1x1x16xf32>,
        %parallel_loop3A_899 = vector.shape_cast %parallel_loop3A_898 : vector<1x1x16xf32> to vector<16xf32>
        %parallel_loop3A_900 = arith.index_cast %select_n3A_408 : i32 to index
        %parallel_loop3A_901 = arith.index_cast %parallel_loop3A_553 : i32 to index
        %parallel_loop3A_902 = arith.constant 496 : index
        %parallel_loop3A_903 = tpu.vector_load %arg5[%parallel_loop3A_900, %parallel_loop3A_901, %parallel_loop3A_902] {strides = array<i32>} : memref<5x16x1024xf32, #tpu.memory_space<vmem>>, vector<1x1x16xf32>,
        %parallel_loop3A_904 = vector.shape_cast %parallel_loop3A_903 : vector<1x1x16xf32> to vector<16xf32>
        %parallel_loop3A_905 = vector.shape_cast %parallel_loop3A_899 : vector<16xf32> to vector<1x1x16xf32>
        tpu.vector_store %arg5[%parallel_loop3A_900, %parallel_loop3A_901, %parallel_loop3A_902], %parallel_loop3A_905 {add = true, strides = array<i32>} : memref<5x16x1024xf32, #tpu.memory_space<vmem>>, vector<1x1x16xf32>,
        %parallel_loop3A_906 = arith.index_cast %select_n3A_424 : i32 to index
        %parallel_loop3A_907 = arith.index_cast %parallel_loop3A_553 : i32 to index
        %parallel_loop3A_908 = arith.constant 512 : index
        %parallel_loop3A_909 = tpu.vector_load %arg6[%parallel_loop3A_906, %parallel_loop3A_907, %parallel_loop3A_908] {strides = array<i32>} : memref<2x16x1024xf32, #tpu.memory_space<vmem>>, vector<1x1x16xf32>,
        %parallel_loop3A_910 = vector.shape_cast %parallel_loop3A_909 : vector<1x1x16xf32> to vector<16xf32>
        %parallel_loop3A_911 = arith.index_cast %select_n3A_408 : i32 to index
        %parallel_loop3A_912 = arith.index_cast %parallel_loop3A_553 : i32 to index
        %parallel_loop3A_913 = arith.constant 512 : index
        %parallel_loop3A_914 = tpu.vector_load %arg5[%parallel_loop3A_911, %parallel_loop3A_912, %parallel_loop3A_913] {strides = array<i32>} : memref<5x16x1024xf32, #tpu.memory_space<vmem>>, vector<1x1x16xf32>,
        %parallel_loop3A_915 = vector.shape_cast %parallel_loop3A_914 : vector<1x1x16xf32> to vector<16xf32>
        %parallel_loop3A_916 = vector.shape_cast %parallel_loop3A_910 : vector<16xf32> to vector<1x1x16xf32>
        tpu.vector_store %arg5[%parallel_loop3A_911, %parallel_loop3A_912, %parallel_loop3A_913], %parallel_loop3A_916 {add = true, strides = array<i32>} : memref<5x16x1024xf32, #tpu.memory_space<vmem>>, vector<1x1x16xf32>,
        %parallel_loop3A_917 = arith.index_cast %select_n3A_424 : i32 to index
        %parallel_loop3A_918 = arith.index_cast %parallel_loop3A_553 : i32 to index
        %parallel_loop3A_919 = arith.constant 528 : index
        %parallel_loop3A_920 = tpu.vector_load %arg6[%parallel_loop3A_917, %parallel_loop3A_918, %parallel_loop3A_919] {strides = array<i32>} : memref<2x16x1024xf32, #tpu.memory_space<vmem>>, vector<1x1x16xf32>,
        %parallel_loop3A_921 = vector.shape_cast %parallel_loop3A_920 : vector<1x1x16xf32> to vector<16xf32>
        %parallel_loop3A_922 = arith.index_cast %select_n3A_408 : i32 to index
        %parallel_loop3A_923 = arith.index_cast %parallel_loop3A_553 : i32 to index
        %parallel_loop3A_924 = arith.constant 528 : index
        %parallel_loop3A_925 = tpu.vector_load %arg5[%parallel_loop3A_922, %parallel_loop3A_923, %parallel_loop3A_924] {strides = array<i32>} : memref<5x16x1024xf32, #tpu.memory_space<vmem>>, vector<1x1x16xf32>,
        %parallel_loop3A_926 = vector.shape_cast %parallel_loop3A_925 : vector<1x1x16xf32> to vector<16xf32>
        %parallel_loop3A_927 = vector.shape_cast %parallel_loop3A_921 : vector<16xf32> to vector<1x1x16xf32>
        tpu.vector_store %arg5[%parallel_loop3A_922, %parallel_loop3A_923, %parallel_loop3A_924], %parallel_loop3A_927 {add = true, strides = array<i32>} : memref<5x16x1024xf32, #tpu.memory_space<vmem>>, vector<1x1x16xf32>,
        %parallel_loop3A_928 = arith.index_cast %select_n3A_424 : i32 to index
        %parallel_loop3A_929 = arith.index_cast %parallel_loop3A_553 : i32 to index
        %parallel_loop3A_930 = arith.constant 544 : index
        %parallel_loop3A_931 = tpu.vector_load %arg6[%parallel_loop3A_928, %parallel_loop3A_929, %parallel_loop3A_930] {strides = array<i32>} : memref<2x16x1024xf32, #tpu.memory_space<vmem>>, vector<1x1x16xf32>,
        %parallel_loop3A_932 = vector.shape_cast %parallel_loop3A_931 : vector<1x1x16xf32> to vector<16xf32>
        %parallel_loop3A_933 = arith.index_cast %select_n3A_408 : i32 to index
        %parallel_loop3A_934 = arith.index_cast %parallel_loop3A_553 : i32 to index
        %parallel_loop3A_935 = arith.constant 544 : index
        %parallel_loop3A_936 = tpu.vector_load %arg5[%parallel_loop3A_933, %parallel_loop3A_934, %parallel_loop3A_935] {strides = array<i32>} : memref<5x16x1024xf32, #tpu.memory_space<vmem>>, vector<1x1x16xf32>,
        %parallel_loop3A_937 = vector.shape_cast %parallel_loop3A_936 : vector<1x1x16xf32> to vector<16xf32>
        %parallel_loop3A_938 = vector.shape_cast %parallel_loop3A_932 : vector<16xf32> to vector<1x1x16xf32>
        tpu.vector_store %arg5[%parallel_loop3A_933, %parallel_loop3A_934, %parallel_loop3A_935], %parallel_loop3A_938 {add = true, strides = array<i32>} : memref<5x16x1024xf32, #tpu.memory_space<vmem>>, vector<1x1x16xf32>,
        %parallel_loop3A_939 = arith.index_cast %select_n3A_424 : i32 to index
        %parallel_loop3A_940 = arith.index_cast %parallel_loop3A_553 : i32 to index
        %parallel_loop3A_941 = arith.constant 560 : index
        %parallel_loop3A_942 = tpu.vector_load %arg6[%parallel_loop3A_939, %parallel_loop3A_940, %parallel_loop3A_941] {strides = array<i32>} : memref<2x16x1024xf32, #tpu.memory_space<vmem>>, vector<1x1x16xf32>,
        %parallel_loop3A_943 = vector.shape_cast %parallel_loop3A_942 : vector<1x1x16xf32> to vector<16xf32>
        %parallel_loop3A_944 = arith.index_cast %select_n3A_408 : i32 to index
        %parallel_loop3A_945 = arith.index_cast %parallel_loop3A_553 : i32 to index
        %parallel_loop3A_946 = arith.constant 560 : index
        %parallel_loop3A_947 = tpu.vector_load %arg5[%parallel_loop3A_944, %parallel_loop3A_945, %parallel_loop3A_946] {strides = array<i32>} : memref<5x16x1024xf32, #tpu.memory_space<vmem>>, vector<1x1x16xf32>,
        %parallel_loop3A_948 = vector.shape_cast %parallel_loop3A_947 : vector<1x1x16xf32> to vector<16xf32>
        %parallel_loop3A_949 = vector.shape_cast %parallel_loop3A_943 : vector<16xf32> to vector<1x1x16xf32>
        tpu.vector_store %arg5[%parallel_loop3A_944, %parallel_loop3A_945, %parallel_loop3A_946], %parallel_loop3A_949 {add = true, strides = array<i32>} : memref<5x16x1024xf32, #tpu.memory_space<vmem>>, vector<1x1x16xf32>,
        %parallel_loop3A_950 = arith.index_cast %select_n3A_424 : i32 to index
        %parallel_loop3A_951 = arith.index_cast %parallel_loop3A_553 : i32 to index
        %parallel_loop3A_952 = arith.constant 576 : index
        %parallel_loop3A_953 = tpu.vector_load %arg6[%parallel_loop3A_950, %parallel_loop3A_951, %parallel_loop3A_952] {strides = array<i32>} : memref<2x16x1024xf32, #tpu.memory_space<vmem>>, vector<1x1x16xf32>,
        %parallel_loop3A_954 = vector.shape_cast %parallel_loop3A_953 : vector<1x1x16xf32> to vector<16xf32>
        %parallel_loop3A_955 = arith.index_cast %select_n3A_408 : i32 to index
        %parallel_loop3A_956 = arith.index_cast %parallel_loop3A_553 : i32 to index
        %parallel_loop3A_957 = arith.constant 576 : index
        %parallel_loop3A_958 = tpu.vector_load %arg5[%parallel_loop3A_955, %parallel_loop3A_956, %parallel_loop3A_957] {strides = array<i32>} : memref<5x16x1024xf32, #tpu.memory_space<vmem>>, vector<1x1x16xf32>,
        %parallel_loop3A_959 = vector.shape_cast %parallel_loop3A_958 : vector<1x1x16xf32> to vector<16xf32>
        %parallel_loop3A_960 = vector.shape_cast %parallel_loop3A_954 : vector<16xf32> to vector<1x1x16xf32>
        tpu.vector_store %arg5[%parallel_loop3A_955, %parallel_loop3A_956, %parallel_loop3A_957], %parallel_loop3A_960 {add = true, strides = array<i32>} : memref<5x16x1024xf32, #tpu.memory_space<vmem>>, vector<1x1x16xf32>,
        %parallel_loop3A_961 = arith.index_cast %select_n3A_424 : i32 to index
        %parallel_loop3A_962 = arith.index_cast %parallel_loop3A_553 : i32 to index
        %parallel_loop3A_963 = arith.constant 592 : index
        %parallel_loop3A_964 = tpu.vector_load %arg6[%parallel_loop3A_961, %parallel_loop3A_962, %parallel_loop3A_963] {strides = array<i32>} : memref<2x16x1024xf32, #tpu.memory_space<vmem>>, vector<1x1x16xf32>,
        %parallel_loop3A_965 = vector.shape_cast %parallel_loop3A_964 : vector<1x1x16xf32> to vector<16xf32>
        %parallel_loop3A_966 = arith.index_cast %select_n3A_408 : i32 to index
        %parallel_loop3A_967 = arith.index_cast %parallel_loop3A_553 : i32 to index
        %parallel_loop3A_968 = arith.constant 592 : index
        %parallel_loop3A_969 = tpu.vector_load %arg5[%parallel_loop3A_966, %parallel_loop3A_967, %parallel_loop3A_968] {strides = array<i32>} : memref<5x16x1024xf32, #tpu.memory_space<vmem>>, vector<1x1x16xf32>,
        %parallel_loop3A_970 = vector.shape_cast %parallel_loop3A_969 : vector<1x1x16xf32> to vector<16xf32>
        %parallel_loop3A_971 = vector.shape_cast %parallel_loop3A_965 : vector<16xf32> to vector<1x1x16xf32>
        tpu.vector_store %arg5[%parallel_loop3A_966, %parallel_loop3A_967, %parallel_loop3A_968], %parallel_loop3A_971 {add = true, strides = array<i32>} : memref<5x16x1024xf32, #tpu.memory_space<vmem>>, vector<1x1x16xf32>,
        %parallel_loop3A_972 = arith.index_cast %select_n3A_424 : i32 to index
        %parallel_loop3A_973 = arith.index_cast %parallel_loop3A_553 : i32 to index
        %parallel_loop3A_974 = arith.constant 608 : index
        %parallel_loop3A_975 = tpu.vector_load %arg6[%parallel_loop3A_972, %parallel_loop3A_973, %parallel_loop3A_974] {strides = array<i32>} : memref<2x16x1024xf32, #tpu.memory_space<vmem>>, vector<1x1x16xf32>,
        %parallel_loop3A_976 = vector.shape_cast %parallel_loop3A_975 : vector<1x1x16xf32> to vector<16xf32>
        %parallel_loop3A_977 = arith.index_cast %select_n3A_408 : i32 to index
        %parallel_loop3A_978 = arith.index_cast %parallel_loop3A_553 : i32 to index
        %parallel_loop3A_979 = arith.constant 608 : index
        %parallel_loop3A_980 = tpu.vector_load %arg5[%parallel_loop3A_977, %parallel_loop3A_978, %parallel_loop3A_979] {strides = array<i32>} : memref<5x16x1024xf32, #tpu.memory_space<vmem>>, vector<1x1x16xf32>,
        %parallel_loop3A_981 = vector.shape_cast %parallel_loop3A_980 : vector<1x1x16xf32> to vector<16xf32>
        %parallel_loop3A_982 = vector.shape_cast %parallel_loop3A_976 : vector<16xf32> to vector<1x1x16xf32>
        tpu.vector_store %arg5[%parallel_loop3A_977, %parallel_loop3A_978, %parallel_loop3A_979], %parallel_loop3A_982 {add = true, strides = array<i32>} : memref<5x16x1024xf32, #tpu.memory_space<vmem>>, vector<1x1x16xf32>,
        %parallel_loop3A_983 = arith.index_cast %select_n3A_424 : i32 to index
        %parallel_loop3A_984 = arith.index_cast %parallel_loop3A_553 : i32 to index
        %parallel_loop3A_985 = arith.constant 624 : index
        %parallel_loop3A_986 = tpu.vector_load %arg6[%parallel_loop3A_983, %parallel_loop3A_984, %parallel_loop3A_985] {strides = array<i32>} : memref<2x16x1024xf32, #tpu.memory_space<vmem>>, vector<1x1x16xf32>,
        %parallel_loop3A_987 = vector.shape_cast %parallel_loop3A_986 : vector<1x1x16xf32> to vector<16xf32>
        %parallel_loop3A_988 = arith.index_cast %select_n3A_408 : i32 to index
        %parallel_loop3A_989 = arith.index_cast %parallel_loop3A_553 : i32 to index
        %parallel_loop3A_990 = arith.constant 624 : index
        %parallel_loop3A_991 = tpu.vector_load %arg5[%parallel_loop3A_988, %parallel_loop3A_989, %parallel_loop3A_990] {strides = array<i32>} : memref<5x16x1024xf32, #tpu.memory_space<vmem>>, vector<1x1x16xf32>,
        %parallel_loop3A_992 = vector.shape_cast %parallel_loop3A_991 : vector<1x1x16xf32> to vector<16xf32>
        %parallel_loop3A_993 = vector.shape_cast %parallel_loop3A_987 : vector<16xf32> to vector<1x1x16xf32>
        tpu.vector_store %arg5[%parallel_loop3A_988, %parallel_loop3A_989, %parallel_loop3A_990], %parallel_loop3A_993 {add = true, strides = array<i32>} : memref<5x16x1024xf32, #tpu.memory_space<vmem>>, vector<1x1x16xf32>,
        %parallel_loop3A_994 = arith.index_cast %select_n3A_424 : i32 to index
        %parallel_loop3A_995 = arith.index_cast %parallel_loop3A_553 : i32 to index
        %parallel_loop3A_996 = arith.constant 640 : index
        %parallel_loop3A_997 = tpu.vector_load %arg6[%parallel_loop3A_994, %parallel_loop3A_995, %parallel_loop3A_996] {strides = array<i32>} : memref<2x16x1024xf32, #tpu.memory_space<vmem>>, vector<1x1x16xf32>,
        %parallel_loop3A_998 = vector.shape_cast %parallel_loop3A_997 : vector<1x1x16xf32> to vector<16xf32>
        %parallel_loop3A_999 = arith.index_cast %select_n3A_408 : i32 to index
        %parallel_loop3A_1000 = arith.index_cast %parallel_loop3A_553 : i32 to index
        %parallel_loop3A_1001 = arith.constant 640 : index
        %parallel_loop3A_1002 = tpu.vector_load %arg5[%parallel_loop3A_999, %parallel_loop3A_1000, %parallel_loop3A_1001] {strides = array<i32>} : memref<5x16x1024xf32, #tpu.memory_space<vmem>>, vector<1x1x16xf32>,
        %parallel_loop3A_1003 = vector.shape_cast %parallel_loop3A_1002 : vector<1x1x16xf32> to vector<16xf32>
        %parallel_loop3A_1004 = vector.shape_cast %parallel_loop3A_998 : vector<16xf32> to vector<1x1x16xf32>
        tpu.vector_store %arg5[%parallel_loop3A_999, %parallel_loop3A_1000, %parallel_loop3A_1001], %parallel_loop3A_1004 {add = true, strides = array<i32>} : memref<5x16x1024xf32, #tpu.memory_space<vmem>>, vector<1x1x16xf32>,
        %parallel_loop3A_1005 = arith.index_cast %select_n3A_424 : i32 to index
        %parallel_loop3A_1006 = arith.index_cast %parallel_loop3A_553 : i32 to index
        %parallel_loop3A_1007 = arith.constant 656 : index
        %parallel_loop3A_1008 = tpu.vector_load %arg6[%parallel_loop3A_1005, %parallel_loop3A_1006, %parallel_loop3A_1007] {strides = array<i32>} : memref<2x16x1024xf32, #tpu.memory_space<vmem>>, vector<1x1x16xf32>,
        %parallel_loop3A_1009 = vector.shape_cast %parallel_loop3A_1008 : vector<1x1x16xf32> to vector<16xf32>
        %parallel_loop3A_1010 = arith.index_cast %select_n3A_408 : i32 to index
        %parallel_loop3A_1011 = arith.index_cast %parallel_loop3A_553 : i32 to index
        %parallel_loop3A_1012 = arith.constant 656 : index
        %parallel_loop3A_1013 = tpu.vector_load %arg5[%parallel_loop3A_1010, %parallel_loop3A_1011, %parallel_loop3A_1012] {strides = array<i32>} : memref<5x16x1024xf32, #tpu.memory_space<vmem>>, vector<1x1x16xf32>,
        %parallel_loop3A_1014 = vector.shape_cast %parallel_loop3A_1013 : vector<1x1x16xf32> to vector<16xf32>
        %parallel_loop3A_1015 = vector.shape_cast %parallel_loop3A_1009 : vector<16xf32> to vector<1x1x16xf32>
        tpu.vector_store %arg5[%parallel_loop3A_1010, %parallel_loop3A_1011, %parallel_loop3A_1012], %parallel_loop3A_1015 {add = true, strides = array<i32>} : memref<5x16x1024xf32, #tpu.memory_space<vmem>>, vector<1x1x16xf32>,
        %parallel_loop3A_1016 = arith.index_cast %select_n3A_424 : i32 to index
        %parallel_loop3A_1017 = arith.index_cast %parallel_loop3A_553 : i32 to index
        %parallel_loop3A_1018 = arith.constant 672 : index
        %parallel_loop3A_1019 = tpu.vector_load %arg6[%parallel_loop3A_1016, %parallel_loop3A_1017, %parallel_loop3A_1018] {strides = array<i32>} : memref<2x16x1024xf32, #tpu.memory_space<vmem>>, vector<1x1x16xf32>,
        %parallel_loop3A_1020 = vector.shape_cast %parallel_loop3A_1019 : vector<1x1x16xf32> to vector<16xf32>
        %parallel_loop3A_1021 = arith.index_cast %select_n3A_408 : i32 to index
        %parallel_loop3A_1022 = arith.index_cast %parallel_loop3A_553 : i32 to index
        %parallel_loop3A_1023 = arith.constant 672 : index
        %parallel_loop3A_1024 = tpu.vector_load %arg5[%parallel_loop3A_1021, %parallel_loop3A_1022, %parallel_loop3A_1023] {strides = array<i32>} : memref<5x16x1024xf32, #tpu.memory_space<vmem>>, vector<1x1x16xf32>,
        %parallel_loop3A_1025 = vector.shape_cast %parallel_loop3A_1024 : vector<1x1x16xf32> to vector<16xf32>
        %parallel_loop3A_1026 = vector.shape_cast %parallel_loop3A_1020 : vector<16xf32> to vector<1x1x16xf32>
        tpu.vector_store %arg5[%parallel_loop3A_1021, %parallel_loop3A_1022, %parallel_loop3A_1023], %parallel_loop3A_1026 {add = true, strides = array<i32>} : memref<5x16x1024xf32, #tpu.memory_space<vmem>>, vector<1x1x16xf32>,
        %parallel_loop3A_1027 = arith.index_cast %select_n3A_424 : i32 to index
        %parallel_loop3A_1028 = arith.index_cast %parallel_loop3A_553 : i32 to index
        %parallel_loop3A_1029 = arith.constant 688 : index
        %parallel_loop3A_1030 = tpu.vector_load %arg6[%parallel_loop3A_1027, %parallel_loop3A_1028, %parallel_loop3A_1029] {strides = array<i32>} : memref<2x16x1024xf32, #tpu.memory_space<vmem>>, vector<1x1x16xf32>,
        %parallel_loop3A_1031 = vector.shape_cast %parallel_loop3A_1030 : vector<1x1x16xf32> to vector<16xf32>
        %parallel_loop3A_1032 = arith.index_cast %select_n3A_408 : i32 to index
        %parallel_loop3A_1033 = arith.index_cast %parallel_loop3A_553 : i32 to index
        %parallel_loop3A_1034 = arith.constant 688 : index
        %parallel_loop3A_1035 = tpu.vector_load %arg5[%parallel_loop3A_1032, %parallel_loop3A_1033, %parallel_loop3A_1034] {strides = array<i32>} : memref<5x16x1024xf32, #tpu.memory_space<vmem>>, vector<1x1x16xf32>,
        %parallel_loop3A_1036 = vector.shape_cast %parallel_loop3A_1035 : vector<1x1x16xf32> to vector<16xf32>
        %parallel_loop3A_1037 = vector.shape_cast %parallel_loop3A_1031 : vector<16xf32> to vector<1x1x16xf32>
        tpu.vector_store %arg5[%parallel_loop3A_1032, %parallel_loop3A_1033, %parallel_loop3A_1034], %parallel_loop3A_1037 {add = true, strides = array<i32>} : memref<5x16x1024xf32, #tpu.memory_space<vmem>>, vector<1x1x16xf32>,
        %parallel_loop3A_1038 = arith.index_cast %select_n3A_424 : i32 to index
        %parallel_loop3A_1039 = arith.index_cast %parallel_loop3A_553 : i32 to index
        %parallel_loop3A_1040 = arith.constant 704 : index
        %parallel_loop3A_1041 = tpu.vector_load %arg6[%parallel_loop3A_1038, %parallel_loop3A_1039, %parallel_loop3A_1040] {strides = array<i32>} : memref<2x16x1024xf32, #tpu.memory_space<vmem>>, vector<1x1x16xf32>,
        %parallel_loop3A_1042 = vector.shape_cast %parallel_loop3A_1041 : vector<1x1x16xf32> to vector<16xf32>
        %parallel_loop3A_1043 = arith.index_cast %select_n3A_408 : i32 to index
        %parallel_loop3A_1044 = arith.index_cast %parallel_loop3A_553 : i32 to index
        %parallel_loop3A_1045 = arith.constant 704 : index
        %parallel_loop3A_1046 = tpu.vector_load %arg5[%parallel_loop3A_1043, %parallel_loop3A_1044, %parallel_loop3A_1045] {strides = array<i32>} : memref<5x16x1024xf32, #tpu.memory_space<vmem>>, vector<1x1x16xf32>,
        %parallel_loop3A_1047 = vector.shape_cast %parallel_loop3A_1046 : vector<1x1x16xf32> to vector<16xf32>
        %parallel_loop3A_1048 = vector.shape_cast %parallel_loop3A_1042 : vector<16xf32> to vector<1x1x16xf32>
        tpu.vector_store %arg5[%parallel_loop3A_1043, %parallel_loop3A_1044, %parallel_loop3A_1045], %parallel_loop3A_1048 {add = true, strides = array<i32>} : memref<5x16x1024xf32, #tpu.memory_space<vmem>>, vector<1x1x16xf32>,
        %parallel_loop3A_1049 = arith.index_cast %select_n3A_424 : i32 to index
        %parallel_loop3A_1050 = arith.index_cast %parallel_loop3A_553 : i32 to index
        %parallel_loop3A_1051 = arith.constant 720 : index
        %parallel_loop3A_1052 = tpu.vector_load %arg6[%parallel_loop3A_1049, %parallel_loop3A_1050, %parallel_loop3A_1051] {strides = array<i32>} : memref<2x16x1024xf32, #tpu.memory_space<vmem>>, vector<1x1x16xf32>,
        %parallel_loop3A_1053 = vector.shape_cast %parallel_loop3A_1052 : vector<1x1x16xf32> to vector<16xf32>
        %parallel_loop3A_1054 = arith.index_cast %select_n3A_408 : i32 to index
        %parallel_loop3A_1055 = arith.index_cast %parallel_loop3A_553 : i32 to index
        %parallel_loop3A_1056 = arith.constant 720 : index
        %parallel_loop3A_1057 = tpu.vector_load %arg5[%parallel_loop3A_1054, %parallel_loop3A_1055, %parallel_loop3A_1056] {strides = array<i32>} : memref<5x16x1024xf32, #tpu.memory_space<vmem>>, vector<1x1x16xf32>,
        %parallel_loop3A_1058 = vector.shape_cast %parallel_loop3A_1057 : vector<1x1x16xf32> to vector<16xf32>
        %parallel_loop3A_1059 = vector.shape_cast %parallel_loop3A_1053 : vector<16xf32> to vector<1x1x16xf32>
        tpu.vector_store %arg5[%parallel_loop3A_1054, %parallel_loop3A_1055, %parallel_loop3A_1056], %parallel_loop3A_1059 {add = true, strides = array<i32>} : memref<5x16x1024xf32, #tpu.memory_space<vmem>>, vector<1x1x16xf32>,
        %parallel_loop3A_1060 = arith.index_cast %select_n3A_424 : i32 to index
        %parallel_loop3A_1061 = arith.index_cast %parallel_loop3A_553 : i32 to index
        %parallel_loop3A_1062 = arith.constant 736 : index
        %parallel_loop3A_1063 = tpu.vector_load %arg6[%parallel_loop3A_1060, %parallel_loop3A_1061, %parallel_loop3A_1062] {strides = array<i32>} : memref<2x16x1024xf32, #tpu.memory_space<vmem>>, vector<1x1x16xf32>,
        %parallel_loop3A_1064 = vector.shape_cast %parallel_loop3A_1063 : vector<1x1x16xf32> to vector<16xf32>
        %parallel_loop3A_1065 = arith.index_cast %select_n3A_408 : i32 to index
        %parallel_loop3A_1066 = arith.index_cast %parallel_loop3A_553 : i32 to index
        %parallel_loop3A_1067 = arith.constant 736 : index
        %parallel_loop3A_1068 = tpu.vector_load %arg5[%parallel_loop3A_1065, %parallel_loop3A_1066, %parallel_loop3A_1067] {strides = array<i32>} : memref<5x16x1024xf32, #tpu.memory_space<vmem>>, vector<1x1x16xf32>,
        %parallel_loop3A_1069 = vector.shape_cast %parallel_loop3A_1068 : vector<1x1x16xf32> to vector<16xf32>
        %parallel_loop3A_1070 = vector.shape_cast %parallel_loop3A_1064 : vector<16xf32> to vector<1x1x16xf32>
        tpu.vector_store %arg5[%parallel_loop3A_1065, %parallel_loop3A_1066, %parallel_loop3A_1067], %parallel_loop3A_1070 {add = true, strides = array<i32>} : memref<5x16x1024xf32, #tpu.memory_space<vmem>>, vector<1x1x16xf32>,
        %parallel_loop3A_1071 = arith.index_cast %select_n3A_424 : i32 to index
        %parallel_loop3A_1072 = arith.index_cast %parallel_loop3A_553 : i32 to index
        %parallel_loop3A_1073 = arith.constant 752 : index
        %parallel_loop3A_1074 = tpu.vector_load %arg6[%parallel_loop3A_1071, %parallel_loop3A_1072, %parallel_loop3A_1073] {strides = array<i32>} : memref<2x16x1024xf32, #tpu.memory_space<vmem>>, vector<1x1x16xf32>,
        %parallel_loop3A_1075 = vector.shape_cast %parallel_loop3A_1074 : vector<1x1x16xf32> to vector<16xf32>
        %parallel_loop3A_1076 = arith.index_cast %select_n3A_408 : i32 to index
        %parallel_loop3A_1077 = arith.index_cast %parallel_loop3A_553 : i32 to index
        %parallel_loop3A_1078 = arith.constant 752 : index
        %parallel_loop3A_1079 = tpu.vector_load %arg5[%parallel_loop3A_1076, %parallel_loop3A_1077, %parallel_loop3A_1078] {strides = array<i32>} : memref<5x16x1024xf32, #tpu.memory_space<vmem>>, vector<1x1x16xf32>,
        %parallel_loop3A_1080 = vector.shape_cast %parallel_loop3A_1079 : vector<1x1x16xf32> to vector<16xf32>
        %parallel_loop3A_1081 = vector.shape_cast %parallel_loop3A_1075 : vector<16xf32> to vector<1x1x16xf32>
        tpu.vector_store %arg5[%parallel_loop3A_1076, %parallel_loop3A_1077, %parallel_loop3A_1078], %parallel_loop3A_1081 {add = true, strides = array<i32>} : memref<5x16x1024xf32, #tpu.memory_space<vmem>>, vector<1x1x16xf32>,
        %parallel_loop3A_1082 = arith.index_cast %select_n3A_424 : i32 to index
        %parallel_loop3A_1083 = arith.index_cast %parallel_loop3A_553 : i32 to index
        %parallel_loop3A_1084 = arith.constant 768 : index
        %parallel_loop3A_1085 = tpu.vector_load %arg6[%parallel_loop3A_1082, %parallel_loop3A_1083, %parallel_loop3A_1084] {strides = array<i32>} : memref<2x16x1024xf32, #tpu.memory_space<vmem>>, vector<1x1x16xf32>,
        %parallel_loop3A_1086 = vector.shape_cast %parallel_loop3A_1085 : vector<1x1x16xf32> to vector<16xf32>
        %parallel_loop3A_1087 = arith.index_cast %select_n3A_408 : i32 to index
        %parallel_loop3A_1088 = arith.index_cast %parallel_loop3A_553 : i32 to index
        %parallel_loop3A_1089 = arith.constant 768 : index
        %parallel_loop3A_1090 = tpu.vector_load %arg5[%parallel_loop3A_1087, %parallel_loop3A_1088, %parallel_loop3A_1089] {strides = array<i32>} : memref<5x16x1024xf32, #tpu.memory_space<vmem>>, vector<1x1x16xf32>,
        %parallel_loop3A_1091 = vector.shape_cast %parallel_loop3A_1090 : vector<1x1x16xf32> to vector<16xf32>
        %parallel_loop3A_1092 = vector.shape_cast %parallel_loop3A_1086 : vector<16xf32> to vector<1x1x16xf32>
        tpu.vector_store %arg5[%parallel_loop3A_1087, %parallel_loop3A_1088, %parallel_loop3A_1089], %parallel_loop3A_1092 {add = true, strides = array<i32>} : memref<5x16x1024xf32, #tpu.memory_space<vmem>>, vector<1x1x16xf32>,
        %parallel_loop3A_1093 = arith.index_cast %select_n3A_424 : i32 to index
        %parallel_loop3A_1094 = arith.index_cast %parallel_loop3A_553 : i32 to index
        %parallel_loop3A_1095 = arith.constant 784 : index
        %parallel_loop3A_1096 = tpu.vector_load %arg6[%parallel_loop3A_1093, %parallel_loop3A_1094, %parallel_loop3A_1095] {strides = array<i32>} : memref<2x16x1024xf32, #tpu.memory_space<vmem>>, vector<1x1x16xf32>,
        %parallel_loop3A_1097 = vector.shape_cast %parallel_loop3A_1096 : vector<1x1x16xf32> to vector<16xf32>
        %parallel_loop3A_1098 = arith.index_cast %select_n3A_408 : i32 to index
        %parallel_loop3A_1099 = arith.index_cast %parallel_loop3A_553 : i32 to index
        %parallel_loop3A_1100 = arith.constant 784 : index
        %parallel_loop3A_1101 = tpu.vector_load %arg5[%parallel_loop3A_1098, %parallel_loop3A_1099, %parallel_loop3A_1100] {strides = array<i32>} : memref<5x16x1024xf32, #tpu.memory_space<vmem>>, vector<1x1x16xf32>,
        %parallel_loop3A_1102 = vector.shape_cast %parallel_loop3A_1101 : vector<1x1x16xf32> to vector<16xf32>
        %parallel_loop3A_1103 = vector.shape_cast %parallel_loop3A_1097 : vector<16xf32> to vector<1x1x16xf32>
        tpu.vector_store %arg5[%parallel_loop3A_1098, %parallel_loop3A_1099, %parallel_loop3A_1100], %parallel_loop3A_1103 {add = true, strides = array<i32>} : memref<5x16x1024xf32, #tpu.memory_space<vmem>>, vector<1x1x16xf32>,
        %parallel_loop3A_1104 = arith.index_cast %select_n3A_424 : i32 to index
        %parallel_loop3A_1105 = arith.index_cast %parallel_loop3A_553 : i32 to index
        %parallel_loop3A_1106 = arith.constant 800 : index
        %parallel_loop3A_1107 = tpu.vector_load %arg6[%parallel_loop3A_1104, %parallel_loop3A_1105, %parallel_loop3A_1106] {strides = array<i32>} : memref<2x16x1024xf32, #tpu.memory_space<vmem>>, vector<1x1x16xf32>,
        %parallel_loop3A_1108 = vector.shape_cast %parallel_loop3A_1107 : vector<1x1x16xf32> to vector<16xf32>
        %parallel_loop3A_1109 = arith.index_cast %select_n3A_408 : i32 to index
        %parallel_loop3A_1110 = arith.index_cast %parallel_loop3A_553 : i32 to index
        %parallel_loop3A_1111 = arith.constant 800 : index
        %parallel_loop3A_1112 = tpu.vector_load %arg5[%parallel_loop3A_1109, %parallel_loop3A_1110, %parallel_loop3A_1111] {strides = array<i32>} : memref<5x16x1024xf32, #tpu.memory_space<vmem>>, vector<1x1x16xf32>,
        %parallel_loop3A_1113 = vector.shape_cast %parallel_loop3A_1112 : vector<1x1x16xf32> to vector<16xf32>
        %parallel_loop3A_1114 = vector.shape_cast %parallel_loop3A_1108 : vector<16xf32> to vector<1x1x16xf32>
        tpu.vector_store %arg5[%parallel_loop3A_1109, %parallel_loop3A_1110, %parallel_loop3A_1111], %parallel_loop3A_1114 {add = true, strides = array<i32>} : memref<5x16x1024xf32, #tpu.memory_space<vmem>>, vector<1x1x16xf32>,
        %parallel_loop3A_1115 = arith.index_cast %select_n3A_424 : i32 to index
        %parallel_loop3A_1116 = arith.index_cast %parallel_loop3A_553 : i32 to index
        %parallel_loop3A_1117 = arith.constant 816 : index
        %parallel_loop3A_1118 = tpu.vector_load %arg6[%parallel_loop3A_1115, %parallel_loop3A_1116, %parallel_loop3A_1117] {strides = array<i32>} : memref<2x16x1024xf32, #tpu.memory_space<vmem>>, vector<1x1x16xf32>,
        %parallel_loop3A_1119 = vector.shape_cast %parallel_loop3A_1118 : vector<1x1x16xf32> to vector<16xf32>
        %parallel_loop3A_1120 = arith.index_cast %select_n3A_408 : i32 to index
        %parallel_loop3A_1121 = arith.index_cast %parallel_loop3A_553 : i32 to index
        %parallel_loop3A_1122 = arith.constant 816 : index
        %parallel_loop3A_1123 = tpu.vector_load %arg5[%parallel_loop3A_1120, %parallel_loop3A_1121, %parallel_loop3A_1122] {strides = array<i32>} : memref<5x16x1024xf32, #tpu.memory_space<vmem>>, vector<1x1x16xf32>,
        %parallel_loop3A_1124 = vector.shape_cast %parallel_loop3A_1123 : vector<1x1x16xf32> to vector<16xf32>
        %parallel_loop3A_1125 = vector.shape_cast %parallel_loop3A_1119 : vector<16xf32> to vector<1x1x16xf32>
        tpu.vector_store %arg5[%parallel_loop3A_1120, %parallel_loop3A_1121, %parallel_loop3A_1122], %parallel_loop3A_1125 {add = true, strides = array<i32>} : memref<5x16x1024xf32, #tpu.memory_space<vmem>>, vector<1x1x16xf32>,
        %parallel_loop3A_1126 = arith.index_cast %select_n3A_424 : i32 to index
        %parallel_loop3A_1127 = arith.index_cast %parallel_loop3A_553 : i32 to index
        %parallel_loop3A_1128 = arith.constant 832 : index
        %parallel_loop3A_1129 = tpu.vector_load %arg6[%parallel_loop3A_1126, %parallel_loop3A_1127, %parallel_loop3A_1128] {strides = array<i32>} : memref<2x16x1024xf32, #tpu.memory_space<vmem>>, vector<1x1x16xf32>,
        %parallel_loop3A_1130 = vector.shape_cast %parallel_loop3A_1129 : vector<1x1x16xf32> to vector<16xf32>
        %parallel_loop3A_1131 = arith.index_cast %select_n3A_408 : i32 to index
        %parallel_loop3A_1132 = arith.index_cast %parallel_loop3A_553 : i32 to index
        %parallel_loop3A_1133 = arith.constant 832 : index
        %parallel_loop3A_1134 = tpu.vector_load %arg5[%parallel_loop3A_1131, %parallel_loop3A_1132, %parallel_loop3A_1133] {strides = array<i32>} : memref<5x16x1024xf32, #tpu.memory_space<vmem>>, vector<1x1x16xf32>,
        %parallel_loop3A_1135 = vector.shape_cast %parallel_loop3A_1134 : vector<1x1x16xf32> to vector<16xf32>
        %parallel_loop3A_1136 = vector.shape_cast %parallel_loop3A_1130 : vector<16xf32> to vector<1x1x16xf32>
        tpu.vector_store %arg5[%parallel_loop3A_1131, %parallel_loop3A_1132, %parallel_loop3A_1133], %parallel_loop3A_1136 {add = true, strides = array<i32>} : memref<5x16x1024xf32, #tpu.memory_space<vmem>>, vector<1x1x16xf32>,
        %parallel_loop3A_1137 = arith.index_cast %select_n3A_424 : i32 to index
        %parallel_loop3A_1138 = arith.index_cast %parallel_loop3A_553 : i32 to index
        %parallel_loop3A_1139 = arith.constant 848 : index
        %parallel_loop3A_1140 = tpu.vector_load %arg6[%parallel_loop3A_1137, %parallel_loop3A_1138, %parallel_loop3A_1139] {strides = array<i32>} : memref<2x16x1024xf32, #tpu.memory_space<vmem>>, vector<1x1x16xf32>,
        %parallel_loop3A_1141 = vector.shape_cast %parallel_loop3A_1140 : vector<1x1x16xf32> to vector<16xf32>
        %parallel_loop3A_1142 = arith.index_cast %select_n3A_408 : i32 to index
        %parallel_loop3A_1143 = arith.index_cast %parallel_loop3A_553 : i32 to index
        %parallel_loop3A_1144 = arith.constant 848 : index
        %parallel_loop3A_1145 = tpu.vector_load %arg5[%parallel_loop3A_1142, %parallel_loop3A_1143, %parallel_loop3A_1144] {strides = array<i32>} : memref<5x16x1024xf32, #tpu.memory_space<vmem>>, vector<1x1x16xf32>,
        %parallel_loop3A_1146 = vector.shape_cast %parallel_loop3A_1145 : vector<1x1x16xf32> to vector<16xf32>
        %parallel_loop3A_1147 = vector.shape_cast %parallel_loop3A_1141 : vector<16xf32> to vector<1x1x16xf32>
        tpu.vector_store %arg5[%parallel_loop3A_1142, %parallel_loop3A_1143, %parallel_loop3A_1144], %parallel_loop3A_1147 {add = true, strides = array<i32>} : memref<5x16x1024xf32, #tpu.memory_space<vmem>>, vector<1x1x16xf32>,
        %parallel_loop3A_1148 = arith.index_cast %select_n3A_424 : i32 to index
        %parallel_loop3A_1149 = arith.index_cast %parallel_loop3A_553 : i32 to index
        %parallel_loop3A_1150 = arith.constant 864 : index
        %parallel_loop3A_1151 = tpu.vector_load %arg6[%parallel_loop3A_1148, %parallel_loop3A_1149, %parallel_loop3A_1150] {strides = array<i32>} : memref<2x16x1024xf32, #tpu.memory_space<vmem>>, vector<1x1x16xf32>,
        %parallel_loop3A_1152 = vector.shape_cast %parallel_loop3A_1151 : vector<1x1x16xf32> to vector<16xf32>
        %parallel_loop3A_1153 = arith.index_cast %select_n3A_408 : i32 to index
        %parallel_loop3A_1154 = arith.index_cast %parallel_loop3A_553 : i32 to index
        %parallel_loop3A_1155 = arith.constant 864 : index
        %parallel_loop3A_1156 = tpu.vector_load %arg5[%parallel_loop3A_1153, %parallel_loop3A_1154, %parallel_loop3A_1155] {strides = array<i32>} : memref<5x16x1024xf32, #tpu.memory_space<vmem>>, vector<1x1x16xf32>,
        %parallel_loop3A_1157 = vector.shape_cast %parallel_loop3A_1156 : vector<1x1x16xf32> to vector<16xf32>
        %parallel_loop3A_1158 = vector.shape_cast %parallel_loop3A_1152 : vector<16xf32> to vector<1x1x16xf32>
        tpu.vector_store %arg5[%parallel_loop3A_1153, %parallel_loop3A_1154, %parallel_loop3A_1155], %parallel_loop3A_1158 {add = true, strides = array<i32>} : memref<5x16x1024xf32, #tpu.memory_space<vmem>>, vector<1x1x16xf32>,
        %parallel_loop3A_1159 = arith.index_cast %select_n3A_424 : i32 to index
        %parallel_loop3A_1160 = arith.index_cast %parallel_loop3A_553 : i32 to index
        %parallel_loop3A_1161 = arith.constant 880 : index
        %parallel_loop3A_1162 = tpu.vector_load %arg6[%parallel_loop3A_1159, %parallel_loop3A_1160, %parallel_loop3A_1161] {strides = array<i32>} : memref<2x16x1024xf32, #tpu.memory_space<vmem>>, vector<1x1x16xf32>,
        %parallel_loop3A_1163 = vector.shape_cast %parallel_loop3A_1162 : vector<1x1x16xf32> to vector<16xf32>
        %parallel_loop3A_1164 = arith.index_cast %select_n3A_408 : i32 to index
        %parallel_loop3A_1165 = arith.index_cast %parallel_loop3A_553 : i32 to index
        %parallel_loop3A_1166 = arith.constant 880 : index
        %parallel_loop3A_1167 = tpu.vector_load %arg5[%parallel_loop3A_1164, %parallel_loop3A_1165, %parallel_loop3A_1166] {strides = array<i32>} : memref<5x16x1024xf32, #tpu.memory_space<vmem>>, vector<1x1x16xf32>,
        %parallel_loop3A_1168 = vector.shape_cast %parallel_loop3A_1167 : vector<1x1x16xf32> to vector<16xf32>
        %parallel_loop3A_1169 = vector.shape_cast %parallel_loop3A_1163 : vector<16xf32> to vector<1x1x16xf32>
        tpu.vector_store %arg5[%parallel_loop3A_1164, %parallel_loop3A_1165, %parallel_loop3A_1166], %parallel_loop3A_1169 {add = true, strides = array<i32>} : memref<5x16x1024xf32, #tpu.memory_space<vmem>>, vector<1x1x16xf32>,
        %parallel_loop3A_1170 = arith.index_cast %select_n3A_424 : i32 to index
        %parallel_loop3A_1171 = arith.index_cast %parallel_loop3A_553 : i32 to index
        %parallel_loop3A_1172 = arith.constant 896 : index
        %parallel_loop3A_1173 = tpu.vector_load %arg6[%parallel_loop3A_1170, %parallel_loop3A_1171, %parallel_loop3A_1172] {strides = array<i32>} : memref<2x16x1024xf32, #tpu.memory_space<vmem>>, vector<1x1x16xf32>,
        %parallel_loop3A_1174 = vector.shape_cast %parallel_loop3A_1173 : vector<1x1x16xf32> to vector<16xf32>
        %parallel_loop3A_1175 = arith.index_cast %select_n3A_408 : i32 to index
        %parallel_loop3A_1176 = arith.index_cast %parallel_loop3A_553 : i32 to index
        %parallel_loop3A_1177 = arith.constant 896 : index
        %parallel_loop3A_1178 = tpu.vector_load %arg5[%parallel_loop3A_1175, %parallel_loop3A_1176, %parallel_loop3A_1177] {strides = array<i32>} : memref<5x16x1024xf32, #tpu.memory_space<vmem>>, vector<1x1x16xf32>,
        %parallel_loop3A_1179 = vector.shape_cast %parallel_loop3A_1178 : vector<1x1x16xf32> to vector<16xf32>
        %parallel_loop3A_1180 = vector.shape_cast %parallel_loop3A_1174 : vector<16xf32> to vector<1x1x16xf32>
        tpu.vector_store %arg5[%parallel_loop3A_1175, %parallel_loop3A_1176, %parallel_loop3A_1177], %parallel_loop3A_1180 {add = true, strides = array<i32>} : memref<5x16x1024xf32, #tpu.memory_space<vmem>>, vector<1x1x16xf32>,
        %parallel_loop3A_1181 = arith.index_cast %select_n3A_424 : i32 to index
        %parallel_loop3A_1182 = arith.index_cast %parallel_loop3A_553 : i32 to index
        %parallel_loop3A_1183 = arith.constant 912 : index
        %parallel_loop3A_1184 = tpu.vector_load %arg6[%parallel_loop3A_1181, %parallel_loop3A_1182, %parallel_loop3A_1183] {strides = array<i32>} : memref<2x16x1024xf32, #tpu.memory_space<vmem>>, vector<1x1x16xf32>,
        %parallel_loop3A_1185 = vector.shape_cast %parallel_loop3A_1184 : vector<1x1x16xf32> to vector<16xf32>
        %parallel_loop3A_1186 = arith.index_cast %select_n3A_408 : i32 to index
        %parallel_loop3A_1187 = arith.index_cast %parallel_loop3A_553 : i32 to index
        %parallel_loop3A_1188 = arith.constant 912 : index
        %parallel_loop3A_1189 = tpu.vector_load %arg5[%parallel_loop3A_1186, %parallel_loop3A_1187, %parallel_loop3A_1188] {strides = array<i32>} : memref<5x16x1024xf32, #tpu.memory_space<vmem>>, vector<1x1x16xf32>,
        %parallel_loop3A_1190 = vector.shape_cast %parallel_loop3A_1189 : vector<1x1x16xf32> to vector<16xf32>
        %parallel_loop3A_1191 = vector.shape_cast %parallel_loop3A_1185 : vector<16xf32> to vector<1x1x16xf32>
        tpu.vector_store %arg5[%parallel_loop3A_1186, %parallel_loop3A_1187, %parallel_loop3A_1188], %parallel_loop3A_1191 {add = true, strides = array<i32>} : memref<5x16x1024xf32, #tpu.memory_space<vmem>>, vector<1x1x16xf32>,
        %parallel_loop3A_1192 = arith.index_cast %select_n3A_424 : i32 to index
        %parallel_loop3A_1193 = arith.index_cast %parallel_loop3A_553 : i32 to index
        %parallel_loop3A_1194 = arith.constant 928 : index
        %parallel_loop3A_1195 = tpu.vector_load %arg6[%parallel_loop3A_1192, %parallel_loop3A_1193, %parallel_loop3A_1194] {strides = array<i32>} : memref<2x16x1024xf32, #tpu.memory_space<vmem>>, vector<1x1x16xf32>,
        %parallel_loop3A_1196 = vector.shape_cast %parallel_loop3A_1195 : vector<1x1x16xf32> to vector<16xf32>
        %parallel_loop3A_1197 = arith.index_cast %select_n3A_408 : i32 to index
        %parallel_loop3A_1198 = arith.index_cast %parallel_loop3A_553 : i32 to index
        %parallel_loop3A_1199 = arith.constant 928 : index
        %parallel_loop3A_1200 = tpu.vector_load %arg5[%parallel_loop3A_1197, %parallel_loop3A_1198, %parallel_loop3A_1199] {strides = array<i32>} : memref<5x16x1024xf32, #tpu.memory_space<vmem>>, vector<1x1x16xf32>,
        %parallel_loop3A_1201 = vector.shape_cast %parallel_loop3A_1200 : vector<1x1x16xf32> to vector<16xf32>
        %parallel_loop3A_1202 = vector.shape_cast %parallel_loop3A_1196 : vector<16xf32> to vector<1x1x16xf32>
        tpu.vector_store %arg5[%parallel_loop3A_1197, %parallel_loop3A_1198, %parallel_loop3A_1199], %parallel_loop3A_1202 {add = true, strides = array<i32>} : memref<5x16x1024xf32, #tpu.memory_space<vmem>>, vector<1x1x16xf32>,
        %parallel_loop3A_1203 = arith.index_cast %select_n3A_424 : i32 to index
        %parallel_loop3A_1204 = arith.index_cast %parallel_loop3A_553 : i32 to index
        %parallel_loop3A_1205 = arith.constant 944 : index
        %parallel_loop3A_1206 = tpu.vector_load %arg6[%parallel_loop3A_1203, %parallel_loop3A_1204, %parallel_loop3A_1205] {strides = array<i32>} : memref<2x16x1024xf32, #tpu.memory_space<vmem>>, vector<1x1x16xf32>,
        %parallel_loop3A_1207 = vector.shape_cast %parallel_loop3A_1206 : vector<1x1x16xf32> to vector<16xf32>
        %parallel_loop3A_1208 = arith.index_cast %select_n3A_408 : i32 to index
        %parallel_loop3A_1209 = arith.index_cast %parallel_loop3A_553 : i32 to index
        %parallel_loop3A_1210 = arith.constant 944 : index
        %parallel_loop3A_1211 = tpu.vector_load %arg5[%parallel_loop3A_1208, %parallel_loop3A_1209, %parallel_loop3A_1210] {strides = array<i32>} : memref<5x16x1024xf32, #tpu.memory_space<vmem>>, vector<1x1x16xf32>,
        %parallel_loop3A_1212 = vector.shape_cast %parallel_loop3A_1211 : vector<1x1x16xf32> to vector<16xf32>
        %parallel_loop3A_1213 = vector.shape_cast %parallel_loop3A_1207 : vector<16xf32> to vector<1x1x16xf32>
        tpu.vector_store %arg5[%parallel_loop3A_1208, %parallel_loop3A_1209, %parallel_loop3A_1210], %parallel_loop3A_1213 {add = true, strides = array<i32>} : memref<5x16x1024xf32, #tpu.memory_space<vmem>>, vector<1x1x16xf32>,
        %parallel_loop3A_1214 = arith.index_cast %select_n3A_424 : i32 to index
        %parallel_loop3A_1215 = arith.index_cast %parallel_loop3A_553 : i32 to index
        %parallel_loop3A_1216 = arith.constant 960 : index
        %parallel_loop3A_1217 = tpu.vector_load %arg6[%parallel_loop3A_1214, %parallel_loop3A_1215, %parallel_loop3A_1216] {strides = array<i32>} : memref<2x16x1024xf32, #tpu.memory_space<vmem>>, vector<1x1x16xf32>,
        %parallel_loop3A_1218 = vector.shape_cast %parallel_loop3A_1217 : vector<1x1x16xf32> to vector<16xf32>
        %parallel_loop3A_1219 = arith.index_cast %select_n3A_408 : i32 to index
        %parallel_loop3A_1220 = arith.index_cast %parallel_loop3A_553 : i32 to index
        %parallel_loop3A_1221 = arith.constant 960 : index
        %parallel_loop3A_1222 = tpu.vector_load %arg5[%parallel_loop3A_1219, %parallel_loop3A_1220, %parallel_loop3A_1221] {strides = array<i32>} : memref<5x16x1024xf32, #tpu.memory_space<vmem>>, vector<1x1x16xf32>,
        %parallel_loop3A_1223 = vector.shape_cast %parallel_loop3A_1222 : vector<1x1x16xf32> to vector<16xf32>
        %parallel_loop3A_1224 = vector.shape_cast %parallel_loop3A_1218 : vector<16xf32> to vector<1x1x16xf32>
        tpu.vector_store %arg5[%parallel_loop3A_1219, %parallel_loop3A_1220, %parallel_loop3A_1221], %parallel_loop3A_1224 {add = true, strides = array<i32>} : memref<5x16x1024xf32, #tpu.memory_space<vmem>>, vector<1x1x16xf32>,
        %parallel_loop3A_1225 = arith.index_cast %select_n3A_424 : i32 to index
        %parallel_loop3A_1226 = arith.index_cast %parallel_loop3A_553 : i32 to index
        %parallel_loop3A_1227 = arith.constant 976 : index
        %parallel_loop3A_1228 = tpu.vector_load %arg6[%parallel_loop3A_1225, %parallel_loop3A_1226, %parallel_loop3A_1227] {strides = array<i32>} : memref<2x16x1024xf32, #tpu.memory_space<vmem>>, vector<1x1x16xf32>,
        %parallel_loop3A_1229 = vector.shape_cast %parallel_loop3A_1228 : vector<1x1x16xf32> to vector<16xf32>
        %parallel_loop3A_1230 = arith.index_cast %select_n3A_408 : i32 to index
        %parallel_loop3A_1231 = arith.index_cast %parallel_loop3A_553 : i32 to index
        %parallel_loop3A_1232 = arith.constant 976 : index
        %parallel_loop3A_1233 = tpu.vector_load %arg5[%parallel_loop3A_1230, %parallel_loop3A_1231, %parallel_loop3A_1232] {strides = array<i32>} : memref<5x16x1024xf32, #tpu.memory_space<vmem>>, vector<1x1x16xf32>,
        %parallel_loop3A_1234 = vector.shape_cast %parallel_loop3A_1233 : vector<1x1x16xf32> to vector<16xf32>
        %parallel_loop3A_1235 = vector.shape_cast %parallel_loop3A_1229 : vector<16xf32> to vector<1x1x16xf32>
        tpu.vector_store %arg5[%parallel_loop3A_1230, %parallel_loop3A_1231, %parallel_loop3A_1232], %parallel_loop3A_1235 {add = true, strides = array<i32>} : memref<5x16x1024xf32, #tpu.memory_space<vmem>>, vector<1x1x16xf32>,
        %parallel_loop3A_1236 = arith.index_cast %select_n3A_424 : i32 to index
        %parallel_loop3A_1237 = arith.index_cast %parallel_loop3A_553 : i32 to index
        %parallel_loop3A_1238 = arith.constant 992 : index
        %parallel_loop3A_1239 = tpu.vector_load %arg6[%parallel_loop3A_1236, %parallel_loop3A_1237, %parallel_loop3A_1238] {strides = array<i32>} : memref<2x16x1024xf32, #tpu.memory_space<vmem>>, vector<1x1x16xf32>,
        %parallel_loop3A_1240 = vector.shape_cast %parallel_loop3A_1239 : vector<1x1x16xf32> to vector<16xf32>
        %parallel_loop3A_1241 = arith.index_cast %select_n3A_408 : i32 to index
        %parallel_loop3A_1242 = arith.index_cast %parallel_loop3A_553 : i32 to index
        %parallel_loop3A_1243 = arith.constant 992 : index
        %parallel_loop3A_1244 = tpu.vector_load %arg5[%parallel_loop3A_1241, %parallel_loop3A_1242, %parallel_loop3A_1243] {strides = array<i32>} : memref<5x16x1024xf32, #tpu.memory_space<vmem>>, vector<1x1x16xf32>,
        %parallel_loop3A_1245 = vector.shape_cast %parallel_loop3A_1244 : vector<1x1x16xf32> to vector<16xf32>
        %parallel_loop3A_1246 = vector.shape_cast %parallel_loop3A_1240 : vector<16xf32> to vector<1x1x16xf32>
        tpu.vector_store %arg5[%parallel_loop3A_1241, %parallel_loop3A_1242, %parallel_loop3A_1243], %parallel_loop3A_1246 {add = true, strides = array<i32>} : memref<5x16x1024xf32, #tpu.memory_space<vmem>>, vector<1x1x16xf32>,
        %parallel_loop3A_1247 = arith.index_cast %select_n3A_424 : i32 to index
        %parallel_loop3A_1248 = arith.index_cast %parallel_loop3A_553 : i32 to index
        %parallel_loop3A_1249 = arith.constant 1008 : index
        %parallel_loop3A_1250 = tpu.vector_load %arg6[%parallel_loop3A_1247, %parallel_loop3A_1248, %parallel_loop3A_1249] {strides = array<i32>} : memref<2x16x1024xf32, #tpu.memory_space<vmem>>, vector<1x1x16xf32>,
        %parallel_loop3A_1251 = vector.shape_cast %parallel_loop3A_1250 : vector<1x1x16xf32> to vector<16xf32>
        %parallel_loop3A_1252 = arith.index_cast %select_n3A_408 : i32 to index
        %parallel_loop3A_1253 = arith.index_cast %parallel_loop3A_553 : i32 to index
        %parallel_loop3A_1254 = arith.constant 1008 : index
        %parallel_loop3A_1255 = tpu.vector_load %arg5[%parallel_loop3A_1252, %parallel_loop3A_1253, %parallel_loop3A_1254] {strides = array<i32>} : memref<5x16x1024xf32, #tpu.memory_space<vmem>>, vector<1x1x16xf32>,
        %parallel_loop3A_1256 = vector.shape_cast %parallel_loop3A_1255 : vector<1x1x16xf32> to vector<16xf32>
        %parallel_loop3A_1257 = vector.shape_cast %parallel_loop3A_1251 : vector<16xf32> to vector<1x1x16xf32>
        tpu.vector_store %arg5[%parallel_loop3A_1252, %parallel_loop3A_1253, %parallel_loop3A_1254], %parallel_loop3A_1257 {add = true, strides = array<i32>} : memref<5x16x1024xf32, #tpu.memory_space<vmem>>, vector<1x1x16xf32>,
      } {sc.loop_unroll_factor = 2 : i64, sc.parallel_access}
      %jit3A_475 = arith.constant 4 : i32
      %div3A_476 = arith.divsi %scan3A_361, %jit3A_475 : i32
      %sign3A_477 = arith.constant 0 : i32
      %sign3A_478 = arith.cmpi sgt, %scan3A_361, %sign3A_477 : i32
      %sign3A_479 = arith.extui %sign3A_478 : i1 to i32
      %sign3A_480 = arith.constant 0 : i32
      %sign3A_481 = arith.cmpi slt, %scan3A_361, %sign3A_480 : i32
      %sign3A_482 = arith.extui %sign3A_481 : i1 to i32
      %sign3A_483 = arith.subi %sign3A_479, %sign3A_482 : i32
      %sign3A_484 = arith.constant 0 : i32
      %sign3A_485 = arith.cmpi sgt, %jit3A_475, %sign3A_484 : i32
      %sign3A_486 = arith.extui %sign3A_485 : i1 to i32
      %sign3A_487 = arith.constant 0 : i32
      %sign3A_488 = arith.cmpi slt, %jit3A_475, %sign3A_487 : i32
      %sign3A_489 = arith.extui %sign3A_488 : i1 to i32
      %sign3A_490 = arith.subi %sign3A_486, %sign3A_489 : i32
      %ne3A_491 = arith.cmpi ne, %sign3A_483, %sign3A_490 : i32
      %rem3A_492 = arith.remsi %scan3A_361, %jit3A_475 : i32
      %ne3A_493 = arith.constant 0 : i32
      %ne3A_494 = arith.cmpi ne, %rem3A_492, %ne3A_493 : i32
      %and3A_495 = arith.andi %ne3A_491, %ne3A_494 : i1
      %sub3A_496 = arith.constant 1 : i32
      %sub3A_497 = arith.subi %div3A_476, %sub3A_496 : i32
      %select_n3A_498 = arith.select %and3A_495, %sub3A_497, %div3A_476 : i32
      %jit3A_499 = arith.constant 4 : i32
      %eq3A_500 = arith.constant 0 : i32
      %eq3A_501 = arith.cmpi eq, %jit3A_499, %eq3A_500 : i32
      %jit3A_502 = arith.constant 1 : i32
      %select_n3A_503 = arith.select %eq3A_501, %jit3A_502, %jit3A_499 : i32
      %rem3A_504 = arith.remsi %scan3A_361, %select_n3A_503 : i32
      %ne3A_505 = arith.constant 0 : i32
      %ne3A_506 = arith.cmpi ne, %rem3A_504, %ne3A_505 : i32
      %lt3A_507 = arith.constant 0 : i32
      %lt3A_508 = arith.cmpi slt, %rem3A_504, %lt3A_507 : i32
      %lt3A_509 = arith.constant 0 : i32
      %lt3A_510 = arith.cmpi slt, %select_n3A_503, %lt3A_509 : i32
      %ne3A_511 = arith.xori %lt3A_508, %lt3A_510 : i1
      %and3A_512 = arith.andi %ne3A_511, %ne3A_506 : i1
      %add3A_513 = arith.addi %rem3A_504, %select_n3A_503 : i32
      %select_n3A_514 = arith.select %and3A_512, %add3A_513, %rem3A_504 : i32
      %mul3A_515 = arith.constant 16 : i32
      %mul3A_516 = arith.muli %select_n3A_498, %mul3A_515 : i32
      %add3A_517 = arith.addi %mul3A_2, %mul3A_516 : i32
      %dma_start3A_518 = arith.constant 0 : i32
      %dma_start3A_519 = arith.constant 0 : i32
      %dma_start3A_520 = tpu.memref_slice %arg5[%select_n3A_408, %dma_start3A_518, %dma_start3A_519] : memref<5x16x1024xf32, #tpu.memory_space<vmem>> -> memref<1x8x1024xf32, #tpu.memory_space<vmem>>
      %dma_start3A_521 = tpu.memref_squeeze %dma_start3A_520 : memref<1x8x1024xf32, #tpu.memory_space<vmem>> -> memref<8x1024xf32, #tpu.memory_space<vmem>>
      %dma_start3A_522 = arith.constant 0 : i32
      %dma_start3A_523 = tpu.memref_slice %arg4[%select_n3A_514, %add3A_517, %dma_start3A_522] : memref<4x2048x1024xf32, #tpu.memory_space<hbm>> -> memref<1x8x1024xf32, #tpu.memory_space<hbm>>
      %dma_start3A_524 = tpu.memref_squeeze %dma_start3A_523 : memref<1x8x1024xf32, #tpu.memory_space<hbm>> -> memref<8x1024xf32, #tpu.memory_space<hbm>>
      %dma_start3A_525 = tpu.memref_slice %arg9[%select_n3A_408] : memref<5x!tpu.dma_semaphore, #tpu.memory_space<semaphore_mem>> -> memref<1x!tpu.dma_semaphore, #tpu.memory_space<semaphore_mem>>
      %dma_start3A_526 = tpu.memref_squeeze %dma_start3A_525 : memref<1x!tpu.dma_semaphore, #tpu.memory_space<semaphore_mem>> -> memref<!tpu.dma_semaphore, #tpu.memory_space<semaphore_mem>>
      %dma_start3A_527 = arith.constant 0 : i32
      %dma_start3A_528 = tpu.memref_slice %arg4[%select_n3A_514, %add3A_517, %dma_start3A_527] : memref<4x2048x1024xf32, #tpu.memory_space<hbm>> -> memref<1x8x1024xf32, #tpu.memory_space<hbm>>
      %dma_start3A_529 = tpu.memref_squeeze %dma_start3A_528 : memref<1x8x1024xf32, #tpu.memory_space<hbm>> -> memref<8x1024xf32, #tpu.memory_space<hbm>>
      %dma_start3A_530 = arith.constant 0 : i32
      %dma_start3A_531 = arith.constant 0 : i32
      %dma_start3A_532 = tpu.memref_slice %arg5[%select_n3A_408, %dma_start3A_530, %dma_start3A_531] : memref<5x16x1024xf32, #tpu.memory_space<vmem>> -> memref<1x8x1024xf32, #tpu.memory_space<vmem>>
      %dma_start3A_533 = tpu.memref_squeeze %dma_start3A_532 : memref<1x8x1024xf32, #tpu.memory_space<vmem>> -> memref<8x1024xf32, #tpu.memory_space<vmem>>
      tpu.enqueue_dma source(%dma_start3A_533 : memref<8x1024xf32, #tpu.memory_space<vmem>>) target(%dma_start3A_529 : memref<8x1024xf32, #tpu.memory_space<hbm>>) target_semaphore(%dma_start3A_526 : memref<!tpu.dma_semaphore, #tpu.memory_space<semaphore_mem>>)
      %add3A_534 = arith.constant 8 : i32
      %add3A_535 = arith.addi %add3A_517, %add3A_534 : i32
      %dma_start3A_536 = arith.constant 8 : i32
      %dma_start3A_537 = arith.constant 0 : i32
      %dma_start3A_538 = tpu.memref_slice %arg5[%select_n3A_408, %dma_start3A_536, %dma_start3A_537] : memref<5x16x1024xf32, #tpu.memory_space<vmem>> -> memref<1x8x1024xf32, #tpu.memory_space<vmem>>
      %dma_start3A_539 = tpu.memref_squeeze %dma_start3A_538 : memref<1x8x1024xf32, #tpu.memory_space<vmem>> -> memref<8x1024xf32, #tpu.memory_space<vmem>>
      %dma_start3A_540 = arith.constant 0 : i32
      %dma_start3A_541 = tpu.memref_slice %arg4[%select_n3A_514, %add3A_535, %dma_start3A_540] : memref<4x2048x1024xf32, #tpu.memory_space<hbm>> -> memref<1x8x1024xf32, #tpu.memory_space<hbm>>
      %dma_start3A_542 = tpu.memref_squeeze %dma_start3A_541 : memref<1x8x1024xf32, #tpu.memory_space<hbm>> -> memref<8x1024xf32, #tpu.memory_space<hbm>>
      %dma_start3A_543 = tpu.memref_slice %arg10[%select_n3A_408] : memref<5x!tpu.dma_semaphore, #tpu.memory_space<semaphore_mem>> -> memref<1x!tpu.dma_semaphore, #tpu.memory_space<semaphore_mem>>
      %dma_start3A_544 = tpu.memref_squeeze %dma_start3A_543 : memref<1x!tpu.dma_semaphore, #tpu.memory_space<semaphore_mem>> -> memref<!tpu.dma_semaphore, #tpu.memory_space<semaphore_mem>>
      %dma_start3A_545 = arith.constant 0 : i32
      %dma_start3A_546 = tpu.memref_slice %arg4[%select_n3A_514, %add3A_535, %dma_start3A_545] : memref<4x2048x1024xf32, #tpu.memory_space<hbm>> -> memref<1x8x1024xf32, #tpu.memory_space<hbm>>
      %dma_start3A_547 = tpu.memref_squeeze %dma_start3A_546 : memref<1x8x1024xf32, #tpu.memory_space<hbm>> -> memref<8x1024xf32, #tpu.memory_space<hbm>>
      %dma_start3A_548 = arith.constant 8 : i32
      %dma_start3A_549 = arith.constant 0 : i32
      %dma_start3A_550 = tpu.memref_slice %arg5[%select_n3A_408, %dma_start3A_548, %dma_start3A_549] : memref<5x16x1024xf32, #tpu.memory_space<vmem>> -> memref<1x8x1024xf32, #tpu.memory_space<vmem>>
      %dma_start3A_551 = tpu.memref_squeeze %dma_start3A_550 : memref<1x8x1024xf32, #tpu.memory_space<vmem>> -> memref<8x1024xf32, #tpu.memory_space<vmem>>
      tpu.enqueue_dma source(%dma_start3A_551 : memref<8x1024xf32, #tpu.memory_space<vmem>>) target(%dma_start3A_547 : memref<8x1024xf32, #tpu.memory_space<hbm>>) target_semaphore(%dma_start3A_544 : memref<!tpu.dma_semaphore, #tpu.memory_space<semaphore_mem>>)
      %scan3A_552 = arith.constant 0 : i32
      scf.yield %scan3A_552 : i32
    }
    %scan3A_151 = arith.constant 16 : i32
    %dma_wait3A = arith.constant 0 : i32
    %dma_wait3A_152 = arith.constant 0 : i32
    %dma_wait3A_153 = arith.constant 0 : i32
    %dma_wait3A_154 = arith.constant 0 : i32
    %dma_wait3A_155 = arith.constant 0 : i32
    %dma_wait3A_156 = tpu.memref_slice %arg5[%dma_wait3A, %dma_wait3A_154, %dma_wait3A_155] : memref<5x16x1024xf32, #tpu.memory_space<vmem>> -> memref<1x8x1024xf32, #tpu.memory_space<vmem>>
    %dma_wait3A_157 = tpu.memref_squeeze %dma_wait3A_156 : memref<1x8x1024xf32, #tpu.memory_space<vmem>> -> memref<8x1024xf32, #tpu.memory_space<vmem>>
    %dma_wait3A_158 = arith.constant 0 : i32
    %dma_wait3A_159 = arith.constant 0 : i32
    %dma_wait3A_160 = tpu.memref_slice %arg4[%dma_wait3A_152, %dma_wait3A_158, %dma_wait3A_159] : memref<4x2048x1024xf32, #tpu.memory_space<hbm>> -> memref<1x8x1024xf32, #tpu.memory_space<hbm>>
    %dma_wait3A_161 = tpu.memref_squeeze %dma_wait3A_160 : memref<1x8x1024xf32, #tpu.memory_space<hbm>> -> memref<8x1024xf32, #tpu.memory_space<hbm>>
    %dma_wait3A_162 = tpu.memref_slice %arg9[%dma_wait3A_153] : memref<5x!tpu.dma_semaphore, #tpu.memory_space<semaphore_mem>> -> memref<1x!tpu.dma_semaphore, #tpu.memory_space<semaphore_mem>>
    %dma_wait3A_163 = tpu.memref_squeeze %dma_wait3A_162 : memref<1x!tpu.dma_semaphore, #tpu.memory_space<semaphore_mem>> -> memref<!tpu.dma_semaphore, #tpu.memory_space<semaphore_mem>>
    %dma_wait3A_164 = arith.constant 0 : i32
    %dma_wait3A_165 = arith.constant 0 : i32
    %dma_wait3A_166 = tpu.memref_slice %arg4[%dma_wait3A_152, %dma_wait3A_164, %dma_wait3A_165] : memref<4x2048x1024xf32, #tpu.memory_space<hbm>> -> memref<1x8x1024xf32, #tpu.memory_space<hbm>>
    %dma_wait3A_167 = tpu.memref_squeeze %dma_wait3A_166 : memref<1x8x1024xf32, #tpu.memory_space<hbm>> -> memref<8x1024xf32, #tpu.memory_space<hbm>>
    %dma_wait3A_168 = arith.constant 0 : i32
    %dma_wait3A_169 = arith.constant 0 : i32
    %dma_wait3A_170 = tpu.memref_slice %arg5[%dma_wait3A, %dma_wait3A_168, %dma_wait3A_169] : memref<5x16x1024xf32, #tpu.memory_space<vmem>> -> memref<1x8x1024xf32, #tpu.memory_space<vmem>>
    %dma_wait3A_171 = tpu.memref_squeeze %dma_wait3A_170 : memref<1x8x1024xf32, #tpu.memory_space<vmem>> -> memref<8x1024xf32, #tpu.memory_space<vmem>>
    tpu.wait_dma2 semaphore(%dma_wait3A_163 : memref<!tpu.dma_semaphore, #tpu.memory_space<semaphore_mem>>) src(%dma_wait3A_171 : memref<8x1024xf32, #tpu.memory_space<vmem>>) dst(%dma_wait3A_167 : memref<8x1024xf32, #tpu.memory_space<hbm>>)
    %dma_wait3A_172 = arith.constant 0 : i32
    %dma_wait3A_173 = arith.constant 0 : i32
    %dma_wait3A_174 = arith.constant 0 : i32
    %dma_wait3A_175 = arith.constant 8 : i32
    %dma_wait3A_176 = arith.constant 0 : i32
    %dma_wait3A_177 = tpu.memref_slice %arg5[%dma_wait3A_172, %dma_wait3A_175, %dma_wait3A_176] : memref<5x16x1024xf32, #tpu.memory_space<vmem>> -> memref<1x8x1024xf32, #tpu.memory_space<vmem>>
    %dma_wait3A_178 = tpu.memref_squeeze %dma_wait3A_177 : memref<1x8x1024xf32, #tpu.memory_space<vmem>> -> memref<8x1024xf32, #tpu.memory_space<vmem>>
    %dma_wait3A_179 = arith.constant 0 : i32
    %dma_wait3A_180 = arith.constant 0 : i32
    %dma_wait3A_181 = tpu.memref_slice %arg4[%dma_wait3A_173, %dma_wait3A_179, %dma_wait3A_180] : memref<4x2048x1024xf32, #tpu.memory_space<hbm>> -> memref<1x8x1024xf32, #tpu.memory_space<hbm>>
    %dma_wait3A_182 = tpu.memref_squeeze %dma_wait3A_181 : memref<1x8x1024xf32, #tpu.memory_space<hbm>> -> memref<8x1024xf32, #tpu.memory_space<hbm>>
    %dma_wait3A_183 = tpu.memref_slice %arg10[%dma_wait3A_174] : memref<5x!tpu.dma_semaphore, #tpu.memory_space<semaphore_mem>> -> memref<1x!tpu.dma_semaphore, #tpu.memory_space<semaphore_mem>>
    %dma_wait3A_184 = tpu.memref_squeeze %dma_wait3A_183 : memref<1x!tpu.dma_semaphore, #tpu.memory_space<semaphore_mem>> -> memref<!tpu.dma_semaphore, #tpu.memory_space<semaphore_mem>>
    %dma_wait3A_185 = arith.constant 0 : i32
    %dma_wait3A_186 = arith.constant 0 : i32
    %dma_wait3A_187 = tpu.memref_slice %arg4[%dma_wait3A_173, %dma_wait3A_185, %dma_wait3A_186] : memref<4x2048x1024xf32, #tpu.memory_space<hbm>> -> memref<1x8x1024xf32, #tpu.memory_space<hbm>>
    %dma_wait3A_188 = tpu.memref_squeeze %dma_wait3A_187 : memref<1x8x1024xf32, #tpu.memory_space<hbm>> -> memref<8x1024xf32, #tpu.memory_space<hbm>>
    %dma_wait3A_189 = arith.constant 8 : i32
    %dma_wait3A_190 = arith.constant 0 : i32
    %dma_wait3A_191 = tpu.memref_slice %arg5[%dma_wait3A_172, %dma_wait3A_189, %dma_wait3A_190] : memref<5x16x1024xf32, #tpu.memory_space<vmem>> -> memref<1x8x1024xf32, #tpu.memory_space<vmem>>
    %dma_wait3A_192 = tpu.memref_squeeze %dma_wait3A_191 : memref<1x8x1024xf32, #tpu.memory_space<vmem>> -> memref<8x1024xf32, #tpu.memory_space<vmem>>
    tpu.wait_dma2 semaphore(%dma_wait3A_184 : memref<!tpu.dma_semaphore, #tpu.memory_space<semaphore_mem>>) src(%dma_wait3A_192 : memref<8x1024xf32, #tpu.memory_space<vmem>>) dst(%dma_wait3A_188 : memref<8x1024xf32, #tpu.memory_space<hbm>>)
    %dma_wait3A_193 = arith.constant 1 : i32
    %dma_wait3A_194 = arith.constant 0 : i32
    %dma_wait3A_195 = arith.constant 1 : i32
    %dma_wait3A_196 = arith.constant 0 : i32
    %dma_wait3A_197 = arith.constant 0 : i32
    %dma_wait3A_198 = tpu.memref_slice %arg5[%dma_wait3A_193, %dma_wait3A_196, %dma_wait3A_197] : memref<5x16x1024xf32, #tpu.memory_space<vmem>> -> memref<1x8x1024xf32, #tpu.memory_space<vmem>>
    %dma_wait3A_199 = tpu.memref_squeeze %dma_wait3A_198 : memref<1x8x1024xf32, #tpu.memory_space<vmem>> -> memref<8x1024xf32, #tpu.memory_space<vmem>>
    %dma_wait3A_200 = arith.constant 0 : i32
    %dma_wait3A_201 = arith.constant 0 : i32
    %dma_wait3A_202 = tpu.memref_slice %arg4[%dma_wait3A_194, %dma_wait3A_200, %dma_wait3A_201] : memref<4x2048x1024xf32, #tpu.memory_space<hbm>> -> memref<1x8x1024xf32, #tpu.memory_space<hbm>>
    %dma_wait3A_203 = tpu.memref_squeeze %dma_wait3A_202 : memref<1x8x1024xf32, #tpu.memory_space<hbm>> -> memref<8x1024xf32, #tpu.memory_space<hbm>>
    %dma_wait3A_204 = tpu.memref_slice %arg9[%dma_wait3A_195] : memref<5x!tpu.dma_semaphore, #tpu.memory_space<semaphore_mem>> -> memref<1x!tpu.dma_semaphore, #tpu.memory_space<semaphore_mem>>
    %dma_wait3A_205 = tpu.memref_squeeze %dma_wait3A_204 : memref<1x!tpu.dma_semaphore, #tpu.memory_space<semaphore_mem>> -> memref<!tpu.dma_semaphore, #tpu.memory_space<semaphore_mem>>
    %dma_wait3A_206 = arith.constant 0 : i32
    %dma_wait3A_207 = arith.constant 0 : i32
    %dma_wait3A_208 = tpu.memref_slice %arg4[%dma_wait3A_194, %dma_wait3A_206, %dma_wait3A_207] : memref<4x2048x1024xf32, #tpu.memory_space<hbm>> -> memref<1x8x1024xf32, #tpu.memory_space<hbm>>
    %dma_wait3A_209 = tpu.memref_squeeze %dma_wait3A_208 : memref<1x8x1024xf32, #tpu.memory_space<hbm>> -> memref<8x1024xf32, #tpu.memory_space<hbm>>
    %dma_wait3A_210 = arith.constant 0 : i32
    %dma_wait3A_211 = arith.constant 0 : i32
    %dma_wait3A_212 = tpu.memref_slice %arg5[%dma_wait3A_193, %dma_wait3A_210, %dma_wait3A_211] : memref<5x16x1024xf32, #tpu.memory_space<vmem>> -> memref<1x8x1024xf32, #tpu.memory_space<vmem>>
    %dma_wait3A_213 = tpu.memref_squeeze %dma_wait3A_212 : memref<1x8x1024xf32, #tpu.memory_space<vmem>> -> memref<8x1024xf32, #tpu.memory_space<vmem>>
    tpu.wait_dma2 semaphore(%dma_wait3A_205 : memref<!tpu.dma_semaphore, #tpu.memory_space<semaphore_mem>>) src(%dma_wait3A_213 : memref<8x1024xf32, #tpu.memory_space<vmem>>) dst(%dma_wait3A_209 : memref<8x1024xf32, #tpu.memory_space<hbm>>)
    %dma_wait3A_214 = arith.constant 1 : i32
    %dma_wait3A_215 = arith.constant 0 : i32
    %dma_wait3A_216 = arith.constant 1 : i32
    %dma_wait3A_217 = arith.constant 8 : i32
    %dma_wait3A_218 = arith.constant 0 : i32
    %dma_wait3A_219 = tpu.memref_slice %arg5[%dma_wait3A_214, %dma_wait3A_217, %dma_wait3A_218] : memref<5x16x1024xf32, #tpu.memory_space<vmem>> -> memref<1x8x1024xf32, #tpu.memory_space<vmem>>
    %dma_wait3A_220 = tpu.memref_squeeze %dma_wait3A_219 : memref<1x8x1024xf32, #tpu.memory_space<vmem>> -> memref<8x1024xf32, #tpu.memory_space<vmem>>
    %dma_wait3A_221 = arith.constant 0 : i32
    %dma_wait3A_222 = arith.constant 0 : i32
    %dma_wait3A_223 = tpu.memref_slice %arg4[%dma_wait3A_215, %dma_wait3A_221, %dma_wait3A_222] : memref<4x2048x1024xf32, #tpu.memory_space<hbm>> -> memref<1x8x1024xf32, #tpu.memory_space<hbm>>
    %dma_wait3A_224 = tpu.memref_squeeze %dma_wait3A_223 : memref<1x8x1024xf32, #tpu.memory_space<hbm>> -> memref<8x1024xf32, #tpu.memory_space<hbm>>
    %dma_wait3A_225 = tpu.memref_slice %arg10[%dma_wait3A_216] : memref<5x!tpu.dma_semaphore, #tpu.memory_space<semaphore_mem>> -> memref<1x!tpu.dma_semaphore, #tpu.memory_space<semaphore_mem>>
    %dma_wait3A_226 = tpu.memref_squeeze %dma_wait3A_225 : memref<1x!tpu.dma_semaphore, #tpu.memory_space<semaphore_mem>> -> memref<!tpu.dma_semaphore, #tpu.memory_space<semaphore_mem>>
    %dma_wait3A_227 = arith.constant 0 : i32
    %dma_wait3A_228 = arith.constant 0 : i32
    %dma_wait3A_229 = tpu.memref_slice %arg4[%dma_wait3A_215, %dma_wait3A_227, %dma_wait3A_228] : memref<4x2048x1024xf32, #tpu.memory_space<hbm>> -> memref<1x8x1024xf32, #tpu.memory_space<hbm>>
    %dma_wait3A_230 = tpu.memref_squeeze %dma_wait3A_229 : memref<1x8x1024xf32, #tpu.memory_space<hbm>> -> memref<8x1024xf32, #tpu.memory_space<hbm>>
    %dma_wait3A_231 = arith.constant 8 : i32
    %dma_wait3A_232 = arith.constant 0 : i32
    %dma_wait3A_233 = tpu.memref_slice %arg5[%dma_wait3A_214, %dma_wait3A_231, %dma_wait3A_232] : memref<5x16x1024xf32, #tpu.memory_space<vmem>> -> memref<1x8x1024xf32, #tpu.memory_space<vmem>>
    %dma_wait3A_234 = tpu.memref_squeeze %dma_wait3A_233 : memref<1x8x1024xf32, #tpu.memory_space<vmem>> -> memref<8x1024xf32, #tpu.memory_space<vmem>>
    tpu.wait_dma2 semaphore(%dma_wait3A_226 : memref<!tpu.dma_semaphore, #tpu.memory_space<semaphore_mem>>) src(%dma_wait3A_234 : memref<8x1024xf32, #tpu.memory_space<vmem>>) dst(%dma_wait3A_230 : memref<8x1024xf32, #tpu.memory_space<hbm>>)
    %dma_wait3A_235 = arith.constant 2 : i32
    %dma_wait3A_236 = arith.constant 0 : i32
    %dma_wait3A_237 = arith.constant 2 : i32
    %dma_wait3A_238 = arith.constant 0 : i32
    %dma_wait3A_239 = arith.constant 0 : i32
    %dma_wait3A_240 = tpu.memref_slice %arg5[%dma_wait3A_235, %dma_wait3A_238, %dma_wait3A_239] : memref<5x16x1024xf32, #tpu.memory_space<vmem>> -> memref<1x8x1024xf32, #tpu.memory_space<vmem>>
    %dma_wait3A_241 = tpu.memref_squeeze %dma_wait3A_240 : memref<1x8x1024xf32, #tpu.memory_space<vmem>> -> memref<8x1024xf32, #tpu.memory_space<vmem>>
    %dma_wait3A_242 = arith.constant 0 : i32
    %dma_wait3A_243 = arith.constant 0 : i32
    %dma_wait3A_244 = tpu.memref_slice %arg4[%dma_wait3A_236, %dma_wait3A_242, %dma_wait3A_243] : memref<4x2048x1024xf32, #tpu.memory_space<hbm>> -> memref<1x8x1024xf32, #tpu.memory_space<hbm>>
    %dma_wait3A_245 = tpu.memref_squeeze %dma_wait3A_244 : memref<1x8x1024xf32, #tpu.memory_space<hbm>> -> memref<8x1024xf32, #tpu.memory_space<hbm>>
    %dma_wait3A_246 = tpu.memref_slice %arg9[%dma_wait3A_237] : memref<5x!tpu.dma_semaphore, #tpu.memory_space<semaphore_mem>> -> memref<1x!tpu.dma_semaphore, #tpu.memory_space<semaphore_mem>>
    %dma_wait3A_247 = tpu.memref_squeeze %dma_wait3A_246 : memref<1x!tpu.dma_semaphore, #tpu.memory_space<semaphore_mem>> -> memref<!tpu.dma_semaphore, #tpu.memory_space<semaphore_mem>>
    %dma_wait3A_248 = arith.constant 0 : i32
    %dma_wait3A_249 = arith.constant 0 : i32
    %dma_wait3A_250 = tpu.memref_slice %arg4[%dma_wait3A_236, %dma_wait3A_248, %dma_wait3A_249] : memref<4x2048x1024xf32, #tpu.memory_space<hbm>> -> memref<1x8x1024xf32, #tpu.memory_space<hbm>>
    %dma_wait3A_251 = tpu.memref_squeeze %dma_wait3A_250 : memref<1x8x1024xf32, #tpu.memory_space<hbm>> -> memref<8x1024xf32, #tpu.memory_space<hbm>>
    %dma_wait3A_252 = arith.constant 0 : i32
    %dma_wait3A_253 = arith.constant 0 : i32
    %dma_wait3A_254 = tpu.memref_slice %arg5[%dma_wait3A_235, %dma_wait3A_252, %dma_wait3A_253] : memref<5x16x1024xf32, #tpu.memory_space<vmem>> -> memref<1x8x1024xf32, #tpu.memory_space<vmem>>
    %dma_wait3A_255 = tpu.memref_squeeze %dma_wait3A_254 : memref<1x8x1024xf32, #tpu.memory_space<vmem>> -> memref<8x1024xf32, #tpu.memory_space<vmem>>
    tpu.wait_dma2 semaphore(%dma_wait3A_247 : memref<!tpu.dma_semaphore, #tpu.memory_space<semaphore_mem>>) src(%dma_wait3A_255 : memref<8x1024xf32, #tpu.memory_space<vmem>>) dst(%dma_wait3A_251 : memref<8x1024xf32, #tpu.memory_space<hbm>>)
    %dma_wait3A_256 = arith.constant 2 : i32
    %dma_wait3A_257 = arith.constant 0 : i32
    %dma_wait3A_258 = arith.constant 2 : i32
    %dma_wait3A_259 = arith.constant 8 : i32
    %dma_wait3A_260 = arith.constant 0 : i32
    %dma_wait3A_261 = tpu.memref_slice %arg5[%dma_wait3A_256, %dma_wait3A_259, %dma_wait3A_260] : memref<5x16x1024xf32, #tpu.memory_space<vmem>> -> memref<1x8x1024xf32, #tpu.memory_space<vmem>>
    %dma_wait3A_262 = tpu.memref_squeeze %dma_wait3A_261 : memref<1x8x1024xf32, #tpu.memory_space<vmem>> -> memref<8x1024xf32, #tpu.memory_space<vmem>>
    %dma_wait3A_263 = arith.constant 0 : i32
    %dma_wait3A_264 = arith.constant 0 : i32
    %dma_wait3A_265 = tpu.memref_slice %arg4[%dma_wait3A_257, %dma_wait3A_263, %dma_wait3A_264] : memref<4x2048x1024xf32, #tpu.memory_space<hbm>> -> memref<1x8x1024xf32, #tpu.memory_space<hbm>>
    %dma_wait3A_266 = tpu.memref_squeeze %dma_wait3A_265 : memref<1x8x1024xf32, #tpu.memory_space<hbm>> -> memref<8x1024xf32, #tpu.memory_space<hbm>>
    %dma_wait3A_267 = tpu.memref_slice %arg10[%dma_wait3A_258] : memref<5x!tpu.dma_semaphore, #tpu.memory_space<semaphore_mem>> -> memref<1x!tpu.dma_semaphore, #tpu.memory_space<semaphore_mem>>
    %dma_wait3A_268 = tpu.memref_squeeze %dma_wait3A_267 : memref<1x!tpu.dma_semaphore, #tpu.memory_space<semaphore_mem>> -> memref<!tpu.dma_semaphore, #tpu.memory_space<semaphore_mem>>
    %dma_wait3A_269 = arith.constant 0 : i32
    %dma_wait3A_270 = arith.constant 0 : i32
    %dma_wait3A_271 = tpu.memref_slice %arg4[%dma_wait3A_257, %dma_wait3A_269, %dma_wait3A_270] : memref<4x2048x1024xf32, #tpu.memory_space<hbm>> -> memref<1x8x1024xf32, #tpu.memory_space<hbm>>
    %dma_wait3A_272 = tpu.memref_squeeze %dma_wait3A_271 : memref<1x8x1024xf32, #tpu.memory_space<hbm>> -> memref<8x1024xf32, #tpu.memory_space<hbm>>
    %dma_wait3A_273 = arith.constant 8 : i32
    %dma_wait3A_274 = arith.constant 0 : i32
    %dma_wait3A_275 = tpu.memref_slice %arg5[%dma_wait3A_256, %dma_wait3A_273, %dma_wait3A_274] : memref<5x16x1024xf32, #tpu.memory_space<vmem>> -> memref<1x8x1024xf32, #tpu.memory_space<vmem>>
    %dma_wait3A_276 = tpu.memref_squeeze %dma_wait3A_275 : memref<1x8x1024xf32, #tpu.memory_space<vmem>> -> memref<8x1024xf32, #tpu.memory_space<vmem>>
    tpu.wait_dma2 semaphore(%dma_wait3A_268 : memref<!tpu.dma_semaphore, #tpu.memory_space<semaphore_mem>>) src(%dma_wait3A_276 : memref<8x1024xf32, #tpu.memory_space<vmem>>) dst(%dma_wait3A_272 : memref<8x1024xf32, #tpu.memory_space<hbm>>)
    %dma_wait3A_277 = arith.constant 3 : i32
    %dma_wait3A_278 = arith.constant 0 : i32
    %dma_wait3A_279 = arith.constant 3 : i32
    %dma_wait3A_280 = arith.constant 0 : i32
    %dma_wait3A_281 = arith.constant 0 : i32
    %dma_wait3A_282 = tpu.memref_slice %arg5[%dma_wait3A_277, %dma_wait3A_280, %dma_wait3A_281] : memref<5x16x1024xf32, #tpu.memory_space<vmem>> -> memref<1x8x1024xf32, #tpu.memory_space<vmem>>
    %dma_wait3A_283 = tpu.memref_squeeze %dma_wait3A_282 : memref<1x8x1024xf32, #tpu.memory_space<vmem>> -> memref<8x1024xf32, #tpu.memory_space<vmem>>
    %dma_wait3A_284 = arith.constant 0 : i32
    %dma_wait3A_285 = arith.constant 0 : i32
    %dma_wait3A_286 = tpu.memref_slice %arg4[%dma_wait3A_278, %dma_wait3A_284, %dma_wait3A_285] : memref<4x2048x1024xf32, #tpu.memory_space<hbm>> -> memref<1x8x1024xf32, #tpu.memory_space<hbm>>
    %dma_wait3A_287 = tpu.memref_squeeze %dma_wait3A_286 : memref<1x8x1024xf32, #tpu.memory_space<hbm>> -> memref<8x1024xf32, #tpu.memory_space<hbm>>
    %dma_wait3A_288 = tpu.memref_slice %arg9[%dma_wait3A_279] : memref<5x!tpu.dma_semaphore, #tpu.memory_space<semaphore_mem>> -> memref<1x!tpu.dma_semaphore, #tpu.memory_space<semaphore_mem>>
    %dma_wait3A_289 = tpu.memref_squeeze %dma_wait3A_288 : memref<1x!tpu.dma_semaphore, #tpu.memory_space<semaphore_mem>> -> memref<!tpu.dma_semaphore, #tpu.memory_space<semaphore_mem>>
    %dma_wait3A_290 = arith.constant 0 : i32
    %dma_wait3A_291 = arith.constant 0 : i32
    %dma_wait3A_292 = tpu.memref_slice %arg4[%dma_wait3A_278, %dma_wait3A_290, %dma_wait3A_291] : memref<4x2048x1024xf32, #tpu.memory_space<hbm>> -> memref<1x8x1024xf32, #tpu.memory_space<hbm>>
    %dma_wait3A_293 = tpu.memref_squeeze %dma_wait3A_292 : memref<1x8x1024xf32, #tpu.memory_space<hbm>> -> memref<8x1024xf32, #tpu.memory_space<hbm>>
    %dma_wait3A_294 = arith.constant 0 : i32
    %dma_wait3A_295 = arith.constant 0 : i32
    %dma_wait3A_296 = tpu.memref_slice %arg5[%dma_wait3A_277, %dma_wait3A_294, %dma_wait3A_295] : memref<5x16x1024xf32, #tpu.memory_space<vmem>> -> memref<1x8x1024xf32, #tpu.memory_space<vmem>>
    %dma_wait3A_297 = tpu.memref_squeeze %dma_wait3A_296 : memref<1x8x1024xf32, #tpu.memory_space<vmem>> -> memref<8x1024xf32, #tpu.memory_space<vmem>>
    tpu.wait_dma2 semaphore(%dma_wait3A_289 : memref<!tpu.dma_semaphore, #tpu.memory_space<semaphore_mem>>) src(%dma_wait3A_297 : memref<8x1024xf32, #tpu.memory_space<vmem>>) dst(%dma_wait3A_293 : memref<8x1024xf32, #tpu.memory_space<hbm>>)
    %dma_wait3A_298 = arith.constant 3 : i32
    %dma_wait3A_299 = arith.constant 0 : i32
    %dma_wait3A_300 = arith.constant 3 : i32
    %dma_wait3A_301 = arith.constant 8 : i32
    %dma_wait3A_302 = arith.constant 0 : i32
    %dma_wait3A_303 = tpu.memref_slice %arg5[%dma_wait3A_298, %dma_wait3A_301, %dma_wait3A_302] : memref<5x16x1024xf32, #tpu.memory_space<vmem>> -> memref<1x8x1024xf32, #tpu.memory_space<vmem>>
    %dma_wait3A_304 = tpu.memref_squeeze %dma_wait3A_303 : memref<1x8x1024xf32, #tpu.memory_space<vmem>> -> memref<8x1024xf32, #tpu.memory_space<vmem>>
    %dma_wait3A_305 = arith.constant 0 : i32
    %dma_wait3A_306 = arith.constant 0 : i32
    %dma_wait3A_307 = tpu.memref_slice %arg4[%dma_wait3A_299, %dma_wait3A_305, %dma_wait3A_306] : memref<4x2048x1024xf32, #tpu.memory_space<hbm>> -> memref<1x8x1024xf32, #tpu.memory_space<hbm>>
    %dma_wait3A_308 = tpu.memref_squeeze %dma_wait3A_307 : memref<1x8x1024xf32, #tpu.memory_space<hbm>> -> memref<8x1024xf32, #tpu.memory_space<hbm>>
    %dma_wait3A_309 = tpu.memref_slice %arg10[%dma_wait3A_300] : memref<5x!tpu.dma_semaphore, #tpu.memory_space<semaphore_mem>> -> memref<1x!tpu.dma_semaphore, #tpu.memory_space<semaphore_mem>>
    %dma_wait3A_310 = tpu.memref_squeeze %dma_wait3A_309 : memref<1x!tpu.dma_semaphore, #tpu.memory_space<semaphore_mem>> -> memref<!tpu.dma_semaphore, #tpu.memory_space<semaphore_mem>>
    %dma_wait3A_311 = arith.constant 0 : i32
    %dma_wait3A_312 = arith.constant 0 : i32
    %dma_wait3A_313 = tpu.memref_slice %arg4[%dma_wait3A_299, %dma_wait3A_311, %dma_wait3A_312] : memref<4x2048x1024xf32, #tpu.memory_space<hbm>> -> memref<1x8x1024xf32, #tpu.memory_space<hbm>>
    %dma_wait3A_314 = tpu.memref_squeeze %dma_wait3A_313 : memref<1x8x1024xf32, #tpu.memory_space<hbm>> -> memref<8x1024xf32, #tpu.memory_space<hbm>>
    %dma_wait3A_315 = arith.constant 8 : i32
    %dma_wait3A_316 = arith.constant 0 : i32
    %dma_wait3A_317 = tpu.memref_slice %arg5[%dma_wait3A_298, %dma_wait3A_315, %dma_wait3A_316] : memref<5x16x1024xf32, #tpu.memory_space<vmem>> -> memref<1x8x1024xf32, #tpu.memory_space<vmem>>
    %dma_wait3A_318 = tpu.memref_squeeze %dma_wait3A_317 : memref<1x8x1024xf32, #tpu.memory_space<vmem>> -> memref<8x1024xf32, #tpu.memory_space<vmem>>
    tpu.wait_dma2 semaphore(%dma_wait3A_310 : memref<!tpu.dma_semaphore, #tpu.memory_space<semaphore_mem>>) src(%dma_wait3A_318 : memref<8x1024xf32, #tpu.memory_space<vmem>>) dst(%dma_wait3A_314 : memref<8x1024xf32, #tpu.memory_space<hbm>>)
    %dma_wait3A_319 = arith.constant 4 : i32
    %dma_wait3A_320 = arith.constant 0 : i32
    %dma_wait3A_321 = arith.constant 4 : i32
    %dma_wait3A_322 = arith.constant 0 : i32
    %dma_wait3A_323 = arith.constant 0 : i32
    %dma_wait3A_324 = tpu.memref_slice %arg5[%dma_wait3A_319, %dma_wait3A_322, %dma_wait3A_323] : memref<5x16x1024xf32, #tpu.memory_space<vmem>> -> memref<1x8x1024xf32, #tpu.memory_space<vmem>>
    %dma_wait3A_325 = tpu.memref_squeeze %dma_wait3A_324 : memref<1x8x1024xf32, #tpu.memory_space<vmem>> -> memref<8x1024xf32, #tpu.memory_space<vmem>>
    %dma_wait3A_326 = arith.constant 0 : i32
    %dma_wait3A_327 = arith.constant 0 : i32
    %dma_wait3A_328 = tpu.memref_slice %arg4[%dma_wait3A_320, %dma_wait3A_326, %dma_wait3A_327] : memref<4x2048x1024xf32, #tpu.memory_space<hbm>> -> memref<1x8x1024xf32, #tpu.memory_space<hbm>>
    %dma_wait3A_329 = tpu.memref_squeeze %dma_wait3A_328 : memref<1x8x1024xf32, #tpu.memory_space<hbm>> -> memref<8x1024xf32, #tpu.memory_space<hbm>>
    %dma_wait3A_330 = tpu.memref_slice %arg9[%dma_wait3A_321] : memref<5x!tpu.dma_semaphore, #tpu.memory_space<semaphore_mem>> -> memref<1x!tpu.dma_semaphore, #tpu.memory_space<semaphore_mem>>
    %dma_wait3A_331 = tpu.memref_squeeze %dma_wait3A_330 : memref<1x!tpu.dma_semaphore, #tpu.memory_space<semaphore_mem>> -> memref<!tpu.dma_semaphore, #tpu.memory_space<semaphore_mem>>
    %dma_wait3A_332 = arith.constant 0 : i32
    %dma_wait3A_333 = arith.constant 0 : i32
    %dma_wait3A_334 = tpu.memref_slice %arg4[%dma_wait3A_320, %dma_wait3A_332, %dma_wait3A_333] : memref<4x2048x1024xf32, #tpu.memory_space<hbm>> -> memref<1x8x1024xf32, #tpu.memory_space<hbm>>
    %dma_wait3A_335 = tpu.memref_squeeze %dma_wait3A_334 : memref<1x8x1024xf32, #tpu.memory_space<hbm>> -> memref<8x1024xf32, #tpu.memory_space<hbm>>
    %dma_wait3A_336 = arith.constant 0 : i32
    %dma_wait3A_337 = arith.constant 0 : i32
    %dma_wait3A_338 = tpu.memref_slice %arg5[%dma_wait3A_319, %dma_wait3A_336, %dma_wait3A_337] : memref<5x16x1024xf32, #tpu.memory_space<vmem>> -> memref<1x8x1024xf32, #tpu.memory_space<vmem>>
    %dma_wait3A_339 = tpu.memref_squeeze %dma_wait3A_338 : memref<1x8x1024xf32, #tpu.memory_space<vmem>> -> memref<8x1024xf32, #tpu.memory_space<vmem>>
    tpu.wait_dma2 semaphore(%dma_wait3A_331 : memref<!tpu.dma_semaphore, #tpu.memory_space<semaphore_mem>>) src(%dma_wait3A_339 : memref<8x1024xf32, #tpu.memory_space<vmem>>) dst(%dma_wait3A_335 : memref<8x1024xf32, #tpu.memory_space<hbm>>)
    %dma_wait3A_340 = arith.constant 4 : i32
    %dma_wait3A_341 = arith.constant 0 : i32
    %dma_wait3A_342 = arith.constant 4 : i32
    %dma_wait3A_343 = arith.constant 8 : i32
    %dma_wait3A_344 = arith.constant 0 : i32
    %dma_wait3A_345 = tpu.memref_slice %arg5[%dma_wait3A_340, %dma_wait3A_343, %dma_wait3A_344] : memref<5x16x1024xf32, #tpu.memory_space<vmem>> -> memref<1x8x1024xf32, #tpu.memory_space<vmem>>
    %dma_wait3A_346 = tpu.memref_squeeze %dma_wait3A_345 : memref<1x8x1024xf32, #tpu.memory_space<vmem>> -> memref<8x1024xf32, #tpu.memory_space<vmem>>
    %dma_wait3A_347 = arith.constant 0 : i32
    %dma_wait3A_348 = arith.constant 0 : i32
    %dma_wait3A_349 = tpu.memref_slice %arg4[%dma_wait3A_341, %dma_wait3A_347, %dma_wait3A_348] : memref<4x2048x1024xf32, #tpu.memory_space<hbm>> -> memref<1x8x1024xf32, #tpu.memory_space<hbm>>
    %dma_wait3A_350 = tpu.memref_squeeze %dma_wait3A_349 : memref<1x8x1024xf32, #tpu.memory_space<hbm>> -> memref<8x1024xf32, #tpu.memory_space<hbm>>
    %dma_wait3A_351 = tpu.memref_slice %arg10[%dma_wait3A_342] : memref<5x!tpu.dma_semaphore, #tpu.memory_space<semaphore_mem>> -> memref<1x!tpu.dma_semaphore, #tpu.memory_space<semaphore_mem>>
    %dma_wait3A_352 = tpu.memref_squeeze %dma_wait3A_351 : memref<1x!tpu.dma_semaphore, #tpu.memory_space<semaphore_mem>> -> memref<!tpu.dma_semaphore, #tpu.memory_space<semaphore_mem>>
    %dma_wait3A_353 = arith.constant 0 : i32
    %dma_wait3A_354 = arith.constant 0 : i32
    %dma_wait3A_355 = tpu.memref_slice %arg4[%dma_wait3A_341, %dma_wait3A_353, %dma_wait3A_354] : memref<4x2048x1024xf32, #tpu.memory_space<hbm>> -> memref<1x8x1024xf32, #tpu.memory_space<hbm>>
    %dma_wait3A_356 = tpu.memref_squeeze %dma_wait3A_355 : memref<1x8x1024xf32, #tpu.memory_space<hbm>> -> memref<8x1024xf32, #tpu.memory_space<hbm>>
    %dma_wait3A_357 = arith.constant 8 : i32
    %dma_wait3A_358 = arith.constant 0 : i32
    %dma_wait3A_359 = tpu.memref_slice %arg5[%dma_wait3A_340, %dma_wait3A_357, %dma_wait3A_358] : memref<5x16x1024xf32, #tpu.memory_space<vmem>> -> memref<1x8x1024xf32, #tpu.memory_space<vmem>>
    %dma_wait3A_360 = tpu.memref_squeeze %dma_wait3A_359 : memref<1x8x1024xf32, #tpu.memory_space<vmem>> -> memref<8x1024xf32, #tpu.memory_space<vmem>>
    tpu.wait_dma2 semaphore(%dma_wait3A_352 : memref<!tpu.dma_semaphore, #tpu.memory_space<semaphore_mem>>) src(%dma_wait3A_360 : memref<8x1024xf32, #tpu.memory_space<vmem>>) dst(%dma_wait3A_356 : memref<8x1024xf32, #tpu.memory_space<hbm>>)
    return
  }
}

</mosaic_0001>

<sc_bundles>
// kernel: kernel.3.cloned.1.call-start
scs
__scs_entry_jumppad:
0x0: {  	(pc) =	sbr.rel $0x88, $3  }
0x1: {  	(tag) =	ssettag $0x0;
	lr =	simm.s32 $0x1  }
0x2: {  	[smem:$0x3F9F] =	sst lr;
	_ =	strace $0xD0000000  }
0x3: {  	_ = 	snop  }
0x4: {  	_ = 	snop  }
0x5: {  	_ = 	snop  }
0x6: {  	_ = 	snop  }
0x7: {  	_ = 	snop  }
__scs_overlays_trampoline_lowered:
0x8: {  	[smem:$0x3FAE] =	sst s0  }
0x9: {  	[smem:$0x3FAF] =	sst s1  }
0xa: {  	[smem:$0x3FB0] =	sst s2  }
0xb: {  	[smem:$0x3FB1] =	sst s3  }
0xc: {  	[smem:$0x3FB2] =	sst s4  }
0xd: {  	[smem:$0x3FB3] =	sst s5  }
0xe: {  	[smem:$0x3FB4] =	sst s6  }
0xf: {  	[smem:$0x3FB5] =	sst s7  }
0x10: {  	[smem:$0x3FB6] =	sst s8  }
0x11: {  	[smem:$0x3FB7] =	sst s9;
	s0 =	simm.s32 @!p0 $0x0  }
0x12: {  	s1 =	sld [smem:$0x3F9D];
	s0 =	simm.s32 @p0 $0x1  }
0x13: {  	[smem:$0x3FB8] =	sst s0;
	s0 =	simm.s32 @!p1 $0x0  }
0x14: {  	s2 =	sld [smem:$0x3F9C];
	s0 =	simm.s32 @p1 $0x1  }
0x15: {  	[smem:$0x3FB9] =	sst s0;
	s0 =	simm.s32 @!p2 $0x0  }
0x16: {  	s3 =	sld [smem:$0x3FDB];
	s0 =	simm.s32 @p2 $0x1  }
0x17: {  	s4 =	simm.s32 $0x1BF5;
	[smem:$0x3FBB] =	sst s0  }
0x18: {  	s0 =	sld [smem:$0x3F9E];
	_ =	swait.ge [sflag:s4], $0x0  }
0x19: {  	s7 =	sld [smem:$0x3F9F]  }
0x1a: {  	s8 =	sadd.s32 $0xFFFFE003, lr  }
0x1b: {  	s9 =	sadd.s32 $0xFFFFFEF7, lr;
	s5 =	simm.s32 $0xFFFFFFFF;
	p2 =	slt.u32 s8, $0xFFFFF086  }
0x1c: {  	p1 =	slt.u32 s9, $0xF7A;
	s5 =	simm.s32 @!p2 $0x0  }
0x1d: {  	s5 =	simm.s32 @p1 $0x1;
	p0 =	seq.s32 s7, s2  }
0x1e: {  	s7 =	smul.u32 @!p0 $0xF7A, s2;
	p2 =	seq.s32 @!p0 s5, $0x0  }
0x1f: {  	s9 =	smul.u32 $0xF7A, s1;
	s8 =	simm.s32 @!p0 $0x1BF5;
	p2 =	por !p2, p0  }
0x20: {  	[sflag:s8] =	ssyncset.s32 @!p0 $0xFFFFF086;
	s6 =	sadd.s32 @!p0 s3, s7;
	s7 =	simm.s32 @!p0 $0x108  }
0x21: {  	s3 =	sadd.s32 s3, s9;
	s6 =	sadd.s32 @!p0 $0x88, s6;
	s7 =	simm.s32 @p2 $0x1082  }
0x22: {  	[simem:s7], [sflag:s8] =	dma.local @!p0 [hbm:s6], $0xF7A  }
0x23: {  	s9 =	sor.u32 $0xD0000000, s2;
	s6 =	simm.s32 $0x108;
	_ =	swait.ge @!p0 [sflag:s8], $0x0  }
0x24: {  	s3 =	sadd.s32 $0x88, s3;
	s6 =	simm.s32 @!p1 $0x1082;
	[sflag:s4] =	ssyncset.s32 $0xFFFFF086  }
0x25: {  	[simem:s6], [sflag:s4] =	dma.local [hbm:s3], $0xF7A  }
0x26: {  	[smem:$0x3F9F] =	sst s1;
	(tag) =	ssettag s2;
	_ =	strace s9  }
0x27: {  	s1 =	sld [smem:$0x3FAF]  }
0x28: {  	s2 =	sld [smem:$0x3FB0]  }
0x29: {  	s4 =	sld [smem:$0x3FB2]  }
0x2a: {  	p0 =	seq.s32 s5, $0x0;
	s5 =	sld [smem:$0x3FB3]  }
0x2b: {  	s6 =	sld [smem:$0x3FB4]  }
0x2c: {  	s7 =	sld [smem:$0x3FB5]  }
0x2d: {  	s3 =	simm.s32 $0x108;
	s8 =	sld [smem:$0x3FB6]  }
0x2e: {  	s3 =	simm.s32 @!p0 $0x1082;
	s9 =	sld [smem:$0x3FB7]  }
0x2f: {  	lr =	sadd.s32 s0, s3;
	s0 =	sld [smem:$0x3FAE]  }
0x30: {  	s3 =	sld [smem:$0x3FB1]  }
0x31: {  	[smem:$0x3FBA] =	sst s10  }
0x32: {  	s10 =	sld [smem:$0x3FB8];
	_ =	sdelay $0x3  }
0x33: {  	p0 =	seq.s32 s10, $0x1;
	s10 =	sld [smem:$0x3FBA];
	_ =	sdelay $0x3  }
0x34: {  	[smem:$0x3FBA] =	sst s10  }
0x35: {  	s10 =	sld [smem:$0x3FB9];
	_ =	sdelay $0x3  }
0x36: {  	p1 =	seq.s32 s10, $0x1;
	s10 =	sld [smem:$0x3FBA];
	_ =	sdelay $0x3  }
0x37: {  	[smem:$0x3FBA] =	sst s10  }
0x38: {  	s10 =	sld [smem:$0x3FBB]  }
0x39: {  	_ = 	snop;
	(pc) =	sbr.ind lr, $3  }
0x3a: {  	_ = 	snop  }
0x3b: {  	_ = 	snop  }
0x3c: {  	p2 =	seq.s32 s10, $0x1;
	s10 =	sld [smem:$0x3FBA]  }
0x3d: {  	_ =	shalt  }
0x3e: {  	_ =	shalt  }
0x3f: {  	_ =	shalt  }
0x40: {  	_ =	shalt  }
0x41: {  	_ =	shalt  }
0x42: {  	_ =	shalt  }
0x43: {  	_ =	shalt  }
0x44: {  	_ =	shalt  }
0x45: {  	_ =	shalt  }
0x46: {  	_ =	shalt  }
0x47: {  	_ =	shalt  }
0x48: {  	_ =	shalt  }
0x49: {  	_ =	shalt  }
0x4a: {  	_ =	shalt  }
0x4b: {  	_ =	shalt  }
0x4c: {  	_ =	shalt  }
0x4d: {  	_ =	shalt  }
0x4e: {  	_ =	shalt  }
0x4f: {  	_ =	shalt  }
0x50: {  	_ =	shalt  }
0x51: {  	_ =	shalt  }
0x52: {  	_ =	shalt  }
0x53: {  	_ =	shalt  }
0x54: {  	_ =	shalt  }
0x55: {  	_ =	shalt  }
0x56: {  	_ =	shalt  }
0x57: {  	_ =	shalt  }
0x58: {  	_ =	shalt  }
0x59: {  	_ =	shalt  }
0x5a: {  	_ =	shalt  }
0x5b: {  	_ =	shalt  }
0x5c: {  	_ =	shalt  }
0x5d: {  	_ =	shalt  }
0x5e: {  	_ =	shalt  }
0x5f: {  	_ =	shalt  }
0x60: {  	_ =	shalt  }
0x61: {  	_ =	shalt  }
0x62: {  	_ =	shalt  }
0x63: {  	_ =	shalt  }
0x64: {  	_ =	shalt  }
0x65: {  	_ =	shalt  }
0x66: {  	_ =	shalt  }
0x67: {  	_ =	shalt  }
0x68: {  	_ =	shalt  }
0x69: {  	_ =	shalt  }
0x6a: {  	_ =	shalt  }
0x6b: {  	_ =	shalt  }
0x6c: {  	_ =	shalt  }
0x6d: {  	_ =	shalt  }
0x6e: {  	_ =	shalt  }
0x6f: {  	_ =	shalt  }
0x70: {  	_ =	shalt  }
0x71: {  	_ =	shalt  }
0x72: {  	_ =	shalt  }
0x73: {  	_ =	shalt  }
0x74: {  	_ =	shalt  }
0x75: {  	_ =	shalt  }
0x76: {  	_ =	shalt  }
0x77: {  	_ =	shalt  }
0x78: {  	_ =	shalt  }
0x79: {  	_ =	shalt  }
0x7a: {  	_ =	shalt  }
0x7b: {  	_ =	shalt  }
0x7c: {  	_ =	shalt  }
0x7d: {  	_ =	shalt  }
0x7e: {  	_ =	shalt  }
0x7f: {  	_ =	shalt  }
0x80: {  	_ =	shalt  }
0x81: {  	_ =	shalt  }
0x82: {  	_ =	shalt  }
0x83: {  	_ =	shalt  }
0x84: {  	_ =	shalt  }
0x85: {  	_ =	shalt  }
0x86: {  	_ =	shalt  }
0x87: {  	_ =	shalt  }
.Lfunc_end0:
.L_simem_size_0:
called_computation_lowered:
.L_overlay_start_0:
0x88: {  	s2 =	sld [smem:$0x3FD9]  }
0x89: {  	s3 =	sld [smem:$0x3FFE];
	_ =	sdelay $0x1  }
0x8a: {  	s1 =	srdreg.scid  }
0x8b: {  	s0 =	sand.u32 $0x1, s1  }
0x8c: {  	s18 =	sshll.u32 s0, $0xA;
	s2 =	sadd.s32 s3, s2  }
0x8d: {  	s2 =	sadd.s32 s2, s18  }
0x8e: {  	[smem:$0x3FC6] =	sst s2  }
0x8f: {  	_ = 	snop  }
0x90: {  	s2 =	sld [smem:$0x3FC9]  }
0x91: {  	s19 =	sld [smem:$0x3FC8]  }
0x92: {  	s4 =	sld [smem:$0x3FD0];
	(tm) =	ssettm $0x1  }
0x93: {  	s5 =	sld [smem:$0x3FFB];
	_ =	sdelay $0x3  }
0x94: {  	_ =	strace s5  }
0x95: {  	s5 =	sld [smem:$0x3FFC];
	_ =	sdelay $0x3  }
0x96: {  	_ =	strace s5  }
0x97: {  	s5 =	sld [smem:$0x3FFD];
	_ =	sdelay $0x3  }
0x98: {  	_ =	strace s5  }
0x99: {  	_ =	strace $0x8FFFFFFF  }
0x9a: {  	s20 =	sld [smem:$0x3FDB];
	_ =	sdelay $0x1  }
0x9b: {  	s6 =	simm.s32 $_scs_section_size  }
0x9c: {  	s7 =	simm.s32 $_size__tile_overlayer_lowered;
	s8 =	simm.s32 $_tile_overlayer_lowered  }
0x9d: {  	s23 =	simm.s32 $0x1BFF;
	s22 =	sshll.u32 s8, $0x1;
	s5 =	sadd.s32 s6, s20  }
0x9e: {  	s9 =	simm.s32 $0x0;
	s21 =	sshll.u32 s7, $0x1;
	s7 =	sadd.s32 s22, s5  }
0x9f: {  	[timem:s9], [sflag:s23] =	dma.local [hbm:s7], s21  }
0xa0: {  	_ =	swait.ge [sflag:s23], s21  }
0xa1: {  	s6 =	ssub.s32 $0x0, s21;
	[sflag:s23] =	ssyncset.done $0x0  }
0xa2: {  	[sflag:s23] =	ssyncadd.s32 s6;
	_ =	sdelay $0x1  }
0xa3: {  	s24 =	simm.s32 $0x1B8B  }
0xa4: {  	_ =	swait.ge [sflag:s24], $0x1  }
0xa5: {  	[sflag:s24] =	ssyncset.done $0x0  }
0xa6: {  	s25 =	simm.s32 $0x1B8E;
	[sflag:s24] =	ssyncadd.s32 $0xFFFFFFFF  }
0xa7: {  	s26 =	simm.s32 $execute0_lowered;
	[smem:$0x3FD2] =	sst s25  }
0xa8: {  	s6 =	sshll.u32 s26, $0x1;
	_ =	strace $0x80000046;
	[dreg:$0x1] =	wrdreg $0xFFFFFFFF  }
0xa9: {  	s28 =	simm.s32 $_size_execute0_lowered;
	s5 =	sadd.s32 s5, s6;
	[dreg:$0x0] =	wrdreg $0x0  }
0xaa: {  	s6 =	sshll.u32 s28, $0x1;
	[dreg:$0x2] =	wrdreg s5  }
0xab: {  	[dreg:$0x3] =	wrdreg s6  }
0xac: {  	[dreg:$0x4] =	wrdreg $0xC0  }
0xad: {  	_ =	task [dreg:s9], $0x5FFFF  }
0xae: {  	[dreg:$0x1] =	wrdreg $0xFFFFFFFF  }
0xaf: {  	[dreg:$0x0] =	wrdreg $0x60  }
0xb0: {  	[dreg:$0x2] =	wrdreg s2  }
0xb1: {  	[dreg:$0x3] =	wrdreg s19  }
0xb2: {  	[dreg:$0x4] =	wrdreg s4  }
0xb3: {  	[dreg:$0x5] =	wrdreg $0x9  }
0xb4: {  	_ =	task.clear_ibuf [dreg:s9], $0x6FFFF;
	_ =	strace $0x90000046  }
0xb5: {  	s29 =	simm.s32 $0x9;
	_ =	strace $0x80000048  }
0xb6: {  	_ =	swait.ge [sflag:s29], $0x1  }
0xb7: {  	[sflag:s29] =	ssyncadd.s32 $0xFFFFFFFF  }
0xb8: {  	_ =	strace $0x90000048  }
0xb9: {  	_ =	sfence  }
0xba: {  	s30 =	sld [smem:$0x0];
	_ =	sdelay $0x2  }
0xbb: {  	s31 =	sshll.u32 s1, $0xD;
	s1 =	sshrl.u32 s1, $0x2  }
0xbc: {  	s3 =	sand.u32 $0x4000, s31;
	s1 =	sadd.s32 s1, s30  }
0xbd: {  	s0 =	sor.u32 s3, s0;
	s1 =	sshll.u32 s1, $0x11  }
0xbe: {  	s0 =	sor.u32 s1, s0  }
0xbf: {  	s0 =	sadd.s32 $0x8F2B, s0  }
0xc0: {  	[sflag:s0] =	ssyncadd.remote.s32 $0x1  }
0xc1: {  	_ =	sfence.sel $0xFFFF  }
0xc2: {  	[dreg:$0x0] =	wrdreg $0xFFFFFFFF;
	(pc) =	sbr.abs _section_cstart, $3  }
0xc3: {  	[dreg:$0x1] =	wrdreg $0xFFFFFFFF  }
0xc4: {  	_ =	task.clear_ibuf [dreg:s9], $0x2FFFF;
	_ =	strace $0x9FFFFFFF  }
0xc5: {  	(tm) =	ssettm $0x7FFFFFFF  }
tec
execute0_lowered:
.L_overlay_start_1:
0x0: {  	(tag) =	ssettag $0x1  }
0x1: {  	s2 =	srdreg.scid  }
0x2: {  	s1 =	rddreg [dreg:$0x0];
	s5 =	stileid.u32;
	s2 =	sand.u32 $0x1, s2  }
0x3: {  	s0 =	rddreg [dreg:$0x1];
	s5 =	sshll.u32 s5, $0x7;
	s6 =	sshll.u32 s2, $0x6  }
0x4: {  	s3 =	rddreg [dreg:$0x2];
	s2 =	ssub.s32 $0x2, s2;
	s5 =	sor.u32 s6, s5  }
0x5: {  	s4 =	simm.s32 $0x0;
	s22 =	sshrl.u32 s2, $0x1;
	s7 =	sshll.u32 s5, $0x7  }
0x6: {  	[smem:$0x7FF] =	sst s4;
	s2 =	ssub.s32 s2, s22;
	s23 =	sadd.s32 s1, s7  }
0x7: {  	_ =	strace $0x80000047;
	s28 =	smax.u32 s2, $0x1;
	[dreg:$0x4] =	wrdreg s23  }
0x8: {  	s6 =	sadd.s32 s0, s7;
	s7 =	sadd.s32 $0x400, s23;
	[dreg:$0xa] =	wrdreg s28  }
0x9: {  	s24 =	sadd.s32 $0x40000, s23;
	[dreg:$0x5] =	wrdreg s7  }
0xa: {  	s29 =	simm.s32 $0x13;
	s25 =	sadd.s32 $0x40400, s23;
	[dreg:$0x6] =	wrdreg s24  }
0xb: {  	s30 =	simm.s32 $0xF;
	s26 =	sadd.s32 $0x80000, s23;
	[dreg:$0x7] =	wrdreg s25  }
0xc: {  	s31 =	simm.s32 $0x14;
	s0 =	sadd.s32 $0x80400, s23;
	[dreg:$0x8] =	wrdreg s26  }
0xd: {  	s13 =	sshll.u32 s5, $0xA;
	[dreg:$0x9] =	wrdreg s0;
	s0 =	simm.s32 $0x0  }
.LBB2_1:
0xe: {  	s2 =	simm.s32 $0x14000  }
0xf: {  	[tilespmem:s2], [sflag:$0x15] =	stream.linear.gather [hbm4b:s6+s4], $0x4000, $0x38;
	[tilespmem:$0x1C000] =	vst v63  }
0x10: {  	s18 =	rddreg [dreg:$0x4]  }
0x11: {  	[tilespmem:s4], [sflag:$0x1] =	stream.linear.gather [hbm4b:s18+s4], $0x2000, $0x38;
	[tilespmem:$0x1C000] =	vst v63  }
0x12: {  	s19 =	rddreg [dreg:$0x5];
	s7 =	simm.s32 $0x2000  }
0x13: {  	[tilespmem:s7], [sflag:$0x6] =	stream.linear.gather [hbm4b:s19+s4], $0x2000, $0x38;
	[tilespmem:$0x1C000] =	vst v63  }
0x14: {  	s20 =	rddreg [dreg:$0x6];
	s21 =	simm.s32 $0x4000  }
0x15: {  	[tilespmem:s21], [sflag:$0x2] =	stream.linear.gather [hbm4b:s20+s4], $0x2000, $0x38;
	[tilespmem:$0x1C000] =	vst v63  }
0x16: {  	s22 =	rddreg [dreg:$0x7];
	s23 =	simm.s32 $0x6000  }
0x17: {  	[tilespmem:s23], [sflag:$0x7] =	stream.linear.gather [hbm4b:s22+s4], $0x2000, $0x38;
	[tilespmem:$0x1C000] =	vst v63  }
0x18: {  	s24 =	rddreg [dreg:$0x8];
	s25 =	simm.s32 $0x8000  }
0x19: {  	[tilespmem:s25], [sflag:$0x3] =	stream.linear.gather [hbm4b:s24+s4], $0x2000, $0x38;
	[tilespmem:$0x1C000] =	vst v63  }
0x1a: {  	s26 =	rddreg [dreg:$0x9];
	s28 =	simm.s32 $0xA000;
	s2 =	simm.s32 $0x0  }
0x1b: {  	[tilespmem:s28], [sflag:$0x8] =	stream.linear.gather [hbm4b:s26+s4], $0x2000, $0x38;
	[tilespmem:$0x1C000] =	vst v63  }
.LBB2_2:
0x1c: {  	s7 =	smul.u32 $0xCD, s2  }
0x1d: {  	s15 =	sand.u32 $0x3, s2;
	s17 =	sshrl.u32 s2, $0x2  }
0x1e: {  	p0 =	sne.s32 s15, $0x0;
	s8 =	sand.u32 $0x1, s17;
	s7 =	sshrl.u32 s7, $0xA  }
0x1f: {  	p1 =	sgt.u32 @!p0 s2, $0xB;
	s9 =	sadd.s32 @!p0 $0x15, s8;
	s7 =	sand.u32 $0x3F, s7  }
0x20: {  	p1 =	por p1, p0;
	_ =	swait.ge @!p0 [sflag:s9], $0x4000;
	s7 =	smul.u32 $0x5, s7  }
0x21: {  	s10 =	sadd.s32 @!p1 $0x1, s17;
	[sflag:s9] =	ssyncset.done @!p0 $0x0;
	s12 =	simm.s32 @!p1 $0x0  }
0x22: {  	s11 =	sand.u32 @!p1 $0x1, s10;
	[sflag:s9] =	ssyncadd.s32 @!p0 $0xFFFFC000;
	s9 =	sshll.u32 @!p1 s10, $0xB  }
0x23: {  	p0 =	sgt.u32 s2, $0xC;
	s7 =	ssub.s32 s2, s7;
	s10 =	sadd.s32 @!p1 $0x15, s11  }
0x24: {  	s16 =	sand.u32 $0xFF, s7;
	s7 =	sshll.u32 @!p1 s11, $0xE;
	s11 =	sadd.s32 $0x3, s2  }
0x25: {  	s9 =	sadd.s32 @!p1 s9, s6;
	s7 =	sadd.s32 @!p1 $0x14000, s7;
	s14 =	smul.u32 @!p0 $0xCD, s11  }
0x26: {  	[tilespmem:s7], [sflag:s10] =	stream.linear.gather @!p1 [hbm4b:s9+s12], $0x4000, $0x38;
	[tilespmem:$0x1C000] =	vst v63  }
0x27: {  	s12 =	sadd.s32 $0x1, s16;
	s9 =	sshrl.u32 @!p0 s14, $0xA  }
0x28: {  	_ =	swait.ge [sflag:s12], $0x2000;
	s9 =	sand.u32 @!p0 $0x3F, s9  }
0x29: {  	[sflag:s12] =	ssyncset.done $0x0;
	s9 =	smul.u32 @!p0 $0x5, s9  }
0x2a: {  	s14 =	sadd.s32 $0x6, s16;
	[sflag:s12] =	ssyncadd.s32 $0xFFFFE000  }
0x2b: {  	p1 =	slt.u32 @!p0 s2, $0x2;
	_ =	swait.ge [sflag:s14], $0x2000;
	s9 =	ssub.s32 @!p0 s11, s9  }
0x2c: {  	p1 =	por p1, p0;
	[sflag:s14] =	ssyncset.done $0x0;
	s9 =	sand.u32 @!p0 $0xFF, s9  }
0x2d: {  	[sflag:s14] =	ssyncadd.s32 $0xFFFFE000;
	s7 =	sadd.s32 @!p1 $0xB, s9  }
0x2e: {  	s19 =	simm.s32 $0x0;
	_ =	swait.ge @!p1 [sflag:s7], $0x2000  }
0x2f: {  	s18 =	sshll.u32 s8, $0xE;
	s10 =	sshll.u32 @!p0 s11, $0x2;
	[sflag:s7] =	ssyncset.done @!p1 $0x0  }
0x30: {  	s11 =	sshll.u32 @!p0 s11, $0x15;
	[sflag:s7] =	ssyncadd.s32 @!p1 $0xFFFFE000;
	s7 =	sand.u32 @!p0 $0x70, s10  }
0x31: {  	s11 =	sand.u32 @!p0 $0x600000, s11;
	s10 =	sadd.s32 @!p1 $0x10, s9;
	s7 =	sadd.s32 @!p0 s5, s7  }
0x32: {  	s14 =	simm.s32 @!p0 $0x0;
	_ =	swait.ge @!p1 [sflag:s10], $0x2000;
	s7 =	sshll.u32 @!p0 s7, $0xA  }
0x33: {  	s12 =	sadd.s32 @!p0 $0x1, s9;
	[sflag:s10] =	ssyncset.done @!p1 $0x0;
	s7 =	sadd.s32 @!p0 s11, s7  }
0x34: {  	[sflag:s10] =	ssyncadd.s32 @!p1 $0xFFFFE000;
	s11 =	sshrl.u32 @!p0 s7, $0x3;
	s7 =	sadd.s32 @!p0 $0x2000, s7  }
0x35: {  	s10 =	sshll.u32 @!p0 s9, $0xE;
	s11 =	sadd.s32 @!p0 s1, s11;
	s7 =	sshrl.u32 @!p0 s7, $0x3  }
0x36: {  	[tilespmem:s10], [sflag:s12] =	stream.linear.gather @!p0 [hbm4b:s11+s14], $0x2000, $0x38;
	[tilespmem:$0x1C000] =	vst v63  }
0x37: {  	s9 =	sadd.s32 @!p0 $0x6, s9;
	s10 =	sor.u32 @!p0 $0x2000, s10;
	s7 =	sadd.s32 @!p0 s1, s7  }
0x38: {  	[tilespmem:s10], [sflag:s9] =	stream.linear.gather @!p0 [hbm4b:s7+s14], $0x2000, $0x38;
	[tilespmem:$0x1C000] =	vst v63  }
0x39: {  	s20 =	sand.u32 $0x2000, s19;
	s8 =	sadd.s32 $0x14000, s18;
	s9 =	sand.u32 $0x300, s19  }
0x3a: {  	s21 =	sadd.s32 s20, s8;
	s22 =	sor.u32 $0x80, s9  }
0x3b: {  	s23 =	sadd.s32 s22, s21  }
0x3c: {  	v0 =	vld [tilespmem:s23+$0x0];
	_ =	sdelay $0x1  }
0x3d: {  	s18 =	sshll.u32 s16, $0xE  }
0x3e: {  	s24 =	sadd.s32 s20, s18;
	s20 =	sadd.s32 s9, s21  }
0x3f: {  	s7 =	sadd.s32 s22, s24;
	v1 =	vld [tilespmem:s20+$0x0]  }
0x40: {  	[tilespmem:s7+$0x0] =	vst.add.f32.msk $0xffff, v0  }
0x41: {  	v0 =	vld [tilespmem:s23+$0x10];
	_ =	sdelay $0x1  }
0x42: {  	s19 =	sadd.s32 s9, s24  }
0x43: {  	[tilespmem:s19+$0x0] =	vst.add.f32.msk $0xffff, v1  }
0x44: {  	v1 =	vld [tilespmem:s20+$0x10]  }
0x45: {  	[tilespmem:s7+$0x10] =	vst.add.f32.msk $0xffff, v0  }
0x46: {  	v0 =	vld [tilespmem:s23+$0x20];
	_ =	sdelay $0x2  }
0x47: {  	[tilespmem:s19+$0x10] =	vst.add.f32.msk $0xffff, v1  }
0x48: {  	v1 =	vld [tilespmem:s20+$0x20]  }
0x49: {  	[tilespmem:s7+$0x20] =	vst.add.f32.msk $0xffff, v0  }
0x4a: {  	v0 =	vld [tilespmem:s23+$0x30];
	_ =	sdelay $0x2  }
0x4b: {  	[tilespmem:s19+$0x20] =	vst.add.f32.msk $0xffff, v1  }
0x4c: {  	v1 =	vld [tilespmem:s20+$0x30]  }
0x4d: {  	[tilespmem:s7+$0x30] =	vst.add.f32.msk $0xffff, v0  }
0x4e: {  	v0 =	vld [tilespmem:s23+$0x40];
	_ =	sdelay $0x2  }
0x4f: {  	[tilespmem:s19+$0x30] =	vst.add.f32.msk $0xffff, v1  }
0x50: {  	v1 =	vld [tilespmem:s20+$0x40]  }
0x51: {  	[tilespmem:s7+$0x40] =	vst.add.f32.msk $0xffff, v0  }
0x52: {  	v0 =	vld [tilespmem:s23+$0x50];
	_ =	sdelay $0x2  }
0x53: {  	[tilespmem:s19+$0x40] =	vst.add.f32.msk $0xffff, v1  }
0x54: {  	v1 =	vld [tilespmem:s20+$0x50]  }
0x55: {  	[tilespmem:s7+$0x50] =	vst.add.f32.msk $0xffff, v0  }
0x56: {  	v0 =	vld [tilespmem:s23+$0x60];
	_ =	sdelay $0x2  }
0x57: {  	[tilespmem:s19+$0x50] =	vst.add.f32.msk $0xffff, v1  }
0x58: {  	v1 =	vld [tilespmem:s20+$0x60]  }
0x59: {  	[tilespmem:s7+$0x60] =	vst.add.f32.msk $0xffff, v0  }
0x5a: {  	v0 =	vld [tilespmem:s23+$0x70];
	_ =	sdelay $0x2  }
0x5b: {  	[tilespmem:s19+$0x60] =	vst.add.f32.msk $0xffff, v1  }
0x5c: {  	v1 =	vld [tilespmem:s20+$0x70]  }
0x5d: {  	[tilespmem:s7+$0x70] =	vst.add.f32.msk $0xffff, v0  }
0x5e: {  	v0 =	vld [tilespmem:s23+$0x400];
	_ =	sdelay $0x2  }
0x5f: {  	[tilespmem:s19+$0x70] =	vst.add.f32.msk $0xffff, v1  }
0x60: {  	v1 =	vld [tilespmem:s20+$0x400]  }
0x61: {  	[tilespmem:s7+$0x400] =	vst.add.f32.msk $0xffff, v0  }
0x62: {  	v0 =	vld [tilespmem:s23+$0x410];
	_ =	sdelay $0x2  }
0x63: {  	[tilespmem:s19+$0x400] =	vst.add.f32.msk $0xffff, v1  }
0x64: {  	v1 =	vld [tilespmem:s20+$0x410]  }
0x65: {  	[tilespmem:s7+$0x410] =	vst.add.f32.msk $0xffff, v0  }
0x66: {  	v0 =	vld [tilespmem:s23+$0x420];
	_ =	sdelay $0x2  }
0x67: {  	[tilespmem:s19+$0x410] =	vst.add.f32.msk $0xffff, v1  }
0x68: {  	v1 =	vld [tilespmem:s20+$0x420]  }
0x69: {  	[tilespmem:s7+$0x420] =	vst.add.f32.msk $0xffff, v0  }
0x6a: {  	v0 =	vld [tilespmem:s23+$0x430];
	_ =	sdelay $0x2  }
0x6b: {  	[tilespmem:s19+$0x420] =	vst.add.f32.msk $0xffff, v1  }
0x6c: {  	v1 =	vld [tilespmem:s20+$0x430]  }
0x6d: {  	[tilespmem:s7+$0x430] =	vst.add.f32.msk $0xffff, v0  }
0x6e: {  	v0 =	vld [tilespmem:s23+$0x440];
	_ =	sdelay $0x2  }
0x6f: {  	[tilespmem:s19+$0x430] =	vst.add.f32.msk $0xffff, v1  }
0x70: {  	v1 =	vld [tilespmem:s20+$0x440]  }
0x71: {  	[tilespmem:s7+$0x440] =	vst.add.f32.msk $0xffff, v0  }
0x72: {  	v0 =	vld [tilespmem:s23+$0x450];
	_ =	sdelay $0x2  }
0x73: {  	[tilespmem:s19+$0x440] =	vst.add.f32.msk $0xffff, v1  }
0x74: {  	v1 =	vld [tilespmem:s20+$0x450]  }
0x75: {  	[tilespmem:s7+$0x450] =	vst.add.f32.msk $0xffff, v0  }
0x76: {  	v0 =	vld [tilespmem:s23+$0x460];
	_ =	sdelay $0x2  }
0x77: {  	[tilespmem:s19+$0x450] =	vst.add.f32.msk $0xffff, v1  }
0x78: {  	v1 =	vld [tilespmem:s20+$0x460]  }
0x79: {  	[tilespmem:s7+$0x460] =	vst.add.f32.msk $0xffff, v0  }
0x7a: {  	v0 =	vld [tilespmem:s23+$0x470];
	_ =	sdelay $0x2  }
0x7b: {  	[tilespmem:s19+$0x460] =	vst.add.f32.msk $0xffff, v1  }
0x7c: {  	v1 =	vld [tilespmem:s20+$0x470]  }
0x7d: {  	[tilespmem:s7+$0x470] =	vst.add.f32.msk $0xffff, v0  }
0x7e: {  	v0 =	vld [tilespmem:s23+$0x800];
	_ =	sdelay $0x2  }
0x7f: {  	[tilespmem:s19+$0x470] =	vst.add.f32.msk $0xffff, v1  }
0x80: {  	v1 =	vld [tilespmem:s20+$0x800]  }
0x81: {  	[tilespmem:s7+$0x800] =	vst.add.f32.msk $0xffff, v0  }
0x82: {  	v0 =	vld [tilespmem:s23+$0x810];
	_ =	sdelay $0x2  }
0x83: {  	[tilespmem:s19+$0x800] =	vst.add.f32.msk $0xffff, v1  }
0x84: {  	v1 =	vld [tilespmem:s20+$0x810]  }
0x85: {  	[tilespmem:s7+$0x810] =	vst.add.f32.msk $0xffff, v0  }
0x86: {  	v0 =	vld [tilespmem:s23+$0x820];
	_ =	sdelay $0x2  }
0x87: {  	[tilespmem:s19+$0x810] =	vst.add.f32.msk $0xffff, v1  }
0x88: {  	v1 =	vld [tilespmem:s20+$0x820]  }
0x89: {  	[tilespmem:s7+$0x820] =	vst.add.f32.msk $0xffff, v0  }
0x8a: {  	v0 =	vld [tilespmem:s23+$0x830];
	_ =	sdelay $0x2  }
0x8b: {  	[tilespmem:s19+$0x820] =	vst.add.f32.msk $0xffff, v1  }
0x8c: {  	v1 =	vld [tilespmem:s20+$0x830]  }
0x8d: {  	[tilespmem:s7+$0x830] =	vst.add.f32.msk $0xffff, v0  }
0x8e: {  	v0 =	vld [tilespmem:s23+$0x840];
	_ =	sdelay $0x2  }
0x8f: {  	[tilespmem:s19+$0x830] =	vst.add.f32.msk $0xffff, v1  }
0x90: {  	v1 =	vld [tilespmem:s20+$0x840]  }
0x91: {  	[tilespmem:s7+$0x840] =	vst.add.f32.msk $0xffff, v0  }
0x92: {  	v0 =	vld [tilespmem:s23+$0x850];
	_ =	sdelay $0x2  }
0x93: {  	[tilespmem:s19+$0x840] =	vst.add.f32.msk $0xffff, v1  }
0x94: {  	v1 =	vld [tilespmem:s20+$0x850]  }
0x95: {  	[tilespmem:s7+$0x850] =	vst.add.f32.msk $0xffff, v0  }
0x96: {  	v0 =	vld [tilespmem:s23+$0x860];
	_ =	sdelay $0x2  }
0x97: {  	[tilespmem:s19+$0x850] =	vst.add.f32.msk $0xffff, v1  }
0x98: {  	v1 =	vld [tilespmem:s20+$0x860]  }
0x99: {  	[tilespmem:s7+$0x860] =	vst.add.f32.msk $0xffff, v0  }
0x9a: {  	v0 =	vld [tilespmem:s23+$0x870];
	_ =	sdelay $0x2  }
0x9b: {  	[tilespmem:s19+$0x860] =	vst.add.f32.msk $0xffff, v1  }
0x9c: {  	v1 =	vld [tilespmem:s20+$0x870]  }
0x9d: {  	[tilespmem:s7+$0x870] =	vst.add.f32.msk $0xffff, v0  }
0x9e: {  	v0 =	vld [tilespmem:s23+$0xC00];
	_ =	sdelay $0x2  }
0x9f: {  	[tilespmem:s19+$0x870] =	vst.add.f32.msk $0xffff, v1  }
0xa0: {  	v1 =	vld [tilespmem:s20+$0xC00]  }
0xa1: {  	[tilespmem:s7+$0xC00] =	vst.add.f32.msk $0xffff, v0  }
0xa2: {  	v0 =	vld [tilespmem:s23+$0xC10];
	_ =	sdelay $0x2  }
0xa3: {  	[tilespmem:s19+$0xC00] =	vst.add.f32.msk $0xffff, v1  }
0xa4: {  	v1 =	vld [tilespmem:s20+$0xC10]  }
0xa5: {  	[tilespmem:s7+$0xC10] =	vst.add.f32.msk $0xffff, v0  }
0xa6: {  	v0 =	vld [tilespmem:s23+$0xC20];
	_ =	sdelay $0x2  }
0xa7: {  	[tilespmem:s19+$0xC10] =	vst.add.f32.msk $0xffff, v1  }
0xa8: {  	v1 =	vld [tilespmem:s20+$0xC20]  }
0xa9: {  	[tilespmem:s7+$0xC20] =	vst.add.f32.msk $0xffff, v0  }
0xaa: {  	v0 =	vld [tilespmem:s23+$0xC30];
	_ =	sdelay $0x2  }
0xab: {  	[tilespmem:s19+$0xC20] =	vst.add.f32.msk $0xffff, v1  }
0xac: {  	v1 =	vld [tilespmem:s20+$0xC30]  }
0xad: {  	[tilespmem:s7+$0xC30] =	vst.add.f32.msk $0xffff, v0  }
0xae: {  	v0 =	vld [tilespmem:s23+$0xC40];
	_ =	sdelay $0x2  }
0xaf: {  	[tilespmem:s19+$0xC30] =	vst.add.f32.msk $0xffff, v1  }
0xb0: {  	v1 =	vld [tilespmem:s20+$0xC40]  }
0xb1: {  	[tilespmem:s7+$0xC40] =	vst.add.f32.msk $0xffff, v0  }
0xb2: {  	v0 =	vld [tilespmem:s23+$0xC50];
	_ =	sdelay $0x2  }
0xb3: {  	[tilespmem:s19+$0xC40] =	vst.add.f32.msk $0xffff, v1  }
0xb4: {  	v1 =	vld [tilespmem:s20+$0xC50]  }
0xb5: {  	[tilespmem:s7+$0xC50] =	vst.add.f32.msk $0xffff, v0  }
0xb6: {  	v0 =	vld [tilespmem:s23+$0xC60];
	_ =	sdelay $0x2  }
0xb7: {  	[tilespmem:s19+$0xC50] =	vst.add.f32.msk $0xffff, v1  }
0xb8: {  	v1 =	vld [tilespmem:s20+$0xC60]  }
0xb9: {  	[tilespmem:s7+$0xC60] =	vst.add.f32.msk $0xffff, v0  }
0xba: {  	v0 =	vld [tilespmem:s23+$0xC70];
	_ =	sdelay $0x2  }
0xbb: {  	[tilespmem:s19+$0xC60] =	vst.add.f32.msk $0xffff, v1  }
0xbc: {  	v1 =	vld [tilespmem:s20+$0xC70]  }
0xbd: {  	[tilespmem:s7+$0xC70] =	vst.add.f32.msk $0xffff, v0  }
0xbe: {  	v0 =	vld [tilespmem:s23+$0x1000];
	_ =	sdelay $0x2  }
0xbf: {  	[tilespmem:s19+$0xC70] =	vst.add.f32.msk $0xffff, v1  }
0xc0: {  	v1 =	vld [tilespmem:s20+$0x1000]  }
0xc1: {  	[tilespmem:s7+$0x1000] =	vst.add.f32.msk $0xffff, v0  }
0xc2: {  	v0 =	vld [tilespmem:s23+$0x1010];
	_ =	sdelay $0x2  }
0xc3: {  	[tilespmem:s19+$0x1000] =	vst.add.f32.msk $0xffff, v1  }
0xc4: {  	v1 =	vld [tilespmem:s20+$0x1010]  }
0xc5: {  	[tilespmem:s7+$0x1010] =	vst.add.f32.msk $0xffff, v0  }
0xc6: {  	v0 =	vld [tilespmem:s23+$0x1020];
	_ =	sdelay $0x2  }
0xc7: {  	[tilespmem:s19+$0x1010] =	vst.add.f32.msk $0xffff, v1  }
0xc8: {  	v1 =	vld [tilespmem:s20+$0x1020]  }
0xc9: {  	[tilespmem:s7+$0x1020] =	vst.add.f32.msk $0xffff, v0  }
0xca: {  	v0 =	vld [tilespmem:s23+$0x1030];
	_ =	sdelay $0x2  }
0xcb: {  	[tilespmem:s19+$0x1020] =	vst.add.f32.msk $0xffff, v1  }
0xcc: {  	v1 =	vld [tilespmem:s20+$0x1030]  }
0xcd: {  	[tilespmem:s7+$0x1030] =	vst.add.f32.msk $0xffff, v0  }
0xce: {  	v0 =	vld [tilespmem:s23+$0x1040];
	_ =	sdelay $0x2  }
0xcf: {  	[tilespmem:s19+$0x1030] =	vst.add.f32.msk $0xffff, v1  }
0xd0: {  	v1 =	vld [tilespmem:s20+$0x1040]  }
0xd1: {  	[tilespmem:s7+$0x1040] =	vst.add.f32.msk $0xffff, v0  }
0xd2: {  	v0 =	vld [tilespmem:s23+$0x1050];
	_ =	sdelay $0x2  }
0xd3: {  	[tilespmem:s19+$0x1040] =	vst.add.f32.msk $0xffff, v1  }
0xd4: {  	v1 =	vld [tilespmem:s20+$0x1050]  }
0xd5: {  	[tilespmem:s7+$0x1050] =	vst.add.f32.msk $0xffff, v0  }
0xd6: {  	v0 =	vld [tilespmem:s23+$0x1060];
	_ =	sdelay $0x2  }
0xd7: {  	[tilespmem:s19+$0x1050] =	vst.add.f32.msk $0xffff, v1  }
0xd8: {  	v1 =	vld [tilespmem:s20+$0x1060]  }
0xd9: {  	[tilespmem:s7+$0x1060] =	vst.add.f32.msk $0xffff, v0  }
0xda: {  	v0 =	vld [tilespmem:s23+$0x1070];
	_ =	sdelay $0x2  }
0xdb: {  	[tilespmem:s19+$0x1060] =	vst.add.f32.msk $0xffff, v1  }
0xdc: {  	v1 =	vld [tilespmem:s20+$0x1070]  }
0xdd: {  	[tilespmem:s7+$0x1070] =	vst.add.f32.msk $0xffff, v0  }
0xde: {  	v0 =	vld [tilespmem:s23+$0x1400];
	_ =	sdelay $0x2  }
0xdf: {  	[tilespmem:s19+$0x1070] =	vst.add.f32.msk $0xffff, v1  }
0xe0: {  	v1 =	vld [tilespmem:s20+$0x1400]  }
0xe1: {  	[tilespmem:s7+$0x1400] =	vst.add.f32.msk $0xffff, v0  }
0xe2: {  	v0 =	vld [tilespmem:s23+$0x1410];
	_ =	sdelay $0x2  }
0xe3: {  	[tilespmem:s19+$0x1400] =	vst.add.f32.msk $0xffff, v1  }
0xe4: {  	s25 =	simm.s32 $0x100;
	s26 =	simm.s32 $0x800;
	v1 =	vld [tilespmem:s20+$0x1410]  }
0xe5: {  	s10 =	sand.u32 $0x2000, s26;
	s21 =	sand.u32 $0x300, s25;
	[tilespmem:s7+$0x1410] =	vst.add.f32.msk $0xffff, v0  }
0xe6: {  	s28 =	sadd.s32 s10, s8;
	s22 =	sor.u32 $0x80, s21;
	v0 =	vld [tilespmem:s23+$0x1420]  }
0xe7: {  	s9 =	sadd.s32 s22, s28  }
0xe8: {  	v2 =	vld [tilespmem:s9+$0x0]  }
0xe9: {  	s12 =	sadd.s32 s21, s28;
	[tilespmem:s19+$0x1410] =	vst.add.f32.msk $0xffff, v1  }
0xea: {  	v1 =	vld [tilespmem:s12+$0x0]  }
0xeb: {  	s10 =	sadd.s32 s10, s18;
	[tilespmem:s7+$0x1420] =	vst.add.f32.msk $0xffff, v0  }
0xec: {  	s11 =	sadd.s32 s22, s10;
	v0 =	vld [tilespmem:s23+$0x1430]  }
0xed: {  	[tilespmem:s11+$0x0] =	vst.add.f32.msk $0xffff, v2  }
0xee: {  	s10 =	sadd.s32 s21, s10;
	v2 =	vld [tilespmem:s9+$0x10]  }
0xef: {  	[tilespmem:s10+$0x0] =	vst.add.f32.msk $0xffff, v1  }
0xf0: {  	v1 =	vld [tilespmem:s12+$0x10]  }
0xf1: {  	[tilespmem:s7+$0x1430] =	vst.add.f32.msk $0xffff, v0  }
0xf2: {  	v0 =	vld [tilespmem:s23+$0x1440]  }
0xf3: {  	[tilespmem:s11+$0x10] =	vst.add.f32.msk $0xffff, v2  }
0xf4: {  	v2 =	vld [tilespmem:s9+$0x20]  }
0xf5: {  	[tilespmem:s10+$0x10] =	vst.add.f32.msk $0xffff, v1  }
0xf6: {  	v1 =	vld [tilespmem:s12+$0x20]  }
0xf7: {  	[tilespmem:s7+$0x1440] =	vst.add.f32.msk $0xffff, v0  }
0xf8: {  	v0 =	vld [tilespmem:s23+$0x1450]  }
0xf9: {  	[tilespmem:s11+$0x20] =	vst.add.f32.msk $0xffff, v2  }
0xfa: {  	v2 =	vld [tilespmem:s9+$0x30]  }
0xfb: {  	[tilespmem:s10+$0x20] =	vst.add.f32.msk $0xffff, v1  }
0xfc: {  	v1 =	vld [tilespmem:s12+$0x30]  }
0xfd: {  	[tilespmem:s7+$0x1450] =	vst.add.f32.msk $0xffff, v0  }
0xfe: {  	v0 =	vld [tilespmem:s23+$0x1460]  }
0xff: {  	[tilespmem:s11+$0x30] =	vst.add.f32.msk $0xffff, v2  }
0x100: {  	v2 =	vld [tilespmem:s9+$0x40]  }
0x101: {  	[tilespmem:s10+$0x30] =	vst.add.f32.msk $0xffff, v1  }
0x102: {  	v1 =	vld [tilespmem:s12+$0x40]  }
0x103: {  	[tilespmem:s7+$0x1460] =	vst.add.f32.msk $0xffff, v0  }
0x104: {  	v0 =	vld [tilespmem:s23+$0x1470]  }
0x105: {  	[tilespmem:s11+$0x40] =	vst.add.f32.msk $0xffff, v2  }
0x106: {  	v2 =	vld [tilespmem:s9+$0x50]  }
0x107: {  	[tilespmem:s10+$0x40] =	vst.add.f32.msk $0xffff, v1  }
0x108: {  	v1 =	vld [tilespmem:s12+$0x50]  }
0x109: {  	[tilespmem:s7+$0x1470] =	vst.add.f32.msk $0xffff, v0  }
0x10a: {  	v0 =	vld [tilespmem:s23+$0x1800]  }
0x10b: {  	[tilespmem:s11+$0x50] =	vst.add.f32.msk $0xffff, v2  }
0x10c: {  	v2 =	vld [tilespmem:s9+$0x60]  }
0x10d: {  	[tilespmem:s10+$0x50] =	vst.add.f32.msk $0xffff, v1  }
0x10e: {  	v1 =	vld [tilespmem:s12+$0x60]  }
0x10f: {  	[tilespmem:s7+$0x1800] =	vst.add.f32.msk $0xffff, v0  }
0x110: {  	v0 =	vld [tilespmem:s23+$0x1810]  }
0x111: {  	[tilespmem:s11+$0x60] =	vst.add.f32.msk $0xffff, v2  }
0x112: {  	v2 =	vld [tilespmem:s9+$0x70]  }
0x113: {  	[tilespmem:s10+$0x60] =	vst.add.f32.msk $0xffff, v1  }
0x114: {  	v1 =	vld [tilespmem:s12+$0x70]  }
0x115: {  	[tilespmem:s7+$0x1810] =	vst.add.f32.msk $0xffff, v0  }
0x116: {  	v0 =	vld [tilespmem:s23+$0x1820]  }
0x117: {  	[tilespmem:s11+$0x70] =	vst.add.f32.msk $0xffff, v2  }
0x118: {  	v2 =	vld [tilespmem:s9+$0x400]  }
0x119: {  	[tilespmem:s10+$0x70] =	vst.add.f32.msk $0xffff, v1  }
0x11a: {  	v1 =	vld [tilespmem:s12+$0x400]  }
0x11b: {  	[tilespmem:s7+$0x1820] =	vst.add.f32.msk $0xffff, v0  }
0x11c: {  	v0 =	vld [tilespmem:s23+$0x1830]  }
0x11d: {  	[tilespmem:s11+$0x400] =	vst.add.f32.msk $0xffff, v2  }
0x11e: {  	v2 =	vld [tilespmem:s9+$0x410]  }
0x11f: {  	[tilespmem:s10+$0x400] =	vst.add.f32.msk $0xffff, v1  }
0x120: {  	v1 =	vld [tilespmem:s12+$0x410]  }
0x121: {  	[tilespmem:s7+$0x1830] =	vst.add.f32.msk $0xffff, v0  }
0x122: {  	v0 =	vld [tilespmem:s23+$0x1840]  }
0x123: {  	[tilespmem:s11+$0x410] =	vst.add.f32.msk $0xffff, v2  }
0x124: {  	v2 =	vld [tilespmem:s9+$0x420]  }
0x125: {  	[tilespmem:s10+$0x410] =	vst.add.f32.msk $0xffff, v1  }
0x126: {  	v1 =	vld [tilespmem:s12+$0x420]  }
0x127: {  	[tilespmem:s7+$0x1840] =	vst.add.f32.msk $0xffff, v0  }
0x128: {  	v0 =	vld [tilespmem:s23+$0x1850]  }
0x129: {  	[tilespmem:s11+$0x420] =	vst.add.f32.msk $0xffff, v2  }
0x12a: {  	v2 =	vld [tilespmem:s9+$0x430]  }
0x12b: {  	[tilespmem:s10+$0x420] =	vst.add.f32.msk $0xffff, v1  }
0x12c: {  	v1 =	vld [tilespmem:s12+$0x430]  }
0x12d: {  	[tilespmem:s7+$0x1850] =	vst.add.f32.msk $0xffff, v0  }
0x12e: {  	v0 =	vld [tilespmem:s23+$0x1860]  }
0x12f: {  	[tilespmem:s11+$0x430] =	vst.add.f32.msk $0xffff, v2  }
0x130: {  	v2 =	vld [tilespmem:s9+$0x440]  }
0x131: {  	[tilespmem:s10+$0x430] =	vst.add.f32.msk $0xffff, v1  }
0x132: {  	v1 =	vld [tilespmem:s12+$0x440]  }
0x133: {  	[tilespmem:s7+$0x1860] =	vst.add.f32.msk $0xffff, v0  }
0x134: {  	v0 =	vld [tilespmem:s23+$0x1870]  }
0x135: {  	[tilespmem:s11+$0x440] =	vst.add.f32.msk $0xffff, v2  }
0x136: {  	v2 =	vld [tilespmem:s9+$0x450]  }
0x137: {  	[tilespmem:s10+$0x440] =	vst.add.f32.msk $0xffff, v1  }
0x138: {  	v1 =	vld [tilespmem:s12+$0x450]  }
0x139: {  	[tilespmem:s7+$0x1870] =	vst.add.f32.msk $0xffff, v0  }
0x13a: {  	v0 =	vld [tilespmem:s23+$0x1C00]  }
0x13b: {  	[tilespmem:s11+$0x450] =	vst.add.f32.msk $0xffff, v2  }
0x13c: {  	v2 =	vld [tilespmem:s9+$0x460]  }
0x13d: {  	[tilespmem:s10+$0x450] =	vst.add.f32.msk $0xffff, v1  }
0x13e: {  	v1 =	vld [tilespmem:s12+$0x460]  }
0x13f: {  	[tilespmem:s7+$0x1C00] =	vst.add.f32.msk $0xffff, v0  }
0x140: {  	v0 =	vld [tilespmem:s23+$0x1C10]  }
0x141: {  	[tilespmem:s11+$0x460] =	vst.add.f32.msk $0xffff, v2  }
0x142: {  	v2 =	vld [tilespmem:s9+$0x470]  }
0x143: {  	[tilespmem:s10+$0x460] =	vst.add.f32.msk $0xffff, v1  }
0x144: {  	v1 =	vld [tilespmem:s12+$0x470]  }
0x145: {  	[tilespmem:s7+$0x1C10] =	vst.add.f32.msk $0xffff, v0  }
0x146: {  	v0 =	vld [tilespmem:s23+$0x1C20]  }
0x147: {  	[tilespmem:s11+$0x470] =	vst.add.f32.msk $0xffff, v2  }
0x148: {  	v2 =	vld [tilespmem:s9+$0x800]  }
0x149: {  	[tilespmem:s10+$0x470] =	vst.add.f32.msk $0xffff, v1  }
0x14a: {  	v1 =	vld [tilespmem:s12+$0x800]  }
0x14b: {  	[tilespmem:s7+$0x1C20] =	vst.add.f32.msk $0xffff, v0  }
0x14c: {  	v0 =	vld [tilespmem:s23+$0x1C30]  }
0x14d: {  	[tilespmem:s11+$0x800] =	vst.add.f32.msk $0xffff, v2  }
0x14e: {  	v2 =	vld [tilespmem:s9+$0x810]  }
0x14f: {  	[tilespmem:s10+$0x800] =	vst.add.f32.msk $0xffff, v1  }
0x150: {  	v1 =	vld [tilespmem:s12+$0x810]  }
0x151: {  	[tilespmem:s7+$0x1C30] =	vst.add.f32.msk $0xffff, v0  }
0x152: {  	v0 =	vld [tilespmem:s23+$0x1C40]  }
0x153: {  	[tilespmem:s11+$0x810] =	vst.add.f32.msk $0xffff, v2  }
0x154: {  	v2 =	vld [tilespmem:s9+$0x820]  }
0x155: {  	[tilespmem:s10+$0x810] =	vst.add.f32.msk $0xffff, v1  }
0x156: {  	v1 =	vld [tilespmem:s12+$0x820]  }
0x157: {  	[tilespmem:s7+$0x1C40] =	vst.add.f32.msk $0xffff, v0  }
0x158: {  	v0 =	vld [tilespmem:s23+$0x1C50]  }
0x159: {  	[tilespmem:s11+$0x820] =	vst.add.f32.msk $0xffff, v2  }
0x15a: {  	v2 =	vld [tilespmem:s9+$0x830]  }
0x15b: {  	[tilespmem:s10+$0x820] =	vst.add.f32.msk $0xffff, v1  }
0x15c: {  	v1 =	vld [tilespmem:s12+$0x830]  }
0x15d: {  	[tilespmem:s7+$0x1C50] =	vst.add.f32.msk $0xffff, v0  }
0x15e: {  	v0 =	vld [tilespmem:s23+$0x1C60]  }
0x15f: {  	[tilespmem:s11+$0x830] =	vst.add.f32.msk $0xffff, v2  }
0x160: {  	v2 =	vld [tilespmem:s9+$0x840]  }
0x161: {  	[tilespmem:s10+$0x830] =	vst.add.f32.msk $0xffff, v1  }
0x162: {  	v1 =	vld [tilespmem:s12+$0x840]  }
0x163: {  	[tilespmem:s7+$0x1C60] =	vst.add.f32.msk $0xffff, v0  }
0x164: {  	v0 =	vld [tilespmem:s23+$0x1C70]  }
0x165: {  	[tilespmem:s11+$0x840] =	vst.add.f32.msk $0xffff, v2  }
0x166: {  	v2 =	vld [tilespmem:s9+$0x850]  }
0x167: {  	v3 =	vld [tilespmem:s20+$0x1420]  }
0x168: {  	[tilespmem:s10+$0x840] =	vst.add.f32.msk $0xffff, v1  }
0x169: {  	[tilespmem:s7+$0x1C70] =	vst.add.f32.msk $0xffff, v0  }
0x16a: {  	v0 =	vld [tilespmem:s12+$0x850]  }
0x16b: {  	[tilespmem:s11+$0x850] =	vst.add.f32.msk $0xffff, v2  }
0x16c: {  	v1 =	vld [tilespmem:s9+$0x860]  }
0x16d: {  	[tilespmem:s19+$0x1420] =	vst.add.f32.msk $0xffff, v3  }
0x16e: {  	v2 =	vld [tilespmem:s20+$0x1430]  }
0x16f: {  	[tilespmem:s10+$0x850] =	vst.add.f32.msk $0xffff, v0  }
0x170: {  	v0 =	vld [tilespmem:s12+$0x860]  }
0x171: {  	[tilespmem:s11+$0x860] =	vst.add.f32.msk $0xffff, v1  }
0x172: {  	v1 =	vld [tilespmem:s9+$0x870]  }
0x173: {  	[tilespmem:s19+$0x1430] =	vst.add.f32.msk $0xffff, v2  }
0x174: {  	v2 =	vld [tilespmem:s20+$0x1440]  }
0x175: {  	[tilespmem:s10+$0x860] =	vst.add.f32.msk $0xffff, v0  }
0x176: {  	v0 =	vld [tilespmem:s12+$0x870]  }
0x177: {  	[tilespmem:s11+$0x870] =	vst.add.f32.msk $0xffff, v1  }
0x178: {  	v1 =	vld [tilespmem:s9+$0xC00]  }
0x179: {  	[tilespmem:s19+$0x1440] =	vst.add.f32.msk $0xffff, v2  }
0x17a: {  	v2 =	vld [tilespmem:s20+$0x1450]  }
0x17b: {  	[tilespmem:s10+$0x870] =	vst.add.f32.msk $0xffff, v0  }
0x17c: {  	v0 =	vld [tilespmem:s12+$0xC00]  }
0x17d: {  	[tilespmem:s11+$0xC00] =	vst.add.f32.msk $0xffff, v1  }
0x17e: {  	v1 =	vld [tilespmem:s9+$0xC10]  }
0x17f: {  	[tilespmem:s19+$0x1450] =	vst.add.f32.msk $0xffff, v2  }
0x180: {  	v2 =	vld [tilespmem:s20+$0x1460]  }
0x181: {  	[tilespmem:s10+$0xC00] =	vst.add.f32.msk $0xffff, v0  }
0x182: {  	v0 =	vld [tilespmem:s12+$0xC10]  }
0x183: {  	[tilespmem:s11+$0xC10] =	vst.add.f32.msk $0xffff, v1  }
0x184: {  	v1 =	vld [tilespmem:s9+$0xC20]  }
0x185: {  	[tilespmem:s19+$0x1460] =	vst.add.f32.msk $0xffff, v2  }
0x186: {  	v2 =	vld [tilespmem:s20+$0x1470]  }
0x187: {  	[tilespmem:s10+$0xC10] =	vst.add.f32.msk $0xffff, v0  }
0x188: {  	v0 =	vld [tilespmem:s12+$0xC20]  }
0x189: {  	[tilespmem:s11+$0xC20] =	vst.add.f32.msk $0xffff, v1  }
0x18a: {  	v1 =	vld [tilespmem:s9+$0xC30]  }
0x18b: {  	[tilespmem:s19+$0x1470] =	vst.add.f32.msk $0xffff, v2  }
0x18c: {  	v2 =	vld [tilespmem:s20+$0x1800]  }
0x18d: {  	[tilespmem:s10+$0xC20] =	vst.add.f32.msk $0xffff, v0  }
0x18e: {  	v0 =	vld [tilespmem:s12+$0xC30]  }
0x18f: {  	[tilespmem:s11+$0xC30] =	vst.add.f32.msk $0xffff, v1  }
0x190: {  	v1 =	vld [tilespmem:s9+$0xC40]  }
0x191: {  	[tilespmem:s19+$0x1800] =	vst.add.f32.msk $0xffff, v2  }
0x192: {  	v2 =	vld [tilespmem:s20+$0x1810]  }
0x193: {  	[tilespmem:s10+$0xC30] =	vst.add.f32.msk $0xffff, v0  }
0x194: {  	v0 =	vld [tilespmem:s12+$0xC40]  }
0x195: {  	[tilespmem:s11+$0xC40] =	vst.add.f32.msk $0xffff, v1  }
0x196: {  	v1 =	vld [tilespmem:s9+$0xC50]  }
0x197: {  	[tilespmem:s19+$0x1810] =	vst.add.f32.msk $0xffff, v2  }
0x198: {  	v2 =	vld [tilespmem:s20+$0x1820]  }
0x199: {  	[tilespmem:s10+$0xC40] =	vst.add.f32.msk $0xffff, v0  }
0x19a: {  	v0 =	vld [tilespmem:s12+$0xC50]  }
0x19b: {  	[tilespmem:s11+$0xC50] =	vst.add.f32.msk $0xffff, v1  }
0x19c: {  	v1 =	vld [tilespmem:s9+$0xC60]  }
0x19d: {  	[tilespmem:s19+$0x1820] =	vst.add.f32.msk $0xffff, v2  }
0x19e: {  	v2 =	vld [tilespmem:s20+$0x1830]  }
0x19f: {  	[tilespmem:s10+$0xC50] =	vst.add.f32.msk $0xffff, v0  }
0x1a0: {  	v0 =	vld [tilespmem:s12+$0xC60]  }
0x1a1: {  	[tilespmem:s11+$0xC60] =	vst.add.f32.msk $0xffff, v1  }
0x1a2: {  	v1 =	vld [tilespmem:s9+$0xC70]  }
0x1a3: {  	[tilespmem:s19+$0x1830] =	vst.add.f32.msk $0xffff, v2  }
0x1a4: {  	v2 =	vld [tilespmem:s20+$0x1840]  }
0x1a5: {  	[tilespmem:s10+$0xC60] =	vst.add.f32.msk $0xffff, v0  }
0x1a6: {  	v0 =	vld [tilespmem:s12+$0xC70]  }
0x1a7: {  	[tilespmem:s11+$0xC70] =	vst.add.f32.msk $0xffff, v1  }
0x1a8: {  	v1 =	vld [tilespmem:s9+$0x1000]  }
0x1a9: {  	[tilespmem:s19+$0x1840] =	vst.add.f32.msk $0xffff, v2  }
0x1aa: {  	v2 =	vld [tilespmem:s20+$0x1850]  }
0x1ab: {  	[tilespmem:s10+$0xC70] =	vst.add.f32.msk $0xffff, v0  }
0x1ac: {  	v0 =	vld [tilespmem:s12+$0x1000]  }
0x1ad: {  	[tilespmem:s11+$0x1000] =	vst.add.f32.msk $0xffff, v1  }
0x1ae: {  	v1 =	vld [tilespmem:s9+$0x1010]  }
0x1af: {  	[tilespmem:s19+$0x1850] =	vst.add.f32.msk $0xffff, v2  }
0x1b0: {  	v2 =	vld [tilespmem:s20+$0x1860]  }
0x1b1: {  	[tilespmem:s10+$0x1000] =	vst.add.f32.msk $0xffff, v0  }
0x1b2: {  	v0 =	vld [tilespmem:s12+$0x1010]  }
0x1b3: {  	[tilespmem:s11+$0x1010] =	vst.add.f32.msk $0xffff, v1  }
0x1b4: {  	v1 =	vld [tilespmem:s9+$0x1020]  }
0x1b5: {  	[tilespmem:s19+$0x1860] =	vst.add.f32.msk $0xffff, v2  }
0x1b6: {  	v2 =	vld [tilespmem:s20+$0x1870]  }
0x1b7: {  	[tilespmem:s10+$0x1010] =	vst.add.f32.msk $0xffff, v0  }
0x1b8: {  	v0 =	vld [tilespmem:s12+$0x1020]  }
0x1b9: {  	[tilespmem:s11+$0x1020] =	vst.add.f32.msk $0xffff, v1  }
0x1ba: {  	v1 =	vld [tilespmem:s9+$0x1030]  }
0x1bb: {  	[tilespmem:s19+$0x1870] =	vst.add.f32.msk $0xffff, v2  }
0x1bc: {  	v2 =	vld [tilespmem:s20+$0x1C00]  }
0x1bd: {  	[tilespmem:s10+$0x1020] =	vst.add.f32.msk $0xffff, v0  }
0x1be: {  	v0 =	vld [tilespmem:s12+$0x1030]  }
0x1bf: {  	[tilespmem:s11+$0x1030] =	vst.add.f32.msk $0xffff, v1  }
0x1c0: {  	v1 =	vld [tilespmem:s9+$0x1040]  }
0x1c1: {  	[tilespmem:s19+$0x1C00] =	vst.add.f32.msk $0xffff, v2  }
0x1c2: {  	v2 =	vld [tilespmem:s20+$0x1C10]  }
0x1c3: {  	[tilespmem:s10+$0x1030] =	vst.add.f32.msk $0xffff, v0  }
0x1c4: {  	v0 =	vld [tilespmem:s12+$0x1040]  }
0x1c5: {  	[tilespmem:s11+$0x1040] =	vst.add.f32.msk $0xffff, v1  }
0x1c6: {  	v1 =	vld [tilespmem:s9+$0x1050]  }
0x1c7: {  	[tilespmem:s19+$0x1C10] =	vst.add.f32.msk $0xffff, v2  }
0x1c8: {  	v2 =	vld [tilespmem:s20+$0x1C20]  }
0x1c9: {  	[tilespmem:s10+$0x1040] =	vst.add.f32.msk $0xffff, v0  }
0x1ca: {  	v0 =	vld [tilespmem:s12+$0x1050]  }
0x1cb: {  	[tilespmem:s11+$0x1050] =	vst.add.f32.msk $0xffff, v1  }
0x1cc: {  	v1 =	vld [tilespmem:s9+$0x1060]  }
0x1cd: {  	[tilespmem:s19+$0x1C20] =	vst.add.f32.msk $0xffff, v2  }
0x1ce: {  	v2 =	vld [tilespmem:s20+$0x1C30]  }
0x1cf: {  	[tilespmem:s10+$0x1050] =	vst.add.f32.msk $0xffff, v0  }
0x1d0: {  	v0 =	vld [tilespmem:s12+$0x1060]  }
0x1d1: {  	[tilespmem:s11+$0x1060] =	vst.add.f32.msk $0xffff, v1  }
0x1d2: {  	v1 =	vld [tilespmem:s9+$0x1070]  }
0x1d3: {  	[tilespmem:s19+$0x1C30] =	vst.add.f32.msk $0xffff, v2  }
0x1d4: {  	v2 =	vld [tilespmem:s20+$0x1C40]  }
0x1d5: {  	[tilespmem:s10+$0x1060] =	vst.add.f32.msk $0xffff, v0  }
0x1d6: {  	v0 =	vld [tilespmem:s12+$0x1070]  }
0x1d7: {  	[tilespmem:s11+$0x1070] =	vst.add.f32.msk $0xffff, v1  }
0x1d8: {  	v1 =	vld [tilespmem:s9+$0x1400]  }
0x1d9: {  	[tilespmem:s19+$0x1C40] =	vst.add.f32.msk $0xffff, v2  }
0x1da: {  	v2 =	vld [tilespmem:s20+$0x1C50]  }
0x1db: {  	[tilespmem:s10+$0x1070] =	vst.add.f32.msk $0xffff, v0  }
0x1dc: {  	v3 =	vld [tilespmem:s12+$0x1400]  }
0x1dd: {  	[tilespmem:s11+$0x1400] =	vst.add.f32.msk $0xffff, v1  }
0x1de: {  	v4 =	vld [tilespmem:s9+$0x1410]  }
0x1df: {  	[tilespmem:s19+$0x1C50] =	vst.add.f32.msk $0xffff, v2  }
0x1e0: {  	v0 =	vld [tilespmem:s20+$0x1C60]  }
0x1e1: {  	[tilespmem:s10+$0x1400] =	vst.add.f32.msk $0xffff, v3  }
0x1e2: {  	v1 =	vld [tilespmem:s12+$0x1410]  }
0x1e3: {  	s14 =	sor.u32 $0x2000, s18;
	[tilespmem:s11+$0x1410] =	vst.add.f32.msk $0xffff, v4  }
0x1e4: {  	s21 =	simm.s32 $0x200;
	s22 =	simm.s32 $0x1000;
	s7 =	simm.s32 $0x2;
	v2 =	vld [tilespmem:s9+$0x1420]  }
.LBB2_3:
0x1e5: {  	s23 =	sand.u32 $0x2000, s22;
	s25 =	sand.u32 $0x300, s21;
	s7 =	sadd.s32 $0x2, s7;
	[tilespmem:s19+$0x1C60] =	vst.add.f32.msk $0xffff, v0  }
0x1e6: {  	s26 =	sadd.s32 s23, s8;
	s28 =	sor.u32 $0x80, s25;
	p0 =	slt.u32 s7, $0xE;
	v0 =	vld [tilespmem:s20+$0x1C70]  }
0x1e7: {  	s20 =	smov.u32 s12;
	s24 =	sadd.s32 s28, s26;
	[tilespmem:s10+$0x1410] =	vst.add.f32.msk $0xffff, v1;
	s12 =	sadd.s32 s25, s26  }
0x1e8: {  	v3 =	vld [tilespmem:s24+$0x0]  }
0x1e9: {  	[tilespmem:s11+$0x1420] =	vst.add.f32.msk $0xffff, v2  }
0x1ea: {  	v2 =	vld [tilespmem:s9+$0x1430]  }
0x1eb: {  	s26 =	sadd.s32 s23, s18;
	v4 =	vld [tilespmem:s12+$0x0]  }
0x1ec: {  	s23 =	sadd.s32 s25, s26;
	s25 =	sadd.s32 s28, s26;
	v1 =	vld [tilespmem:s20+$0x1420]  }
0x1ed: {  	[tilespmem:s25+$0x0] =	vst.add.f32.msk $0xffff, v3  }
0x1ee: {  	v3 =	vld [tilespmem:s24+$0x10]  }
0x1ef: {  	[tilespmem:s11+$0x1430] =	vst.add.f32.msk $0xffff, v2  }
0x1f0: {  	v2 =	vld [tilespmem:s9+$0x1440]  }
0x1f1: {  	[tilespmem:s23+$0x0] =	vst.add.f32.msk $0xffff, v4  }
0x1f2: {  	v4 =	vld [tilespmem:s12+$0x10]  }
0x1f3: {  	[tilespmem:s25+$0x10] =	vst.add.f32.msk $0xffff, v3  }
0x1f4: {  	v3 =	vld [tilespmem:s24+$0x20]  }
0x1f5: {  	[tilespmem:s11+$0x1440] =	vst.add.f32.msk $0xffff, v2  }
0x1f6: {  	v2 =	vld [tilespmem:s9+$0x1450]  }
0x1f7: {  	[tilespmem:s23+$0x10] =	vst.add.f32.msk $0xffff, v4  }
0x1f8: {  	v4 =	vld [tilespmem:s12+$0x20]  }
0x1f9: {  	[tilespmem:s25+$0x20] =	vst.add.f32.msk $0xffff, v3  }
0x1fa: {  	v3 =	vld [tilespmem:s24+$0x30]  }
0x1fb: {  	[tilespmem:s11+$0x1450] =	vst.add.f32.msk $0xffff, v2  }
0x1fc: {  	v2 =	vld [tilespmem:s9+$0x1460]  }
0x1fd: {  	[tilespmem:s23+$0x20] =	vst.add.f32.msk $0xffff, v4  }
0x1fe: {  	v4 =	vld [tilespmem:s12+$0x30]  }
0x1ff: {  	[tilespmem:s25+$0x30] =	vst.add.f32.msk $0xffff, v3  }
0x200: {  	v3 =	vld [tilespmem:s24+$0x40]  }
0x201: {  	[tilespmem:s11+$0x1460] =	vst.add.f32.msk $0xffff, v2  }
0x202: {  	v2 =	vld [tilespmem:s9+$0x1470]  }
0x203: {  	[tilespmem:s23+$0x30] =	vst.add.f32.msk $0xffff, v4  }
0x204: {  	v4 =	vld [tilespmem:s12+$0x40]  }
0x205: {  	[tilespmem:s25+$0x40] =	vst.add.f32.msk $0xffff, v3  }
0x206: {  	v3 =	vld [tilespmem:s24+$0x50]  }
0x207: {  	[tilespmem:s11+$0x1470] =	vst.add.f32.msk $0xffff, v2  }
0x208: {  	v2 =	vld [tilespmem:s9+$0x1800]  }
0x209: {  	[tilespmem:s23+$0x40] =	vst.add.f32.msk $0xffff, v4  }
0x20a: {  	v4 =	vld [tilespmem:s12+$0x50]  }
0x20b: {  	[tilespmem:s25+$0x50] =	vst.add.f32.msk $0xffff, v3  }
0x20c: {  	v3 =	vld [tilespmem:s24+$0x60]  }
0x20d: {  	[tilespmem:s11+$0x1800] =	vst.add.f32.msk $0xffff, v2  }
0x20e: {  	v2 =	vld [tilespmem:s9+$0x1810]  }
0x20f: {  	[tilespmem:s23+$0x50] =	vst.add.f32.msk $0xffff, v4  }
0x210: {  	v4 =	vld [tilespmem:s12+$0x60]  }
0x211: {  	[tilespmem:s25+$0x60] =	vst.add.f32.msk $0xffff, v3  }
0x212: {  	v3 =	vld [tilespmem:s24+$0x70]  }
0x213: {  	[tilespmem:s11+$0x1810] =	vst.add.f32.msk $0xffff, v2  }
0x214: {  	v2 =	vld [tilespmem:s9+$0x1820]  }
0x215: {  	[tilespmem:s23+$0x60] =	vst.add.f32.msk $0xffff, v4  }
0x216: {  	v4 =	vld [tilespmem:s12+$0x70]  }
0x217: {  	[tilespmem:s25+$0x70] =	vst.add.f32.msk $0xffff, v3  }
0x218: {  	v3 =	vld [tilespmem:s24+$0x400]  }
0x219: {  	[tilespmem:s11+$0x1820] =	vst.add.f32.msk $0xffff, v2  }
0x21a: {  	v2 =	vld [tilespmem:s9+$0x1830]  }
0x21b: {  	[tilespmem:s23+$0x70] =	vst.add.f32.msk $0xffff, v4  }
0x21c: {  	v4 =	vld [tilespmem:s12+$0x400]  }
0x21d: {  	[tilespmem:s25+$0x400] =	vst.add.f32.msk $0xffff, v3  }
0x21e: {  	v3 =	vld [tilespmem:s24+$0x410]  }
0x21f: {  	[tilespmem:s11+$0x1830] =	vst.add.f32.msk $0xffff, v2  }
0x220: {  	v2 =	vld [tilespmem:s9+$0x1840]  }
0x221: {  	[tilespmem:s23+$0x400] =	vst.add.f32.msk $0xffff, v4  }
0x222: {  	v4 =	vld [tilespmem:s12+$0x410]  }
0x223: {  	[tilespmem:s25+$0x410] =	vst.add.f32.msk $0xffff, v3  }
0x224: {  	v3 =	vld [tilespmem:s24+$0x420]  }
0x225: {  	[tilespmem:s11+$0x1840] =	vst.add.f32.msk $0xffff, v2  }
0x226: {  	v2 =	vld [tilespmem:s9+$0x1850]  }
0x227: {  	[tilespmem:s23+$0x410] =	vst.add.f32.msk $0xffff, v4  }
0x228: {  	v4 =	vld [tilespmem:s12+$0x420]  }
0x229: {  	[tilespmem:s25+$0x420] =	vst.add.f32.msk $0xffff, v3  }
0x22a: {  	v3 =	vld [tilespmem:s24+$0x430]  }
0x22b: {  	[tilespmem:s11+$0x1850] =	vst.add.f32.msk $0xffff, v2  }
0x22c: {  	v2 =	vld [tilespmem:s9+$0x1860]  }
0x22d: {  	[tilespmem:s23+$0x420] =	vst.add.f32.msk $0xffff, v4  }
0x22e: {  	v4 =	vld [tilespmem:s12+$0x430]  }
0x22f: {  	[tilespmem:s25+$0x430] =	vst.add.f32.msk $0xffff, v3  }
0x230: {  	v3 =	vld [tilespmem:s24+$0x440]  }
0x231: {  	[tilespmem:s11+$0x1860] =	vst.add.f32.msk $0xffff, v2  }
0x232: {  	v2 =	vld [tilespmem:s9+$0x1870]  }
0x233: {  	[tilespmem:s23+$0x430] =	vst.add.f32.msk $0xffff, v4  }
0x234: {  	v4 =	vld [tilespmem:s12+$0x440]  }
0x235: {  	[tilespmem:s25+$0x440] =	vst.add.f32.msk $0xffff, v3  }
0x236: {  	v3 =	vld [tilespmem:s24+$0x450]  }
0x237: {  	[tilespmem:s11+$0x1870] =	vst.add.f32.msk $0xffff, v2  }
0x238: {  	v2 =	vld [tilespmem:s9+$0x1C00]  }
0x239: {  	[tilespmem:s23+$0x440] =	vst.add.f32.msk $0xffff, v4  }
0x23a: {  	v4 =	vld [tilespmem:s12+$0x450]  }
0x23b: {  	[tilespmem:s25+$0x450] =	vst.add.f32.msk $0xffff, v3  }
0x23c: {  	v3 =	vld [tilespmem:s24+$0x460]  }
0x23d: {  	[tilespmem:s11+$0x1C00] =	vst.add.f32.msk $0xffff, v2  }
0x23e: {  	v2 =	vld [tilespmem:s9+$0x1C10]  }
0x23f: {  	[tilespmem:s23+$0x450] =	vst.add.f32.msk $0xffff, v4  }
0x240: {  	v4 =	vld [tilespmem:s12+$0x460]  }
0x241: {  	[tilespmem:s25+$0x460] =	vst.add.f32.msk $0xffff, v3  }
0x242: {  	v3 =	vld [tilespmem:s24+$0x470]  }
0x243: {  	[tilespmem:s11+$0x1C10] =	vst.add.f32.msk $0xffff, v2  }
0x244: {  	v2 =	vld [tilespmem:s9+$0x1C20]  }
0x245: {  	[tilespmem:s23+$0x460] =	vst.add.f32.msk $0xffff, v4  }
0x246: {  	v4 =	vld [tilespmem:s12+$0x470]  }
0x247: {  	[tilespmem:s25+$0x470] =	vst.add.f32.msk $0xffff, v3  }
0x248: {  	v3 =	vld [tilespmem:s24+$0x800]  }
0x249: {  	[tilespmem:s11+$0x1C20] =	vst.add.f32.msk $0xffff, v2  }
0x24a: {  	v2 =	vld [tilespmem:s9+$0x1C30]  }
0x24b: {  	[tilespmem:s23+$0x470] =	vst.add.f32.msk $0xffff, v4  }
0x24c: {  	v4 =	vld [tilespmem:s12+$0x800]  }
0x24d: {  	[tilespmem:s25+$0x800] =	vst.add.f32.msk $0xffff, v3  }
0x24e: {  	v3 =	vld [tilespmem:s24+$0x810]  }
0x24f: {  	[tilespmem:s11+$0x1C30] =	vst.add.f32.msk $0xffff, v2  }
0x250: {  	v2 =	vld [tilespmem:s9+$0x1C40]  }
0x251: {  	[tilespmem:s23+$0x800] =	vst.add.f32.msk $0xffff, v4  }
0x252: {  	v4 =	vld [tilespmem:s12+$0x810]  }
0x253: {  	[tilespmem:s25+$0x810] =	vst.add.f32.msk $0xffff, v3  }
0x254: {  	v3 =	vld [tilespmem:s24+$0x820]  }
0x255: {  	[tilespmem:s11+$0x1C40] =	vst.add.f32.msk $0xffff, v2  }
0x256: {  	v2 =	vld [tilespmem:s9+$0x1C50]  }
0x257: {  	[tilespmem:s23+$0x810] =	vst.add.f32.msk $0xffff, v4  }
0x258: {  	v4 =	vld [tilespmem:s12+$0x820]  }
0x259: {  	[tilespmem:s25+$0x820] =	vst.add.f32.msk $0xffff, v3  }
0x25a: {  	v3 =	vld [tilespmem:s24+$0x830]  }
0x25b: {  	[tilespmem:s11+$0x1C50] =	vst.add.f32.msk $0xffff, v2  }
0x25c: {  	v2 =	vld [tilespmem:s9+$0x1C60]  }
0x25d: {  	[tilespmem:s23+$0x820] =	vst.add.f32.msk $0xffff, v4  }
0x25e: {  	v4 =	vld [tilespmem:s12+$0x830]  }
0x25f: {  	[tilespmem:s25+$0x830] =	vst.add.f32.msk $0xffff, v3  }
0x260: {  	v3 =	vld [tilespmem:s24+$0x840]  }
0x261: {  	[tilespmem:s11+$0x1C60] =	vst.add.f32.msk $0xffff, v2  }
0x262: {  	v2 =	vld [tilespmem:s9+$0x1C70];
	s9 =	smov.u32 s24  }
0x263: {  	[tilespmem:s23+$0x830] =	vst.add.f32.msk $0xffff, v4  }
0x264: {  	v4 =	vld [tilespmem:s12+$0x840]  }
0x265: {  	[tilespmem:s25+$0x840] =	vst.add.f32.msk $0xffff, v3  }
0x266: {  	v3 =	vld [tilespmem:s9+$0x850]  }
0x267: {  	[tilespmem:s11+$0x1C70] =	vst.add.f32.msk $0xffff, v2;
	s11 =	smov.u32 s25  }
0x268: {  	[tilespmem:s10+$0x1420] =	vst.add.f32.msk $0xffff, v1  }
0x269: {  	[tilespmem:s23+$0x840] =	vst.add.f32.msk $0xffff, v4  }
0x26a: {  	v1 =	vld [tilespmem:s12+$0x850]  }
0x26b: {  	[tilespmem:s11+$0x850] =	vst.add.f32.msk $0xffff, v3  }
0x26c: {  	v2 =	vld [tilespmem:s9+$0x860]  }
0x26d: {  	v3 =	vld [tilespmem:s20+$0x1430]  }
0x26e: {  	[tilespmem:s19+$0x1C70] =	vst.add.f32.msk $0xffff, v0;
	s19 =	smov.u32 s10;
	s10 =	smov.u32 s23  }
0x26f: {  	[tilespmem:s10+$0x850] =	vst.add.f32.msk $0xffff, v1  }
0x270: {  	v0 =	vld [tilespmem:s12+$0x860]  }
0x271: {  	[tilespmem:s11+$0x860] =	vst.add.f32.msk $0xffff, v2  }
0x272: {  	v1 =	vld [tilespmem:s9+$0x870]  }
0x273: {  	[tilespmem:s19+$0x1430] =	vst.add.f32.msk $0xffff, v3  }
0x274: {  	v2 =	vld [tilespmem:s20+$0x1440]  }
0x275: {  	[tilespmem:s10+$0x860] =	vst.add.f32.msk $0xffff, v0  }
0x276: {  	v0 =	vld [tilespmem:s12+$0x870]  }
0x277: {  	[tilespmem:s11+$0x870] =	vst.add.f32.msk $0xffff, v1  }
0x278: {  	v1 =	vld [tilespmem:s9+$0xC00]  }
0x279: {  	[tilespmem:s19+$0x1440] =	vst.add.f32.msk $0xffff, v2  }
0x27a: {  	v2 =	vld [tilespmem:s20+$0x1450]  }
0x27b: {  	[tilespmem:s10+$0x870] =	vst.add.f32.msk $0xffff, v0  }
0x27c: {  	v0 =	vld [tilespmem:s12+$0xC00]  }
0x27d: {  	[tilespmem:s11+$0xC00] =	vst.add.f32.msk $0xffff, v1  }
0x27e: {  	v1 =	vld [tilespmem:s9+$0xC10]  }
0x27f: {  	[tilespmem:s19+$0x1450] =	vst.add.f32.msk $0xffff, v2  }
0x280: {  	v2 =	vld [tilespmem:s20+$0x1460]  }
0x281: {  	[tilespmem:s10+$0xC00] =	vst.add.f32.msk $0xffff, v0  }
0x282: {  	v0 =	vld [tilespmem:s12+$0xC10]  }
0x283: {  	[tilespmem:s11+$0xC10] =	vst.add.f32.msk $0xffff, v1  }
0x284: {  	v1 =	vld [tilespmem:s9+$0xC20]  }
0x285: {  	[tilespmem:s19+$0x1460] =	vst.add.f32.msk $0xffff, v2  }
0x286: {  	v2 =	vld [tilespmem:s20+$0x1470]  }
0x287: {  	[tilespmem:s10+$0xC10] =	vst.add.f32.msk $0xffff, v0  }
0x288: {  	v0 =	vld [tilespmem:s12+$0xC20]  }
0x289: {  	[tilespmem:s11+$0xC20] =	vst.add.f32.msk $0xffff, v1  }
0x28a: {  	v1 =	vld [tilespmem:s9+$0xC30]  }
0x28b: {  	[tilespmem:s19+$0x1470] =	vst.add.f32.msk $0xffff, v2  }
0x28c: {  	v2 =	vld [tilespmem:s20+$0x1800]  }
0x28d: {  	[tilespmem:s10+$0xC20] =	vst.add.f32.msk $0xffff, v0  }
0x28e: {  	v0 =	vld [tilespmem:s12+$0xC30]  }
0x28f: {  	[tilespmem:s11+$0xC30] =	vst.add.f32.msk $0xffff, v1  }
0x290: {  	v1 =	vld [tilespmem:s9+$0xC40]  }
0x291: {  	[tilespmem:s19+$0x1800] =	vst.add.f32.msk $0xffff, v2  }
0x292: {  	v2 =	vld [tilespmem:s20+$0x1810]  }
0x293: {  	[tilespmem:s10+$0xC30] =	vst.add.f32.msk $0xffff, v0  }
0x294: {  	v0 =	vld [tilespmem:s12+$0xC40]  }
0x295: {  	[tilespmem:s11+$0xC40] =	vst.add.f32.msk $0xffff, v1  }
0x296: {  	v1 =	vld [tilespmem:s9+$0xC50]  }
0x297: {  	[tilespmem:s19+$0x1810] =	vst.add.f32.msk $0xffff, v2  }
0x298: {  	v2 =	vld [tilespmem:s20+$0x1820]  }
0x299: {  	[tilespmem:s10+$0xC40] =	vst.add.f32.msk $0xffff, v0  }
0x29a: {  	v0 =	vld [tilespmem:s12+$0xC50]  }
0x29b: {  	[tilespmem:s11+$0xC50] =	vst.add.f32.msk $0xffff, v1  }
0x29c: {  	v1 =	vld [tilespmem:s9+$0xC60]  }
0x29d: {  	[tilespmem:s19+$0x1820] =	vst.add.f32.msk $0xffff, v2  }
0x29e: {  	v2 =	vld [tilespmem:s20+$0x1830]  }
0x29f: {  	[tilespmem:s10+$0xC50] =	vst.add.f32.msk $0xffff, v0  }
0x2a0: {  	v0 =	vld [tilespmem:s12+$0xC60]  }
0x2a1: {  	[tilespmem:s11+$0xC60] =	vst.add.f32.msk $0xffff, v1  }
0x2a2: {  	v1 =	vld [tilespmem:s9+$0xC70]  }
0x2a3: {  	[tilespmem:s19+$0x1830] =	vst.add.f32.msk $0xffff, v2  }
0x2a4: {  	v2 =	vld [tilespmem:s20+$0x1840]  }
0x2a5: {  	[tilespmem:s10+$0xC60] =	vst.add.f32.msk $0xffff, v0  }
0x2a6: {  	v0 =	vld [tilespmem:s12+$0xC70]  }
0x2a7: {  	[tilespmem:s11+$0xC70] =	vst.add.f32.msk $0xffff, v1  }
0x2a8: {  	v1 =	vld [tilespmem:s9+$0x1000]  }
0x2a9: {  	[tilespmem:s19+$0x1840] =	vst.add.f32.msk $0xffff, v2  }
0x2aa: {  	v2 =	vld [tilespmem:s20+$0x1850]  }
0x2ab: {  	[tilespmem:s10+$0xC70] =	vst.add.f32.msk $0xffff, v0  }
0x2ac: {  	v0 =	vld [tilespmem:s12+$0x1000]  }
0x2ad: {  	[tilespmem:s11+$0x1000] =	vst.add.f32.msk $0xffff, v1  }
0x2ae: {  	v1 =	vld [tilespmem:s9+$0x1010]  }
0x2af: {  	[tilespmem:s19+$0x1850] =	vst.add.f32.msk $0xffff, v2  }
0x2b0: {  	v2 =	vld [tilespmem:s20+$0x1860]  }
0x2b1: {  	[tilespmem:s10+$0x1000] =	vst.add.f32.msk $0xffff, v0  }
0x2b2: {  	v0 =	vld [tilespmem:s12+$0x1010]  }
0x2b3: {  	[tilespmem:s11+$0x1010] =	vst.add.f32.msk $0xffff, v1  }
0x2b4: {  	v1 =	vld [tilespmem:s9+$0x1020]  }
0x2b5: {  	[tilespmem:s19+$0x1860] =	vst.add.f32.msk $0xffff, v2  }
0x2b6: {  	v2 =	vld [tilespmem:s20+$0x1870]  }
0x2b7: {  	[tilespmem:s10+$0x1010] =	vst.add.f32.msk $0xffff, v0  }
0x2b8: {  	v0 =	vld [tilespmem:s12+$0x1020]  }
0x2b9: {  	[tilespmem:s11+$0x1020] =	vst.add.f32.msk $0xffff, v1  }
0x2ba: {  	v1 =	vld [tilespmem:s9+$0x1030]  }
0x2bb: {  	[tilespmem:s19+$0x1870] =	vst.add.f32.msk $0xffff, v2  }
0x2bc: {  	v2 =	vld [tilespmem:s20+$0x1C00]  }
0x2bd: {  	[tilespmem:s10+$0x1020] =	vst.add.f32.msk $0xffff, v0  }
0x2be: {  	v0 =	vld [tilespmem:s12+$0x1030]  }
0x2bf: {  	[tilespmem:s11+$0x1030] =	vst.add.f32.msk $0xffff, v1  }
0x2c0: {  	v1 =	vld [tilespmem:s9+$0x1040]  }
0x2c1: {  	[tilespmem:s19+$0x1C00] =	vst.add.f32.msk $0xffff, v2  }
0x2c2: {  	v2 =	vld [tilespmem:s20+$0x1C10]  }
0x2c3: {  	[tilespmem:s10+$0x1030] =	vst.add.f32.msk $0xffff, v0  }
0x2c4: {  	v0 =	vld [tilespmem:s12+$0x1040]  }
0x2c5: {  	[tilespmem:s11+$0x1040] =	vst.add.f32.msk $0xffff, v1  }
0x2c6: {  	v1 =	vld [tilespmem:s9+$0x1050]  }
0x2c7: {  	[tilespmem:s19+$0x1C10] =	vst.add.f32.msk $0xffff, v2  }
0x2c8: {  	v2 =	vld [tilespmem:s20+$0x1C20]  }
0x2c9: {  	[tilespmem:s10+$0x1040] =	vst.add.f32.msk $0xffff, v0  }
0x2ca: {  	v0 =	vld [tilespmem:s12+$0x1050]  }
0x2cb: {  	[tilespmem:s11+$0x1050] =	vst.add.f32.msk $0xffff, v1  }
0x2cc: {  	v1 =	vld [tilespmem:s9+$0x1060]  }
0x2cd: {  	[tilespmem:s19+$0x1C20] =	vst.add.f32.msk $0xffff, v2  }
0x2ce: {  	v2 =	vld [tilespmem:s20+$0x1C30]  }
0x2cf: {  	[tilespmem:s10+$0x1050] =	vst.add.f32.msk $0xffff, v0  }
0x2d0: {  	v0 =	vld [tilespmem:s12+$0x1060]  }
0x2d1: {  	[tilespmem:s11+$0x1060] =	vst.add.f32.msk $0xffff, v1  }
0x2d2: {  	v1 =	vld [tilespmem:s9+$0x1070]  }
0x2d3: {  	[tilespmem:s19+$0x1C30] =	vst.add.f32.msk $0xffff, v2  }
0x2d4: {  	v2 =	vld [tilespmem:s20+$0x1C40]  }
0x2d5: {  	[tilespmem:s10+$0x1060] =	vst.add.f32.msk $0xffff, v0  }
0x2d6: {  	v0 =	vld [tilespmem:s12+$0x1070]  }
0x2d7: {  	[tilespmem:s11+$0x1070] =	vst.add.f32.msk $0xffff, v1  }
0x2d8: {  	v1 =	vld [tilespmem:s9+$0x1400]  }
0x2d9: {  	[tilespmem:s19+$0x1C40] =	vst.add.f32.msk $0xffff, v2  }
0x2da: {  	v2 =	vld [tilespmem:s20+$0x1C50]  }
0x2db: {  	[tilespmem:s10+$0x1070] =	vst.add.f32.msk $0xffff, v0  }
0x2dc: {  	v3 =	vld [tilespmem:s12+$0x1400]  }
0x2dd: {  	[tilespmem:s11+$0x1400] =	vst.add.f32.msk $0xffff, v1  }
0x2de: {  	v4 =	vld [tilespmem:s9+$0x1410]  }
0x2df: {  	[tilespmem:s19+$0x1C50] =	vst.add.f32.msk $0xffff, v2  }
.Ltmp0:
0x2e0: {  	v0 =	vld [tilespmem:s20+$0x1C60];
	(pc) =	sbr.rel @p0 .LBB2_3-.Ltmp0, $4  }
0x2e1: {  	[tilespmem:s10+$0x1400] =	vst.add.f32.msk $0xffff, v3  }
0x2e2: {  	v1 =	vld [tilespmem:s12+$0x1410]  }
0x2e3: {  	[tilespmem:s11+$0x1410] =	vst.add.f32.msk $0xffff, v4  }
0x2e4: {  	s21 =	sadd.s32 $0x100, s21;
	s22 =	sadd.s32 $0x800, s22;
	v2 =	vld [tilespmem:s9+$0x1420]  }
0x2e5: {  	_ =	sdelay $0x1  }
0x2e6: {  	[tilespmem:s10+$0x1410] =	vst.add.f32.msk $0xffff, v1  }
0x2e7: {  	v1 =	vld [tilespmem:s12+$0x1420];
	_ =	sdelay $0x2  }
0x2e8: {  	[tilespmem:s11+$0x1420] =	vst.add.f32.msk $0xffff, v2  }
0x2e9: {  	v2 =	vld [tilespmem:s9+$0x1430]  }
0x2ea: {  	[tilespmem:s10+$0x1420] =	vst.add.f32.msk $0xffff, v1  }
0x2eb: {  	v1 =	vld [tilespmem:s12+$0x1430];
	_ =	sdelay $0x2  }
0x2ec: {  	[tilespmem:s11+$0x1430] =	vst.add.f32.msk $0xffff, v2  }
0x2ed: {  	v2 =	vld [tilespmem:s9+$0x1440]  }
0x2ee: {  	[tilespmem:s10+$0x1430] =	vst.add.f32.msk $0xffff, v1  }
0x2ef: {  	v1 =	vld [tilespmem:s12+$0x1440];
	_ =	sdelay $0x2  }
0x2f0: {  	[tilespmem:s11+$0x1440] =	vst.add.f32.msk $0xffff, v2  }
0x2f1: {  	v2 =	vld [tilespmem:s9+$0x1450]  }
0x2f2: {  	[tilespmem:s10+$0x1440] =	vst.add.f32.msk $0xffff, v1  }
0x2f3: {  	v1 =	vld [tilespmem:s12+$0x1450];
	_ =	sdelay $0x2  }
0x2f4: {  	[tilespmem:s11+$0x1450] =	vst.add.f32.msk $0xffff, v2  }
0x2f5: {  	v2 =	vld [tilespmem:s9+$0x1460]  }
0x2f6: {  	[tilespmem:s10+$0x1450] =	vst.add.f32.msk $0xffff, v1  }
0x2f7: {  	v1 =	vld [tilespmem:s12+$0x1460];
	_ =	sdelay $0x2  }
0x2f8: {  	[tilespmem:s11+$0x1460] =	vst.add.f32.msk $0xffff, v2  }
0x2f9: {  	v2 =	vld [tilespmem:s9+$0x1470]  }
0x2fa: {  	[tilespmem:s10+$0x1460] =	vst.add.f32.msk $0xffff, v1  }
0x2fb: {  	v1 =	vld [tilespmem:s12+$0x1470];
	_ =	sdelay $0x2  }
0x2fc: {  	[tilespmem:s11+$0x1470] =	vst.add.f32.msk $0xffff, v2  }
0x2fd: {  	v2 =	vld [tilespmem:s9+$0x1800]  }
0x2fe: {  	[tilespmem:s10+$0x1470] =	vst.add.f32.msk $0xffff, v1  }
0x2ff: {  	v1 =	vld [tilespmem:s12+$0x1800];
	_ =	sdelay $0x2  }
0x300: {  	[tilespmem:s11+$0x1800] =	vst.add.f32.msk $0xffff, v2  }
0x301: {  	v2 =	vld [tilespmem:s9+$0x1810]  }
0x302: {  	[tilespmem:s10+$0x1800] =	vst.add.f32.msk $0xffff, v1  }
0x303: {  	v1 =	vld [tilespmem:s12+$0x1810];
	_ =	sdelay $0x2  }
0x304: {  	[tilespmem:s11+$0x1810] =	vst.add.f32.msk $0xffff, v2  }
0x305: {  	v2 =	vld [tilespmem:s9+$0x1820]  }
0x306: {  	[tilespmem:s10+$0x1810] =	vst.add.f32.msk $0xffff, v1  }
0x307: {  	v1 =	vld [tilespmem:s12+$0x1820];
	_ =	sdelay $0x2  }
0x308: {  	[tilespmem:s11+$0x1820] =	vst.add.f32.msk $0xffff, v2  }
0x309: {  	v2 =	vld [tilespmem:s9+$0x1830]  }
0x30a: {  	[tilespmem:s10+$0x1820] =	vst.add.f32.msk $0xffff, v1  }
0x30b: {  	v1 =	vld [tilespmem:s12+$0x1830];
	_ =	sdelay $0x2  }
0x30c: {  	[tilespmem:s11+$0x1830] =	vst.add.f32.msk $0xffff, v2  }
0x30d: {  	v2 =	vld [tilespmem:s9+$0x1840]  }
0x30e: {  	[tilespmem:s10+$0x1830] =	vst.add.f32.msk $0xffff, v1  }
0x30f: {  	v1 =	vld [tilespmem:s12+$0x1840];
	_ =	sdelay $0x2  }
0x310: {  	[tilespmem:s11+$0x1840] =	vst.add.f32.msk $0xffff, v2  }
0x311: {  	v2 =	vld [tilespmem:s9+$0x1850]  }
0x312: {  	[tilespmem:s10+$0x1840] =	vst.add.f32.msk $0xffff, v1  }
0x313: {  	v1 =	vld [tilespmem:s12+$0x1850];
	_ =	sdelay $0x2  }
0x314: {  	[tilespmem:s11+$0x1850] =	vst.add.f32.msk $0xffff, v2  }
0x315: {  	v2 =	vld [tilespmem:s9+$0x1860]  }
0x316: {  	[tilespmem:s10+$0x1850] =	vst.add.f32.msk $0xffff, v1  }
0x317: {  	v1 =	vld [tilespmem:s12+$0x1860];
	_ =	sdelay $0x2  }
0x318: {  	[tilespmem:s11+$0x1860] =	vst.add.f32.msk $0xffff, v2  }
0x319: {  	v2 =	vld [tilespmem:s9+$0x1870]  }
0x31a: {  	[tilespmem:s10+$0x1860] =	vst.add.f32.msk $0xffff, v1  }
0x31b: {  	v1 =	vld [tilespmem:s12+$0x1870];
	_ =	sdelay $0x2  }
0x31c: {  	[tilespmem:s11+$0x1870] =	vst.add.f32.msk $0xffff, v2  }
0x31d: {  	v2 =	vld [tilespmem:s9+$0x1C00]  }
0x31e: {  	[tilespmem:s10+$0x1870] =	vst.add.f32.msk $0xffff, v1  }
0x31f: {  	v1 =	vld [tilespmem:s12+$0x1C00];
	_ =	sdelay $0x2  }
0x320: {  	[tilespmem:s11+$0x1C00] =	vst.add.f32.msk $0xffff, v2  }
0x321: {  	v2 =	vld [tilespmem:s9+$0x1C10]  }
0x322: {  	[tilespmem:s10+$0x1C00] =	vst.add.f32.msk $0xffff, v1  }
0x323: {  	v1 =	vld [tilespmem:s12+$0x1C10];
	_ =	sdelay $0x2  }
0x324: {  	[tilespmem:s11+$0x1C10] =	vst.add.f32.msk $0xffff, v2  }
0x325: {  	v2 =	vld [tilespmem:s9+$0x1C20]  }
0x326: {  	[tilespmem:s10+$0x1C10] =	vst.add.f32.msk $0xffff, v1  }
0x327: {  	v1 =	vld [tilespmem:s12+$0x1C20];
	_ =	sdelay $0x2  }
0x328: {  	[tilespmem:s11+$0x1C20] =	vst.add.f32.msk $0xffff, v2  }
0x329: {  	v2 =	vld [tilespmem:s9+$0x1C30]  }
0x32a: {  	[tilespmem:s10+$0x1C20] =	vst.add.f32.msk $0xffff, v1  }
0x32b: {  	v1 =	vld [tilespmem:s12+$0x1C30];
	_ =	sdelay $0x2  }
0x32c: {  	[tilespmem:s11+$0x1C30] =	vst.add.f32.msk $0xffff, v2  }
0x32d: {  	v2 =	vld [tilespmem:s9+$0x1C40]  }
0x32e: {  	[tilespmem:s10+$0x1C30] =	vst.add.f32.msk $0xffff, v1  }
0x32f: {  	v1 =	vld [tilespmem:s12+$0x1C40];
	_ =	sdelay $0x2  }
0x330: {  	[tilespmem:s11+$0x1C40] =	vst.add.f32.msk $0xffff, v2  }
0x331: {  	v2 =	vld [tilespmem:s9+$0x1C50]  }
0x332: {  	[tilespmem:s10+$0x1C40] =	vst.add.f32.msk $0xffff, v1  }
0x333: {  	v1 =	vld [tilespmem:s12+$0x1C50];
	_ =	sdelay $0x2  }
0x334: {  	[tilespmem:s11+$0x1C50] =	vst.add.f32.msk $0xffff, v2  }
0x335: {  	v2 =	vld [tilespmem:s9+$0x1C60]  }
0x336: {  	[tilespmem:s10+$0x1C50] =	vst.add.f32.msk $0xffff, v1  }
0x337: {  	v1 =	vld [tilespmem:s12+$0x1C60]  }
0x338: {  	[tilespmem:s19+$0x1C60] =	vst.add.f32.msk $0xffff, v0  }
0x339: {  	v0 =	vld [tilespmem:s20+$0x1C70]  }
0x33a: {  	[tilespmem:s11+$0x1C60] =	vst.add.f32.msk $0xffff, v2  }
0x33b: {  	v2 =	vld [tilespmem:s9+$0x1C70]  }
0x33c: {  	[tilespmem:s10+$0x1C60] =	vst.add.f32.msk $0xffff, v1  }
0x33d: {  	v1 =	vld [tilespmem:s12+$0x1C70]  }
0x33e: {  	s7 =	sshll.u32 s17, $0xE  }
0x33f: {  	s8 =	sshll.u32 s15, $0x15;
	s2 =	sadd.s32 $0x1, s2;
	s7 =	sadd.s32 s13, s7  }
0x340: {  	p0 =	sne.s32 s2, $0x10;
	s7 =	sor.u32 s8, s7;
	[tilespmem:s19+$0x1C70] =	vst.add.f32.msk $0xffff, v0  }
.Ltmp1:
0x341: {  	s7 =	sshrl.u32 s7, $0x3;
	[tilespmem:s11+$0x1C70] =	vst.add.f32.msk $0xffff, v2;
	(pc) =	sbr.rel @p0 .LBB2_2-.Ltmp1, $4  }
0x342: {  	s25 =	sadd.s32 $0xB, s16;
	s26 =	sadd.s32 s3, s7;
	s7 =	sor.u32 $0x400, s7;
	[tilespmem:s10+$0x1C70] =	vst.add.f32.msk $0xffff, v1  }
0x343: {  	[hbm4b:s26+s4] =	stream.linear.scatter [tilespmem:s18], [sflag:s25], $0x2000, $0x38;
	[tilespmem:$0x1C000] =	vst v63  }
0x344: {  	s28 =	sadd.s32 $0x10, s16;
	s7 =	sadd.s32 s3, s7  }
0x345: {  	[hbm4b:s7+s4] =	stream.linear.scatter [tilespmem:s14], [sflag:s28], $0x2000, $0x38;
	[tilespmem:$0x1C000] =	vst v63  }
0x346: {  	s2 =	simm.s32 $0xB  }
0x347: {  	_ =	swait.ge [sflag:s2], $0x2000  }
0x348: {  	[sflag:s2] =	ssyncset.done $0x0  }
0x349: {  	s21 =	simm.s32 $0x10;
	[sflag:s2] =	ssyncadd.s32 $0xFFFFE000  }
0x34a: {  	_ =	swait.ge [sflag:s21], $0x2000  }
0x34b: {  	[sflag:s21] =	ssyncset.done $0x0  }
0x34c: {  	s22 =	simm.s32 $0xC;
	[sflag:s21] =	ssyncadd.s32 $0xFFFFE000  }
0x34d: {  	_ =	swait.ge [sflag:s22], $0x2000  }
0x34e: {  	[sflag:s22] =	ssyncset.done $0x0  }
0x34f: {  	s23 =	simm.s32 $0x11;
	[sflag:s22] =	ssyncadd.s32 $0xFFFFE000  }
0x350: {  	_ =	swait.ge [sflag:s23], $0x2000  }
0x351: {  	[sflag:s23] =	ssyncset.done $0x0  }
0x352: {  	s24 =	simm.s32 $0xD;
	[sflag:s23] =	ssyncadd.s32 $0xFFFFE000  }
0x353: {  	_ =	swait.ge [sflag:s24], $0x2000  }
0x354: {  	[sflag:s24] =	ssyncset.done $0x0  }
0x355: {  	s25 =	simm.s32 $0x12;
	[sflag:s24] =	ssyncadd.s32 $0xFFFFE000  }
0x356: {  	_ =	swait.ge [sflag:s25], $0x2000  }
0x357: {  	[sflag:s25] =	ssyncset.done $0x0  }
0x358: {  	s26 =	simm.s32 $0xE;
	[sflag:s25] =	ssyncadd.s32 $0xFFFFE000  }
0x359: {  	_ =	swait.ge [sflag:s26], $0x2000  }
0x35a: {  	[sflag:s26] =	ssyncset.done $0x0  }
0x35b: {  	[sflag:s26] =	ssyncadd.s32 $0xFFFFE000  }
0x35c: {  	_ =	swait.ge [sflag:s29], $0x2000  }
0x35d: {  	[sflag:s29] =	ssyncset.done $0x0  }
0x35e: {  	[sflag:s29] =	ssyncadd.s32 $0xFFFFE000  }
0x35f: {  	_ =	swait.ge [sflag:s30], $0x2000  }
0x360: {  	[sflag:s30] =	ssyncset.done $0x0  }
0x361: {  	[sflag:s30] =	ssyncadd.s32 $0xFFFFE000  }
0x362: {  	_ =	swait.ge [sflag:s31], $0x2000  }
0x363: {  	s0 =	sadd.s32 $0x1, s0;
	s28 =	rddreg [dreg:$0xa]  }
0x364: {  	p0 =	sne.s32 s0, s28  }
.Ltmp2:
0x365: {  	_ = 	snop;
	(pc) =	sbr.rel @p0 .LBB2_1-.Ltmp2, $3  }
0x366: {  	_ =	sdelay $0x1  }
0x367: {  	[sflag:s31] =	ssyncset.done $0x0  }
0x368: {  	[sflag:s31] =	ssyncadd.s32 $0xFFFFE000  }
0x369: {  	_ =	sfence.sel $0x180000  }
0x36a: {  	[bflag:$0x0] =	sbarrier.arrive $0xFFFF  }
0x36b: {  	_ =	strace $0x90000047  }
0x36c: {  	s0 =	stileid.u32;
	[bflag:$0x2] =	sbarrier.arrive $0xFFFF  }
0x36d: {  	p0 =	sne.s32 s0, $0x0;
	s0 =	rddreg [dreg:$0x3]  }
0x36e: {  	s0 =	sadd.s32 @!p0 $0x100000, s0  }
0x36f: {  	[sflag:s0] =	ssyncadd.tile.s32 @!p0 $0x1;
	_ =	shalt  }
.Lfunc_end2:
_tile_overlayer_lowered:
.L_overlay_start_2:
0x370: {  	(tag) =	ssettag $0x2  }
0x371: {  	s0 =	rddreg [dreg:$0x0];
	s2 =	stileid.u32  }
0x372: {  	s1 =	rddreg [dreg:$0x1];
	p0 =	sne.s32 s2, $0x0  }
0x373: {  	s3 =	rddreg [dreg:$0x2];
	[bflag:$0x3] =	sbarrier.arrive $0xFFFF;
	s2 =	simm.s32 @!p0 $0x1C17  }
0x374: {  	[timem:s3], [sflag:s2] =	dma.local @!p0 [hbm:s0], s1  }
0x375: {  	s0 =	simm.s32 @!p0 $0x17  }
0x376: {  	_ =	swait.ge @!p0 [sflag:s0], s1  }
0x377: {  	s1 =	ssub.s32 @!p0 $0x0, s1;
	[sflag:s0] =	ssyncset.done @!p0 $0x0  }
0x378: {  	[sflag:s0] =	ssyncadd.s32 @!p0 s1  }
0x379: {  	[bflag:$0x3] =	sbarrier.arrive $0xFFFF  }
0x37a: {  	_ =	shalt  }

</sc_bundles>
